<compile_context>
chip_gen: v7x
topology: tpu7x:2x2x1
jax: 0.10.2.dev20260603
libtpu: 0.0.44.dev20260713+nightly
codegen_flags: <defaults>
</compile_context>

<pallas_src>
import functools
import math

import jax
import jax.numpy as jnp
from jax import lax
from jax.experimental import pallas as pl
from jax.experimental.pallas import tpu as pltpu
from jax.experimental.pallas import tpu_sc as plsc

VOCAB = 100000
D_TOK = 56
D_TYPE = 8
D_MODEL = 64
ROW_BLOCK = 10000
N_BLOCKS = VOCAB // ROW_BLOCK


def _table_body(tok_ref, type_ref, gamma_ref, beta_ref, out_ref):
    i = pl.program_id(0)
    t = (i >= 5).astype(jnp.int32) + (i >= 6).astype(jnp.int32) + (i >= 8).astype(jnp.int32)
    typ = type_ref[...]
    row = jnp.zeros((1, D_TYPE), jnp.float32)
    for k in range(4):
        row = jnp.where(t == k, typ[k : k + 1, :], row)
    combined = jnp.concatenate(
        [tok_ref[...], jnp.broadcast_to(row, (ROW_BLOCK, D_TYPE))], axis=-1
    )
    mean = jnp.mean(combined, axis=-1, keepdims=True)
    var = jnp.mean((combined - mean) ** 2, axis=-1, keepdims=True)
    rstd = lax.rsqrt(var + 1e-5)
    out_ref[...] = ((combined - mean) * rstd * gamma_ref[...] + beta_ref[...]) * math.sqrt(
        float(D_MODEL)
    )


def _build_table(token_table, type_table, ln_gamma, ln_beta):
    return pl.pallas_call(
        _table_body,
        grid=(N_BLOCKS,),
        in_specs=[
            pl.BlockSpec((ROW_BLOCK, D_TOK), lambda i: (i, 0)),
            pl.BlockSpec((4, D_TYPE), lambda i: (0, 0)),
            pl.BlockSpec((1, D_MODEL), lambda i: (0, 0)),
            pl.BlockSpec((1, D_MODEL), lambda i: (0, 0)),
        ],
        out_specs=pl.BlockSpec((ROW_BLOCK, D_MODEL), lambda i: (i, 0)),
        out_shape=jax.ShapeDtypeStruct((VOCAB, D_MODEL), jnp.float32),
    )(token_table, type_table, ln_gamma.reshape(1, D_MODEL), ln_beta.reshape(1, D_MODEL))


_NC = 2
_NS = 16
_NW = _NC * _NS
_L = 16
_BSTRIPE = 128
_SC = 2


def _sc_gather_t(table, xT, B, S):
    n_chunks = S // _SC

    mesh = plsc.VectorSubcoreMesh(core_axis_name="c", subcore_axis_name="s")

    @functools.partial(
        pl.kernel,
        mesh=mesh,
        out_type=jax.ShapeDtypeStruct(
            (S, D_MODEL // 8, B // _BSTRIPE, 8, _BSTRIPE), jnp.float32
        ),
        compiler_params=pltpu.CompilerParams(
            use_tc_tiling_on_sc=False, needs_layout_passes=False
        ),
        scratch_types=[
            pltpu.VMEM((S, _BSTRIPE), jnp.int32),
            pltpu.VMEM((3, _SC, _BSTRIPE, D_MODEL), jnp.float32),
            pltpu.VMEM((2, _SC, D_MODEL // 8, 8, _BSTRIPE), jnp.float32),
            pltpu.SemaphoreType.DMA((3,)),
            pltpu.SemaphoreType.DMA((2,)),
        ],
    )
    def k(table_hbm, xT_hbm, out_hbm, idx_v, rows_v, tbuf_v, gsem, wsem):
        wid = lax.axis_index("s") * _NC + lax.axis_index("c")
        b0 = wid * _BSTRIPE
        pltpu.sync_copy(xT_hbm.at[:, pl.ds(b0, _BSTRIPE)], idx_v)

        iota = lax.iota(jnp.int32, _L)
        xor_idx = [iota ^ m for m in (1, 2, 4, 8)]
        xor_msk = [(iota & m) != 0 for m in (1, 2, 4, 8)]

        def fire(ch, buf):
            for i in range(_SC):
                pltpu.async_copy(
                    table_hbm.at[idx_v.at[_SC * ch + i]],
                    rows_v.at[buf, i],
                    gsem.at[buf],
                )

        fire(0, 0)
        fire(1, 1)

        def body(t, carry):
            for sub in range(2):
                ch = 2 * t + sub
                buf = lax.rem(ch, 3)
                tb = sub
                for i in range(_SC):
                    pltpu.make_async_copy(
                        table_hbm.at[idx_v.at[0]], rows_v.at[buf, i], gsem.at[buf]
                    ).wait()

                @pl.when(ch + 2 < n_chunks)
                def _():
                    fire(ch + 2, lax.rem(ch + 2, 3))

                @pl.when(ch >= 2)
                def _():
                    pltpu.make_async_copy(
                        out_hbm.at[pl.ds(0, _SC), :, 0],
                        tbuf_v.at[tb],
                        wsem.at[tb],
                    ).wait()

                n_tiles = (_BSTRIPE // _L) * _SC * (D_MODEL // _L)

                @plsc.parallel_loop(0, n_tiles, unroll=2)
                def tile_body(tt):
                    kk = tt >> 3
                    i = (tt >> 2) & 1
                    c = tt & 3
                    r0 = 16 * kk
                    c0 = 16 * c
                    x = [
                        rows_v[buf, i, r0 + r, pl.ds(c0, _L)] for r in range(_L)
                    ]
                    for si, m in enumerate((1, 2, 4, 8)):
                        idxm, mskm = xor_idx[si], xor_msk[si]
                        for r in range(_L):
                            if r & m == 0:
                                p = r | m
                                a, b = x[r], x[p]
                                u = jnp.where(mskm, a, b)
                                ush = u.at[idxm].get(mode="promise_in_bounds")
                                x[r] = jnp.where(mskm, ush, a)
                                x[p] = jnp.where(mskm, b, ush)
                    for q in range(_L):
                        d = c0 + q
                        tbuf_v[tb, i, d >> 3, d & 7, pl.ds(r0, _L)] = x[q]

                pltpu.async_copy(
                    tbuf_v.at[tb],
                    out_hbm.at[pl.ds(_SC * ch, _SC), :, wid],
                    wsem.at[tb],
                )
            return carry

        lax.fori_loop(0, n_chunks // 2, body, 0)

        for buf in range(2):
            pltpu.make_async_copy(
                out_hbm.at[pl.ds(0, _SC), :, 0],
                tbuf_v.at[buf],
                wsem.at[buf],
            ).wait()

    return k(table, xT)


def kernel(x, token_table, type_table, ln_gamma, ln_beta):
    b, s = x.shape
    table = _build_table(token_table, type_table, ln_gamma, ln_beta)
    xT = jnp.transpose(x.astype(jnp.int32))
    out5 = _sc_gather_t(table, xT, b, s)
    return jnp.transpose(out5, (2, 4, 0, 1, 3)).reshape(b, s, D_MODEL)

# --- scband reference (transcript-rebuilt; emitter-appended) ---
"""Pipeline reference for scband-musical-embedding-33715493274183 (READ-ONLY COPY).

The authoritative reference and input builder live on the scoring server;
editing this copy changes nothing except your own understanding.
"""

import jax, jax.numpy as jnp
import numpy as np
import math

VOCAB = 100000
D_MODEL = 64
N_TYPES = 4
TYPE_RANGES = [(0, 50000), (50000, 60000), (60000, 80000), (80000, 100000)]


def setup_inputs(seed: int = 0) -> dict:
    key = jax.random.key(seed)
    k1, k2, k3 = jax.random.split(key, 3)
    x = jax.random.randint(k1, (4096, 200), 0, VOCAB)
    token_table = jax.random.normal(k2, (VOCAB, D_MODEL - 8), dtype=jnp.float32) * math.sqrt(2.0 / (D_MODEL - 8))
    type_table = jax.random.normal(k3, (N_TYPES, 8), dtype=jnp.float32) * math.sqrt(2.0 / 8)
    ln_gamma = jnp.ones((D_MODEL,), dtype=jnp.float32)
    ln_beta = jnp.zeros((D_MODEL,), dtype=jnp.float32)
    return {"x": x, "token_table": token_table, "type_table": type_table, "ln_gamma": ln_gamma, "ln_beta": ln_beta}


def _token_type_indices(x):
    # vectorized equivalent of the per-token _get_token_type loop
    type_idx = jnp.zeros_like(x)
    for i, (start, end) in enumerate(TYPE_RANGES):
        type_idx = jnp.where((x >= start) & (x < end), i, type_idx)
    return type_idx


def reference(x, token_table, type_table, ln_gamma, ln_beta):
    token_emb = jnp.take(token_table, x, axis=0)                # [B, S, d_model-8] gather
    type_idx = _token_type_indices(x)
    type_emb = jnp.take(type_table, type_idx, axis=0)           # [B, S, 8] gather
    combined = jnp.concatenate([token_emb, type_emb], axis=-1)  # [B, S, d_model]
    mean = jnp.mean(combined, axis=-1, keepdims=True)
    var = jnp.var(combined, axis=-1, keepdims=True)
    normed = (combined - mean) / jnp.sqrt(var + 1e-5)
    out = normed * ln_gamma + ln_beta
    # dropout is identity in eval mode
    return out * math.sqrt(D_MODEL)

if __name__ == "__main__":
    import jax
    _d = setup_inputs()
    print(jax.jit(kernel)(*tuple(_d.values())))

</pallas_src>

<mosaic_0001>
#map = affine_map<(d0, d1) -> (0, 0)>
#map1 = affine_map<(d0, d1) -> (0, 0, 0, 0, 0)>
module attributes {stable_mosaic.version = 14 : i64} {
  func.func @k(%arg0: i32, %arg1: i32, %arg2: memref<100000x64xf32, #tpu.memory_space<hbm>>, %arg3: memref<200x4096xi32, #tpu.memory_space<hbm>>, %arg4: memref<200x8x32x8x128xf32, #tpu.memory_space<hbm>>, %arg5: memref<200x128xi32, #tpu.memory_space<vmem>>, %arg6: memref<3x2x128x64xf32, #tpu.memory_space<vmem>>, %arg7: memref<2x2x8x8x128xf32, #tpu.memory_space<vmem>>, %arg8: memref<3x!tpu.dma_semaphore, #tpu.memory_space<semaphore_mem>>, %arg9: memref<2x!tpu.dma_semaphore, #tpu.memory_space<semaphore_mem>>) attributes {dimension_semantics = [#tpu.dimension_semantics<core_parallel>, #tpu.dimension_semantics<subcore_parallel>], iteration_bounds = array<i64: 2, 16>, scalar_prefetch = 0 : i64, scratch_operands = 5 : i64, tpu.core_type = #tpu.core_type<sc_vector_subcore>, window_params = [{transform_indices = #map}, {transform_indices = #map}, {transform_indices = #map1}]} {
    %mul3A = arith.constant 2 : i32
    %mul3A_0 = arith.muli %arg1, %mul3A : i32
    %add3A = arith.addi %mul3A_0, %arg0 : i32
    %mul3A_1 = arith.constant 128 : i32
    %mul3A_2 = arith.muli %add3A, %mul3A_1 : i32
    "tpu.region"() ({
      %run_scoped3A = tpu.sem_alloc : memref<!tpu.dma_semaphore, #tpu.memory_space<semaphore_mem>>
      %dma_start3A_161 = arith.constant 0 : i32
      %dma_start3A_162 = tpu.memref_slice %arg3[%dma_start3A_161, %mul3A_2] : memref<200x4096xi32, #tpu.memory_space<hbm>> -> memref<200x128xi32, #tpu.memory_space<hbm>>
      %dma_start3A_163 = arith.constant 0 : i32
      %dma_start3A_164 = tpu.memref_slice %arg3[%dma_start3A_163, %mul3A_2] : memref<200x4096xi32, #tpu.memory_space<hbm>> -> memref<200x128xi32, #tpu.memory_space<hbm>>
      tpu.enqueue_dma source(%dma_start3A_164 : memref<200x128xi32, #tpu.memory_space<hbm>>) target(%arg5 : memref<200x128xi32, #tpu.memory_space<vmem>>) target_semaphore(%run_scoped3A : memref<!tpu.dma_semaphore, #tpu.memory_space<semaphore_mem>>)
      %dma_wait3A_165 = arith.constant 0 : i32
      %dma_wait3A_166 = tpu.memref_slice %arg3[%dma_wait3A_165, %mul3A_2] : memref<200x4096xi32, #tpu.memory_space<hbm>> -> memref<200x128xi32, #tpu.memory_space<hbm>>
      %dma_wait3A_167 = arith.constant 0 : i32
      %dma_wait3A_168 = tpu.memref_slice %arg3[%dma_wait3A_167, %mul3A_2] : memref<200x4096xi32, #tpu.memory_space<hbm>> -> memref<200x128xi32, #tpu.memory_space<hbm>>
      tpu.wait_dma2 semaphore(%run_scoped3A : memref<!tpu.dma_semaphore, #tpu.memory_space<semaphore_mem>>) src(%dma_wait3A_168 : memref<200x128xi32, #tpu.memory_space<hbm>>) dst(%arg5 : memref<200x128xi32, #tpu.memory_space<vmem>>)
      tpu.yield
    }) : () -> ()
    %iota3A = tpu.iota {dimensions = array<i32: 0>} : vector<16xi32>
    %xor3A = arith.constant 1 : i32
    %xor3A_3 = vector.broadcast %xor3A : i32 to vector<16xi32>
    %xor3A_4 = arith.xori %iota3A, %xor3A_3 : vector<16xi32>
    %xor3A_5 = arith.constant 2 : i32
    %xor3A_6 = vector.broadcast %xor3A_5 : i32 to vector<16xi32>
    %xor3A_7 = arith.xori %iota3A, %xor3A_6 : vector<16xi32>
    %xor3A_8 = arith.constant 4 : i32
    %xor3A_9 = vector.broadcast %xor3A_8 : i32 to vector<16xi32>
    %xor3A_10 = arith.xori %iota3A, %xor3A_9 : vector<16xi32>
    %xor3A_11 = arith.constant 8 : i32
    %xor3A_12 = vector.broadcast %xor3A_11 : i32 to vector<16xi32>
    %xor3A_13 = arith.xori %iota3A, %xor3A_12 : vector<16xi32>
    %and3A = arith.constant 1 : i32
    %and3A_14 = vector.broadcast %and3A : i32 to vector<16xi32>
    %and3A_15 = arith.andi %iota3A, %and3A_14 : vector<16xi32>
    %ne3A = arith.constant 0 : i32
    %ne3A_16 = vector.broadcast %ne3A : i32 to vector<16xi32>
    %ne3A_17 = arith.cmpi ne, %and3A_15, %ne3A_16 : vector<16xi32>
    %and3A_18 = arith.constant 2 : i32
    %and3A_19 = vector.broadcast %and3A_18 : i32 to vector<16xi32>
    %and3A_20 = arith.andi %iota3A, %and3A_19 : vector<16xi32>
    %ne3A_21 = arith.constant 0 : i32
    %ne3A_22 = vector.broadcast %ne3A_21 : i32 to vector<16xi32>
    %ne3A_23 = arith.cmpi ne, %and3A_20, %ne3A_22 : vector<16xi32>
    %and3A_24 = arith.constant 4 : i32
    %and3A_25 = vector.broadcast %and3A_24 : i32 to vector<16xi32>
    %and3A_26 = arith.andi %iota3A, %and3A_25 : vector<16xi32>
    %ne3A_27 = arith.constant 0 : i32
    %ne3A_28 = vector.broadcast %ne3A_27 : i32 to vector<16xi32>
    %ne3A_29 = arith.cmpi ne, %and3A_26, %ne3A_28 : vector<16xi32>
    %and3A_30 = arith.constant 8 : i32
    %and3A_31 = vector.broadcast %and3A_30 : i32 to vector<16xi32>
    %and3A_32 = arith.andi %iota3A, %and3A_31 : vector<16xi32>
    %ne3A_33 = arith.constant 0 : i32
    %ne3A_34 = vector.broadcast %ne3A_33 : i32 to vector<16xi32>
    %ne3A_35 = arith.cmpi ne, %and3A_32, %ne3A_34 : vector<16xi32>
    %dma_start3A = arith.constant 0 : i32
    %dma_start3A_36 = arith.constant 0 : i32
    %dma_start3A_37 = arith.constant 0 : i32
    %dma_start3A_38 = arith.constant 0 : i32
    %dma_start3A_39 = arith.constant 0 : i32
    %dma_start3A_40 = arith.constant 0 : i32
    %dma_start3A_41 = tpu.memref_slice %arg6[%dma_start3A_36, %dma_start3A_37, %dma_start3A_39, %dma_start3A_40] : memref<3x2x128x64xf32, #tpu.memory_space<vmem>> -> memref<1x1x128x64xf32, #tpu.memory_space<vmem>>
    %dma_start3A_42 = tpu.memref_squeeze %dma_start3A_41 : memref<1x1x128x64xf32, #tpu.memory_space<vmem>> -> memref<128x64xf32, #tpu.memory_space<vmem>>
    %dma_start3A_43 = arith.constant 0 : i32
    %dma_start3A_44 = tpu.memref_slice %arg5[%dma_start3A, %dma_start3A_43] : memref<200x128xi32, #tpu.memory_space<vmem>> -> memref<1x128xi32, #tpu.memory_space<vmem>>
    %dma_start3A_45 = tpu.memref_squeeze %dma_start3A_44 : memref<1x128xi32, #tpu.memory_space<vmem>> -> memref<128xi32, #tpu.memory_space<vmem>>
    %dma_start3A_46 = arith.constant 0 : i32
    %dma_start3A_47 = arith.constant 0 : i32
    %dma_start3A_48 = tpu.memref_slice %arg2[%dma_start3A_46, %dma_start3A_47] : memref<100000x64xf32, #tpu.memory_space<hbm>> -> memref<100000x64xf32, #tpu.memory_space<hbm>>
    %dma_start3A_49 = tpu.memref_slice %arg8[%dma_start3A_38] : memref<3x!tpu.dma_semaphore, #tpu.memory_space<semaphore_mem>> -> memref<1x!tpu.dma_semaphore, #tpu.memory_space<semaphore_mem>>
    %dma_start3A_50 = tpu.memref_squeeze %dma_start3A_49 : memref<1x!tpu.dma_semaphore, #tpu.memory_space<semaphore_mem>> -> memref<!tpu.dma_semaphore, #tpu.memory_space<semaphore_mem>>
    tpu.enqueue_indirect_dma source(%dma_start3A_48 : memref<100000x64xf32, #tpu.memory_space<hbm>>) target(%dma_start3A_42 : memref<128x64xf32, #tpu.memory_space<vmem>>) offsets(%dma_start3A_45 : memref<128xi32, #tpu.memory_space<vmem>>) semaphore(%dma_start3A_50 : memref<!tpu.dma_semaphore, #tpu.memory_space<semaphore_mem>>)
    %dma_start3A_51 = arith.constant 1 : i32
    %dma_start3A_52 = arith.constant 0 : i32
    %dma_start3A_53 = arith.constant 1 : i32
    %dma_start3A_54 = arith.constant 0 : i32
    %dma_start3A_55 = arith.constant 0 : i32
    %dma_start3A_56 = arith.constant 0 : i32
    %dma_start3A_57 = tpu.memref_slice %arg6[%dma_start3A_52, %dma_start3A_53, %dma_start3A_55, %dma_start3A_56] : memref<3x2x128x64xf32, #tpu.memory_space<vmem>> -> memref<1x1x128x64xf32, #tpu.memory_space<vmem>>
    %dma_start3A_58 = tpu.memref_squeeze %dma_start3A_57 : memref<1x1x128x64xf32, #tpu.memory_space<vmem>> -> memref<128x64xf32, #tpu.memory_space<vmem>>
    %dma_start3A_59 = arith.constant 0 : i32
    %dma_start3A_60 = tpu.memref_slice %arg5[%dma_start3A_51, %dma_start3A_59] : memref<200x128xi32, #tpu.memory_space<vmem>> -> memref<1x128xi32, #tpu.memory_space<vmem>>
    %dma_start3A_61 = tpu.memref_squeeze %dma_start3A_60 : memref<1x128xi32, #tpu.memory_space<vmem>> -> memref<128xi32, #tpu.memory_space<vmem>>
    %dma_start3A_62 = arith.constant 0 : i32
    %dma_start3A_63 = arith.constant 0 : i32
    %dma_start3A_64 = tpu.memref_slice %arg2[%dma_start3A_62, %dma_start3A_63] : memref<100000x64xf32, #tpu.memory_space<hbm>> -> memref<100000x64xf32, #tpu.memory_space<hbm>>
    %dma_start3A_65 = tpu.memref_slice %arg8[%dma_start3A_54] : memref<3x!tpu.dma_semaphore, #tpu.memory_space<semaphore_mem>> -> memref<1x!tpu.dma_semaphore, #tpu.memory_space<semaphore_mem>>
    %dma_start3A_66 = tpu.memref_squeeze %dma_start3A_65 : memref<1x!tpu.dma_semaphore, #tpu.memory_space<semaphore_mem>> -> memref<!tpu.dma_semaphore, #tpu.memory_space<semaphore_mem>>
    tpu.enqueue_indirect_dma source(%dma_start3A_64 : memref<100000x64xf32, #tpu.memory_space<hbm>>) target(%dma_start3A_58 : memref<128x64xf32, #tpu.memory_space<vmem>>) offsets(%dma_start3A_61 : memref<128xi32, #tpu.memory_space<vmem>>) semaphore(%dma_start3A_66 : memref<!tpu.dma_semaphore, #tpu.memory_space<semaphore_mem>>)
    %dma_start3A_67 = arith.constant 2 : i32
    %dma_start3A_68 = arith.constant 1 : i32
    %dma_start3A_69 = arith.constant 0 : i32
    %dma_start3A_70 = arith.constant 1 : i32
    %dma_start3A_71 = arith.constant 0 : i32
    %dma_start3A_72 = arith.constant 0 : i32
    %dma_start3A_73 = tpu.memref_slice %arg6[%dma_start3A_68, %dma_start3A_69, %dma_start3A_71, %dma_start3A_72] : memref<3x2x128x64xf32, #tpu.memory_space<vmem>> -> memref<1x1x128x64xf32, #tpu.memory_space<vmem>>
    %dma_start3A_74 = tpu.memref_squeeze %dma_start3A_73 : memref<1x1x128x64xf32, #tpu.memory_space<vmem>> -> memref<128x64xf32, #tpu.memory_space<vmem>>
    %dma_start3A_75 = arith.constant 0 : i32
    %dma_start3A_76 = tpu.memref_slice %arg5[%dma_start3A_67, %dma_start3A_75] : memref<200x128xi32, #tpu.memory_space<vmem>> -> memref<1x128xi32, #tpu.memory_space<vmem>>
    %dma_start3A_77 = tpu.memref_squeeze %dma_start3A_76 : memref<1x128xi32, #tpu.memory_space<vmem>> -> memref<128xi32, #tpu.memory_space<vmem>>
    %dma_start3A_78 = arith.constant 0 : i32
    %dma_start3A_79 = arith.constant 0 : i32
    %dma_start3A_80 = tpu.memref_slice %arg2[%dma_start3A_78, %dma_start3A_79] : memref<100000x64xf32, #tpu.memory_space<hbm>> -> memref<100000x64xf32, #tpu.memory_space<hbm>>
    %dma_start3A_81 = tpu.memref_slice %arg8[%dma_start3A_70] : memref<3x!tpu.dma_semaphore, #tpu.memory_space<semaphore_mem>> -> memref<1x!tpu.dma_semaphore, #tpu.memory_space<semaphore_mem>>
    %dma_start3A_82 = tpu.memref_squeeze %dma_start3A_81 : memref<1x!tpu.dma_semaphore, #tpu.memory_space<semaphore_mem>> -> memref<!tpu.dma_semaphore, #tpu.memory_space<semaphore_mem>>
    tpu.enqueue_indirect_dma source(%dma_start3A_80 : memref<100000x64xf32, #tpu.memory_space<hbm>>) target(%dma_start3A_74 : memref<128x64xf32, #tpu.memory_space<vmem>>) offsets(%dma_start3A_77 : memref<128xi32, #tpu.memory_space<vmem>>) semaphore(%dma_start3A_82 : memref<!tpu.dma_semaphore, #tpu.memory_space<semaphore_mem>>)
    %dma_start3A_83 = arith.constant 3 : i32
    %dma_start3A_84 = arith.constant 1 : i32
    %dma_start3A_85 = arith.constant 1 : i32
    %dma_start3A_86 = arith.constant 1 : i32
    %dma_start3A_87 = arith.constant 0 : i32
    %dma_start3A_88 = arith.constant 0 : i32
    %dma_start3A_89 = tpu.memref_slice %arg6[%dma_start3A_84, %dma_start3A_85, %dma_start3A_87, %dma_start3A_88] : memref<3x2x128x64xf32, #tpu.memory_space<vmem>> -> memref<1x1x128x64xf32, #tpu.memory_space<vmem>>
    %dma_start3A_90 = tpu.memref_squeeze %dma_start3A_89 : memref<1x1x128x64xf32, #tpu.memory_space<vmem>> -> memref<128x64xf32, #tpu.memory_space<vmem>>
    %dma_start3A_91 = arith.constant 0 : i32
    %dma_start3A_92 = tpu.memref_slice %arg5[%dma_start3A_83, %dma_start3A_91] : memref<200x128xi32, #tpu.memory_space<vmem>> -> memref<1x128xi32, #tpu.memory_space<vmem>>
    %dma_start3A_93 = tpu.memref_squeeze %dma_start3A_92 : memref<1x128xi32, #tpu.memory_space<vmem>> -> memref<128xi32, #tpu.memory_space<vmem>>
    %dma_start3A_94 = arith.constant 0 : i32
    %dma_start3A_95 = arith.constant 0 : i32
    %dma_start3A_96 = tpu.memref_slice %arg2[%dma_start3A_94, %dma_start3A_95] : memref<100000x64xf32, #tpu.memory_space<hbm>> -> memref<100000x64xf32, #tpu.memory_space<hbm>>
    %dma_start3A_97 = tpu.memref_slice %arg8[%dma_start3A_86] : memref<3x!tpu.dma_semaphore, #tpu.memory_space<semaphore_mem>> -> memref<1x!tpu.dma_semaphore, #tpu.memory_space<semaphore_mem>>
    %dma_start3A_98 = tpu.memref_squeeze %dma_start3A_97 : memref<1x!tpu.dma_semaphore, #tpu.memory_space<semaphore_mem>> -> memref<!tpu.dma_semaphore, #tpu.memory_space<semaphore_mem>>
    tpu.enqueue_indirect_dma source(%dma_start3A_96 : memref<100000x64xf32, #tpu.memory_space<hbm>>) target(%dma_start3A_90 : memref<128x64xf32, #tpu.memory_space<vmem>>) offsets(%dma_start3A_93 : memref<128xi32, #tpu.memory_space<vmem>>) semaphore(%dma_start3A_98 : memref<!tpu.dma_semaphore, #tpu.memory_space<semaphore_mem>>)
    %scan3A = arith.constant 0 : i32
    %scan3A_99 = arith.constant 0 : i32
    %scan3A_100 = arith.constant 50 : i32
    %scan3A_101 = arith.addi %scan3A_99, %scan3A_100 : i32
    %scan3A_102 = arith.constant 1 : i32
    scf.for %scan3A_161 = %scan3A_99 to %scan3A_101 step %scan3A_102  : i32 {
      %mul3A_162 = arith.constant 2 : i32
      %mul3A_163 = arith.muli %mul3A_162, %scan3A_161 : i32
      %add3A_164 = arith.constant 0 : i32
      %add3A_165 = arith.addi %mul3A_163, %add3A_164 : i32
      %rem3A = arith.constant 3 : i32
      %rem3A_166 = arith.remsi %add3A_165, %rem3A : i32
      %dma_wait3A_167 = arith.constant 0 : i32
      %dma_wait3A_168 = arith.constant 0 : i32
      %dma_wait3A_169 = arith.constant 0 : i32
      %dma_wait3A_170 = arith.constant 0 : i32
      %dma_wait3A_171 = tpu.memref_slice %arg6[%rem3A_166, %dma_wait3A_168, %dma_wait3A_169, %dma_wait3A_170] : memref<3x2x128x64xf32, #tpu.memory_space<vmem>> -> memref<1x1x128x64xf32, #tpu.memory_space<vmem>>
      %dma_wait3A_172 = tpu.memref_squeeze %dma_wait3A_171 : memref<1x1x128x64xf32, #tpu.memory_space<vmem>> -> memref<128x64xf32, #tpu.memory_space<vmem>>
      %dma_wait3A_173 = arith.constant 0 : i32
      %dma_wait3A_174 = tpu.memref_slice %arg5[%dma_wait3A_167, %dma_wait3A_173] : memref<200x128xi32, #tpu.memory_space<vmem>> -> memref<1x128xi32, #tpu.memory_space<vmem>>
      %dma_wait3A_175 = tpu.memref_squeeze %dma_wait3A_174 : memref<1x128xi32, #tpu.memory_space<vmem>> -> memref<128xi32, #tpu.memory_space<vmem>>
      %dma_wait3A_176 = arith.constant 0 : i32
      %dma_wait3A_177 = arith.constant 0 : i32
      %dma_wait3A_178 = tpu.memref_slice %arg2[%dma_wait3A_176, %dma_wait3A_177] : memref<100000x64xf32, #tpu.memory_space<hbm>> -> memref<100000x64xf32, #tpu.memory_space<hbm>>
      %dma_wait3A_179 = tpu.memref_slice %arg8[%rem3A_166] : memref<3x!tpu.dma_semaphore, #tpu.memory_space<semaphore_mem>> -> memref<1x!tpu.dma_semaphore, #tpu.memory_space<semaphore_mem>>
      %dma_wait3A_180 = tpu.memref_squeeze %dma_wait3A_179 : memref<1x!tpu.dma_semaphore, #tpu.memory_space<semaphore_mem>> -> memref<!tpu.dma_semaphore, #tpu.memory_space<semaphore_mem>>
      tpu.wait_indirect_dma semaphore(%dma_wait3A_180 : memref<!tpu.dma_semaphore, #tpu.memory_space<semaphore_mem>>) src(%dma_wait3A_178 : memref<100000x64xf32, #tpu.memory_space<hbm>>) dst(%dma_wait3A_172 : memref<128x64xf32, #tpu.memory_space<vmem>>)
      %dma_wait3A_181 = arith.constant 0 : i32
      %dma_wait3A_182 = arith.constant 1 : i32
      %dma_wait3A_183 = arith.constant 0 : i32
      %dma_wait3A_184 = arith.constant 0 : i32
      %dma_wait3A_185 = tpu.memref_slice %arg6[%rem3A_166, %dma_wait3A_182, %dma_wait3A_183, %dma_wait3A_184] : memref<3x2x128x64xf32, #tpu.memory_space<vmem>> -> memref<1x1x128x64xf32, #tpu.memory_space<vmem>>
      %dma_wait3A_186 = tpu.memref_squeeze %dma_wait3A_185 : memref<1x1x128x64xf32, #tpu.memory_space<vmem>> -> memref<128x64xf32, #tpu.memory_space<vmem>>
      %dma_wait3A_187 = arith.constant 0 : i32
      %dma_wait3A_188 = tpu.memref_slice %arg5[%dma_wait3A_181, %dma_wait3A_187] : memref<200x128xi32, #tpu.memory_space<vmem>> -> memref<1x128xi32, #tpu.memory_space<vmem>>
      %dma_wait3A_189 = tpu.memref_squeeze %dma_wait3A_188 : memref<1x128xi32, #tpu.memory_space<vmem>> -> memref<128xi32, #tpu.memory_space<vmem>>
      %dma_wait3A_190 = arith.constant 0 : i32
      %dma_wait3A_191 = arith.constant 0 : i32
      %dma_wait3A_192 = tpu.memref_slice %arg2[%dma_wait3A_190, %dma_wait3A_191] : memref<100000x64xf32, #tpu.memory_space<hbm>> -> memref<100000x64xf32, #tpu.memory_space<hbm>>
      %dma_wait3A_193 = tpu.memref_slice %arg8[%rem3A_166] : memref<3x!tpu.dma_semaphore, #tpu.memory_space<semaphore_mem>> -> memref<1x!tpu.dma_semaphore, #tpu.memory_space<semaphore_mem>>
      %dma_wait3A_194 = tpu.memref_squeeze %dma_wait3A_193 : memref<1x!tpu.dma_semaphore, #tpu.memory_space<semaphore_mem>> -> memref<!tpu.dma_semaphore, #tpu.memory_space<semaphore_mem>>
      tpu.wait_indirect_dma semaphore(%dma_wait3A_194 : memref<!tpu.dma_semaphore, #tpu.memory_space<semaphore_mem>>) src(%dma_wait3A_192 : memref<100000x64xf32, #tpu.memory_space<hbm>>) dst(%dma_wait3A_186 : memref<128x64xf32, #tpu.memory_space<vmem>>)
      %add3A_195 = arith.constant 2 : i32
      %add3A_196 = arith.addi %add3A_165, %add3A_195 : i32
      %lt3A = arith.constant 100 : i32
      %lt3A_197 = arith.cmpi slt, %add3A_196, %lt3A : i32
      %convert_element_type3A = arith.extui %lt3A_197 : i1 to i32
      %cond3A = arith.constant 0 : i32
      %cond3A_198 = arith.cmpi ne, %convert_element_type3A, %cond3A : i32
      scf.if %cond3A_198 {
        %add3A_310 = arith.constant 2 : i32
        %add3A_311 = arith.addi %add3A_165, %add3A_310 : i32
        %add3A_312 = arith.constant 2 : i32
        %add3A_313 = arith.addi %add3A_165, %add3A_312 : i32
        %rem3A_314 = arith.constant 3 : i32
        %rem3A_315 = arith.remsi %add3A_313, %rem3A_314 : i32
        %mul3A_316 = arith.constant 2 : i32
        %mul3A_317 = arith.muli %mul3A_316, %add3A_311 : i32
        %add3A_318 = arith.constant 0 : i32
        %add3A_319 = arith.addi %mul3A_317, %add3A_318 : i32
        %dma_start3A_320 = arith.constant 0 : i32
        %dma_start3A_321 = arith.constant 0 : i32
        %dma_start3A_322 = arith.constant 0 : i32
        %dma_start3A_323 = tpu.memref_slice %arg6[%rem3A_315, %dma_start3A_320, %dma_start3A_321, %dma_start3A_322] : memref<3x2x128x64xf32, #tpu.memory_space<vmem>> -> memref<1x1x128x64xf32, #tpu.memory_space<vmem>>
        %dma_start3A_324 = tpu.memref_squeeze %dma_start3A_323 : memref<1x1x128x64xf32, #tpu.memory_space<vmem>> -> memref<128x64xf32, #tpu.memory_space<vmem>>
        %dma_start3A_325 = arith.constant 0 : i32
        %dma_start3A_326 = tpu.memref_slice %arg5[%add3A_319, %dma_start3A_325] : memref<200x128xi32, #tpu.memory_space<vmem>> -> memref<1x128xi32, #tpu.memory_space<vmem>>
        %dma_start3A_327 = tpu.memref_squeeze %dma_start3A_326 : memref<1x128xi32, #tpu.memory_space<vmem>> -> memref<128xi32, #tpu.memory_space<vmem>>
        %dma_start3A_328 = arith.constant 0 : i32
        %dma_start3A_329 = arith.constant 0 : i32
        %dma_start3A_330 = tpu.memref_slice %arg2[%dma_start3A_328, %dma_start3A_329] : memref<100000x64xf32, #tpu.memory_space<hbm>> -> memref<100000x64xf32, #tpu.memory_space<hbm>>
        %dma_start3A_331 = tpu.memref_slice %arg8[%rem3A_315] : memref<3x!tpu.dma_semaphore, #tpu.memory_space<semaphore_mem>> -> memref<1x!tpu.dma_semaphore, #tpu.memory_space<semaphore_mem>>
        %dma_start3A_332 = tpu.memref_squeeze %dma_start3A_331 : memref<1x!tpu.dma_semaphore, #tpu.memory_space<semaphore_mem>> -> memref<!tpu.dma_semaphore, #tpu.memory_space<semaphore_mem>>
        tpu.enqueue_indirect_dma source(%dma_start3A_330 : memref<100000x64xf32, #tpu.memory_space<hbm>>) target(%dma_start3A_324 : memref<128x64xf32, #tpu.memory_space<vmem>>) offsets(%dma_start3A_327 : memref<128xi32, #tpu.memory_space<vmem>>) semaphore(%dma_start3A_332 : memref<!tpu.dma_semaphore, #tpu.memory_space<semaphore_mem>>)
        %mul3A_333 = arith.constant 2 : i32
        %mul3A_334 = arith.muli %mul3A_333, %add3A_311 : i32
        %add3A_335 = arith.constant 1 : i32
        %add3A_336 = arith.addi %mul3A_334, %add3A_335 : i32
        %dma_start3A_337 = arith.constant 1 : i32
        %dma_start3A_338 = arith.constant 0 : i32
        %dma_start3A_339 = arith.constant 0 : i32
        %dma_start3A_340 = tpu.memref_slice %arg6[%rem3A_315, %dma_start3A_337, %dma_start3A_338, %dma_start3A_339] : memref<3x2x128x64xf32, #tpu.memory_space<vmem>> -> memref<1x1x128x64xf32, #tpu.memory_space<vmem>>
        %dma_start3A_341 = tpu.memref_squeeze %dma_start3A_340 : memref<1x1x128x64xf32, #tpu.memory_space<vmem>> -> memref<128x64xf32, #tpu.memory_space<vmem>>
        %dma_start3A_342 = arith.constant 0 : i32
        %dma_start3A_343 = tpu.memref_slice %arg5[%add3A_336, %dma_start3A_342] : memref<200x128xi32, #tpu.memory_space<vmem>> -> memref<1x128xi32, #tpu.memory_space<vmem>>
        %dma_start3A_344 = tpu.memref_squeeze %dma_start3A_343 : memref<1x128xi32, #tpu.memory_space<vmem>> -> memref<128xi32, #tpu.memory_space<vmem>>
        %dma_start3A_345 = arith.constant 0 : i32
        %dma_start3A_346 = arith.constant 0 : i32
        %dma_start3A_347 = tpu.memref_slice %arg2[%dma_start3A_345, %dma_start3A_346] : memref<100000x64xf32, #tpu.memory_space<hbm>> -> memref<100000x64xf32, #tpu.memory_space<hbm>>
        %dma_start3A_348 = tpu.memref_slice %arg8[%rem3A_315] : memref<3x!tpu.dma_semaphore, #tpu.memory_space<semaphore_mem>> -> memref<1x!tpu.dma_semaphore, #tpu.memory_space<semaphore_mem>>
        %dma_start3A_349 = tpu.memref_squeeze %dma_start3A_348 : memref<1x!tpu.dma_semaphore, #tpu.memory_space<semaphore_mem>> -> memref<!tpu.dma_semaphore, #tpu.memory_space<semaphore_mem>>
        tpu.enqueue_indirect_dma source(%dma_start3A_347 : memref<100000x64xf32, #tpu.memory_space<hbm>>) target(%dma_start3A_341 : memref<128x64xf32, #tpu.memory_space<vmem>>) offsets(%dma_start3A_344 : memref<128xi32, #tpu.memory_space<vmem>>) semaphore(%dma_start3A_349 : memref<!tpu.dma_semaphore, #tpu.memory_space<semaphore_mem>>)
      } else {
      }
      %ge3A = arith.constant 2 : i32
      %ge3A_199 = arith.cmpi sge, %add3A_165, %ge3A : i32
      %convert_element_type3A_200 = arith.extui %ge3A_199 : i1 to i32
      %cond3A_201 = arith.constant 0 : i32
      %cond3A_202 = arith.cmpi ne, %convert_element_type3A_200, %cond3A_201 : i32
      scf.if %cond3A_202 {
        %dma_wait3A_310 = arith.constant 0 : i32
        %dma_wait3A_311 = arith.constant 0 : i32
        %dma_wait3A_312 = arith.constant 0 : i32
        %dma_wait3A_313 = arith.constant 0 : i32
        %dma_wait3A_314 = arith.constant 0 : i32
        %dma_wait3A_315 = arith.constant 0 : i32
        %dma_wait3A_316 = arith.constant 0 : i32
        %dma_wait3A_317 = tpu.memref_slice %arg7[%dma_wait3A_311, %dma_wait3A_313, %dma_wait3A_314, %dma_wait3A_315, %dma_wait3A_316] : memref<2x2x8x8x128xf32, #tpu.memory_space<vmem>> -> memref<1x2x8x8x128xf32, #tpu.memory_space<vmem>>
        %dma_wait3A_318 = tpu.memref_squeeze %dma_wait3A_317 : memref<1x2x8x8x128xf32, #tpu.memory_space<vmem>> -> memref<2x8x8x128xf32, #tpu.memory_space<vmem>>
        %dma_wait3A_319 = arith.constant 0 : i32
        %dma_wait3A_320 = arith.constant 0 : i32
        %dma_wait3A_321 = arith.constant 0 : i32
        %dma_wait3A_322 = arith.constant 0 : i32
        %dma_wait3A_323 = tpu.memref_slice %arg4[%dma_wait3A_319, %dma_wait3A_320, %dma_wait3A_310, %dma_wait3A_321, %dma_wait3A_322] : memref<200x8x32x8x128xf32, #tpu.memory_space<hbm>> -> memref<2x8x1x8x128xf32, #tpu.memory_space<hbm>>
        %dma_wait3A_324 = tpu.memref_squeeze %dma_wait3A_323 : memref<2x8x1x8x128xf32, #tpu.memory_space<hbm>> -> memref<2x8x8x128xf32, #tpu.memory_space<hbm>>
        %dma_wait3A_325 = tpu.memref_slice %arg9[%dma_wait3A_312] : memref<2x!tpu.dma_semaphore, #tpu.memory_space<semaphore_mem>> -> memref<1x!tpu.dma_semaphore, #tpu.memory_space<semaphore_mem>>
        %dma_wait3A_326 = tpu.memref_squeeze %dma_wait3A_325 : memref<1x!tpu.dma_semaphore, #tpu.memory_space<semaphore_mem>> -> memref<!tpu.dma_semaphore, #tpu.memory_space<semaphore_mem>>
        %dma_wait3A_327 = arith.constant 0 : i32
        %dma_wait3A_328 = arith.constant 0 : i32
        %dma_wait3A_329 = arith.constant 0 : i32
        %dma_wait3A_330 = arith.constant 0 : i32
        %dma_wait3A_331 = tpu.memref_slice %arg7[%dma_wait3A_311, %dma_wait3A_327, %dma_wait3A_328, %dma_wait3A_329, %dma_wait3A_330] : memref<2x2x8x8x128xf32, #tpu.memory_space<vmem>> -> memref<1x2x8x8x128xf32, #tpu.memory_space<vmem>>
        %dma_wait3A_332 = tpu.memref_squeeze %dma_wait3A_331 : memref<1x2x8x8x128xf32, #tpu.memory_space<vmem>> -> memref<2x8x8x128xf32, #tpu.memory_space<vmem>>
        %dma_wait3A_333 = arith.constant 0 : i32
        %dma_wait3A_334 = arith.constant 0 : i32
        %dma_wait3A_335 = arith.constant 0 : i32
        %dma_wait3A_336 = arith.constant 0 : i32
        %dma_wait3A_337 = tpu.memref_slice %arg4[%dma_wait3A_333, %dma_wait3A_334, %dma_wait3A_310, %dma_wait3A_335, %dma_wait3A_336] : memref<200x8x32x8x128xf32, #tpu.memory_space<hbm>> -> memref<2x8x1x8x128xf32, #tpu.memory_space<hbm>>
        %dma_wait3A_338 = tpu.memref_squeeze %dma_wait3A_337 : memref<2x8x1x8x128xf32, #tpu.memory_space<hbm>> -> memref<2x8x8x128xf32, #tpu.memory_space<hbm>>
        tpu.wait_dma2 semaphore(%dma_wait3A_326 : memref<!tpu.dma_semaphore, #tpu.memory_space<semaphore_mem>>) src(%dma_wait3A_338 : memref<2x8x8x128xf32, #tpu.memory_space<hbm>>) dst(%dma_wait3A_332 : memref<2x8x8x128xf32, #tpu.memory_space<vmem>>)
      } else {
      }
      %parallel_loop3A = arith.constant 0 : i32
      %parallel_loop3A_203 = arith.constant 64 : i32
      %parallel_loop3A_204 = arith.constant 1 : i32
      scf.for %parallel_loop3A_310 = %parallel_loop3A to %parallel_loop3A_203 step %parallel_loop3A_204  : i32 {
        %parallel_loop3A_311 = arith.constant 3 : i32
        %parallel_loop3A_312 = arith.shrsi %parallel_loop3A_310, %parallel_loop3A_311 : i32
        %parallel_loop3A_313 = arith.constant 2 : i32
        %parallel_loop3A_314 = arith.shrsi %parallel_loop3A_310, %parallel_loop3A_313 : i32
        %parallel_loop3A_315 = arith.constant 1 : i32
        %parallel_loop3A_316 = arith.andi %parallel_loop3A_314, %parallel_loop3A_315 : i32
        %parallel_loop3A_317 = arith.constant 3 : i32
        %parallel_loop3A_318 = arith.andi %parallel_loop3A_310, %parallel_loop3A_317 : i32
        %parallel_loop3A_319 = arith.constant 16 : i32
        %parallel_loop3A_320 = arith.muli %parallel_loop3A_319, %parallel_loop3A_312 : i32
        %parallel_loop3A_321 = arith.constant 16 : i32
        %parallel_loop3A_322 = arith.muli %parallel_loop3A_321, %parallel_loop3A_318 : i32
        %parallel_loop3A_323 = arith.constant 0 : i32
        %parallel_loop3A_324 = arith.addi %parallel_loop3A_320, %parallel_loop3A_323 : i32
        %parallel_loop3A_325 = arith.index_cast %rem3A_166 : i32 to index
        %parallel_loop3A_326 = arith.index_cast %parallel_loop3A_316 : i32 to index
        %parallel_loop3A_327 = arith.index_cast %parallel_loop3A_324 : i32 to index
        %parallel_loop3A_328 = arith.index_cast %parallel_loop3A_322 : i32 to index
        %parallel_loop3A_329 = tpu.vector_load %arg6[%parallel_loop3A_325, %parallel_loop3A_326, %parallel_loop3A_327, %parallel_loop3A_328] {strides = array<i32>} : memref<3x2x128x64xf32, #tpu.memory_space<vmem>>, vector<16xf32>,
        %parallel_loop3A_330 = arith.constant 1 : i32
        %parallel_loop3A_331 = arith.addi %parallel_loop3A_320, %parallel_loop3A_330 : i32
        %parallel_loop3A_332 = arith.index_cast %rem3A_166 : i32 to index
        %parallel_loop3A_333 = arith.index_cast %parallel_loop3A_316 : i32 to index
        %parallel_loop3A_334 = arith.index_cast %parallel_loop3A_331 : i32 to index
        %parallel_loop3A_335 = arith.index_cast %parallel_loop3A_322 : i32 to index
        %parallel_loop3A_336 = tpu.vector_load %arg6[%parallel_loop3A_332, %parallel_loop3A_333, %parallel_loop3A_334, %parallel_loop3A_335] {strides = array<i32>} : memref<3x2x128x64xf32, #tpu.memory_space<vmem>>, vector<16xf32>,
        %parallel_loop3A_337 = arith.constant 2 : i32
        %parallel_loop3A_338 = arith.addi %parallel_loop3A_320, %parallel_loop3A_337 : i32
        %parallel_loop3A_339 = arith.index_cast %rem3A_166 : i32 to index
        %parallel_loop3A_340 = arith.index_cast %parallel_loop3A_316 : i32 to index
        %parallel_loop3A_341 = arith.index_cast %parallel_loop3A_338 : i32 to index
        %parallel_loop3A_342 = arith.index_cast %parallel_loop3A_322 : i32 to index
        %parallel_loop3A_343 = tpu.vector_load %arg6[%parallel_loop3A_339, %parallel_loop3A_340, %parallel_loop3A_341, %parallel_loop3A_342] {strides = array<i32>} : memref<3x2x128x64xf32, #tpu.memory_space<vmem>>, vector<16xf32>,
        %parallel_loop3A_344 = arith.constant 3 : i32
        %parallel_loop3A_345 = arith.addi %parallel_loop3A_320, %parallel_loop3A_344 : i32
        %parallel_loop3A_346 = arith.index_cast %rem3A_166 : i32 to index
        %parallel_loop3A_347 = arith.index_cast %parallel_loop3A_316 : i32 to index
        %parallel_loop3A_348 = arith.index_cast %parallel_loop3A_345 : i32 to index
        %parallel_loop3A_349 = arith.index_cast %parallel_loop3A_322 : i32 to index
        %parallel_loop3A_350 = tpu.vector_load %arg6[%parallel_loop3A_346, %parallel_loop3A_347, %parallel_loop3A_348, %parallel_loop3A_349] {strides = array<i32>} : memref<3x2x128x64xf32, #tpu.memory_space<vmem>>, vector<16xf32>,
        %parallel_loop3A_351 = arith.constant 4 : i32
        %parallel_loop3A_352 = arith.addi %parallel_loop3A_320, %parallel_loop3A_351 : i32
        %parallel_loop3A_353 = arith.index_cast %rem3A_166 : i32 to index
        %parallel_loop3A_354 = arith.index_cast %parallel_loop3A_316 : i32 to index
        %parallel_loop3A_355 = arith.index_cast %parallel_loop3A_352 : i32 to index
        %parallel_loop3A_356 = arith.index_cast %parallel_loop3A_322 : i32 to index
        %parallel_loop3A_357 = tpu.vector_load %arg6[%parallel_loop3A_353, %parallel_loop3A_354, %parallel_loop3A_355, %parallel_loop3A_356] {strides = array<i32>} : memref<3x2x128x64xf32, #tpu.memory_space<vmem>>, vector<16xf32>,
        %parallel_loop3A_358 = arith.constant 5 : i32
        %parallel_loop3A_359 = arith.addi %parallel_loop3A_320, %parallel_loop3A_358 : i32
        %parallel_loop3A_360 = arith.index_cast %rem3A_166 : i32 to index
        %parallel_loop3A_361 = arith.index_cast %parallel_loop3A_316 : i32 to index
        %parallel_loop3A_362 = arith.index_cast %parallel_loop3A_359 : i32 to index
        %parallel_loop3A_363 = arith.index_cast %parallel_loop3A_322 : i32 to index
        %parallel_loop3A_364 = tpu.vector_load %arg6[%parallel_loop3A_360, %parallel_loop3A_361, %parallel_loop3A_362, %parallel_loop3A_363] {strides = array<i32>} : memref<3x2x128x64xf32, #tpu.memory_space<vmem>>, vector<16xf32>,
        %parallel_loop3A_365 = arith.constant 6 : i32
        %parallel_loop3A_366 = arith.addi %parallel_loop3A_320, %parallel_loop3A_365 : i32
        %parallel_loop3A_367 = arith.index_cast %rem3A_166 : i32 to index
        %parallel_loop3A_368 = arith.index_cast %parallel_loop3A_316 : i32 to index
        %parallel_loop3A_369 = arith.index_cast %parallel_loop3A_366 : i32 to index
        %parallel_loop3A_370 = arith.index_cast %parallel_loop3A_322 : i32 to index
        %parallel_loop3A_371 = tpu.vector_load %arg6[%parallel_loop3A_367, %parallel_loop3A_368, %parallel_loop3A_369, %parallel_loop3A_370] {strides = array<i32>} : memref<3x2x128x64xf32, #tpu.memory_space<vmem>>, vector<16xf32>,
        %parallel_loop3A_372 = arith.constant 7 : i32
        %parallel_loop3A_373 = arith.addi %parallel_loop3A_320, %parallel_loop3A_372 : i32
        %parallel_loop3A_374 = arith.index_cast %rem3A_166 : i32 to index
        %parallel_loop3A_375 = arith.index_cast %parallel_loop3A_316 : i32 to index
        %parallel_loop3A_376 = arith.index_cast %parallel_loop3A_373 : i32 to index
        %parallel_loop3A_377 = arith.index_cast %parallel_loop3A_322 : i32 to index
        %parallel_loop3A_378 = tpu.vector_load %arg6[%parallel_loop3A_374, %parallel_loop3A_375, %parallel_loop3A_376, %parallel_loop3A_377] {strides = array<i32>} : memref<3x2x128x64xf32, #tpu.memory_space<vmem>>, vector<16xf32>,
        %parallel_loop3A_379 = arith.constant 8 : i32
        %parallel_loop3A_380 = arith.addi %parallel_loop3A_320, %parallel_loop3A_379 : i32
        %parallel_loop3A_381 = arith.index_cast %rem3A_166 : i32 to index
        %parallel_loop3A_382 = arith.index_cast %parallel_loop3A_316 : i32 to index
        %parallel_loop3A_383 = arith.index_cast %parallel_loop3A_380 : i32 to index
        %parallel_loop3A_384 = arith.index_cast %parallel_loop3A_322 : i32 to index
        %parallel_loop3A_385 = tpu.vector_load %arg6[%parallel_loop3A_381, %parallel_loop3A_382, %parallel_loop3A_383, %parallel_loop3A_384] {strides = array<i32>} : memref<3x2x128x64xf32, #tpu.memory_space<vmem>>, vector<16xf32>,
        %parallel_loop3A_386 = arith.constant 9 : i32
        %parallel_loop3A_387 = arith.addi %parallel_loop3A_320, %parallel_loop3A_386 : i32
        %parallel_loop3A_388 = arith.index_cast %rem3A_166 : i32 to index
        %parallel_loop3A_389 = arith.index_cast %parallel_loop3A_316 : i32 to index
        %parallel_loop3A_390 = arith.index_cast %parallel_loop3A_387 : i32 to index
        %parallel_loop3A_391 = arith.index_cast %parallel_loop3A_322 : i32 to index
        %parallel_loop3A_392 = tpu.vector_load %arg6[%parallel_loop3A_388, %parallel_loop3A_389, %parallel_loop3A_390, %parallel_loop3A_391] {strides = array<i32>} : memref<3x2x128x64xf32, #tpu.memory_space<vmem>>, vector<16xf32>,
        %parallel_loop3A_393 = arith.constant 10 : i32
        %parallel_loop3A_394 = arith.addi %parallel_loop3A_320, %parallel_loop3A_393 : i32
        %parallel_loop3A_395 = arith.index_cast %rem3A_166 : i32 to index
        %parallel_loop3A_396 = arith.index_cast %parallel_loop3A_316 : i32 to index
        %parallel_loop3A_397 = arith.index_cast %parallel_loop3A_394 : i32 to index
        %parallel_loop3A_398 = arith.index_cast %parallel_loop3A_322 : i32 to index
        %parallel_loop3A_399 = tpu.vector_load %arg6[%parallel_loop3A_395, %parallel_loop3A_396, %parallel_loop3A_397, %parallel_loop3A_398] {strides = array<i32>} : memref<3x2x128x64xf32, #tpu.memory_space<vmem>>, vector<16xf32>,
        %parallel_loop3A_400 = arith.constant 11 : i32
        %parallel_loop3A_401 = arith.addi %parallel_loop3A_320, %parallel_loop3A_400 : i32
        %parallel_loop3A_402 = arith.index_cast %rem3A_166 : i32 to index
        %parallel_loop3A_403 = arith.index_cast %parallel_loop3A_316 : i32 to index
        %parallel_loop3A_404 = arith.index_cast %parallel_loop3A_401 : i32 to index
        %parallel_loop3A_405 = arith.index_cast %parallel_loop3A_322 : i32 to index
        %parallel_loop3A_406 = tpu.vector_load %arg6[%parallel_loop3A_402, %parallel_loop3A_403, %parallel_loop3A_404, %parallel_loop3A_405] {strides = array<i32>} : memref<3x2x128x64xf32, #tpu.memory_space<vmem>>, vector<16xf32>,
        %parallel_loop3A_407 = arith.constant 12 : i32
        %parallel_loop3A_408 = arith.addi %parallel_loop3A_320, %parallel_loop3A_407 : i32
        %parallel_loop3A_409 = arith.index_cast %rem3A_166 : i32 to index
        %parallel_loop3A_410 = arith.index_cast %parallel_loop3A_316 : i32 to index
        %parallel_loop3A_411 = arith.index_cast %parallel_loop3A_408 : i32 to index
        %parallel_loop3A_412 = arith.index_cast %parallel_loop3A_322 : i32 to index
        %parallel_loop3A_413 = tpu.vector_load %arg6[%parallel_loop3A_409, %parallel_loop3A_410, %parallel_loop3A_411, %parallel_loop3A_412] {strides = array<i32>} : memref<3x2x128x64xf32, #tpu.memory_space<vmem>>, vector<16xf32>,
        %parallel_loop3A_414 = arith.constant 13 : i32
        %parallel_loop3A_415 = arith.addi %parallel_loop3A_320, %parallel_loop3A_414 : i32
        %parallel_loop3A_416 = arith.index_cast %rem3A_166 : i32 to index
        %parallel_loop3A_417 = arith.index_cast %parallel_loop3A_316 : i32 to index
        %parallel_loop3A_418 = arith.index_cast %parallel_loop3A_415 : i32 to index
        %parallel_loop3A_419 = arith.index_cast %parallel_loop3A_322 : i32 to index
        %parallel_loop3A_420 = tpu.vector_load %arg6[%parallel_loop3A_416, %parallel_loop3A_417, %parallel_loop3A_418, %parallel_loop3A_419] {strides = array<i32>} : memref<3x2x128x64xf32, #tpu.memory_space<vmem>>, vector<16xf32>,
        %parallel_loop3A_421 = arith.constant 14 : i32
        %parallel_loop3A_422 = arith.addi %parallel_loop3A_320, %parallel_loop3A_421 : i32
        %parallel_loop3A_423 = arith.index_cast %rem3A_166 : i32 to index
        %parallel_loop3A_424 = arith.index_cast %parallel_loop3A_316 : i32 to index
        %parallel_loop3A_425 = arith.index_cast %parallel_loop3A_422 : i32 to index
        %parallel_loop3A_426 = arith.index_cast %parallel_loop3A_322 : i32 to index
        %parallel_loop3A_427 = tpu.vector_load %arg6[%parallel_loop3A_423, %parallel_loop3A_424, %parallel_loop3A_425, %parallel_loop3A_426] {strides = array<i32>} : memref<3x2x128x64xf32, #tpu.memory_space<vmem>>, vector<16xf32>,
        %parallel_loop3A_428 = arith.constant 15 : i32
        %parallel_loop3A_429 = arith.addi %parallel_loop3A_320, %parallel_loop3A_428 : i32
        %parallel_loop3A_430 = arith.index_cast %rem3A_166 : i32 to index
        %parallel_loop3A_431 = arith.index_cast %parallel_loop3A_316 : i32 to index
        %parallel_loop3A_432 = arith.index_cast %parallel_loop3A_429 : i32 to index
        %parallel_loop3A_433 = arith.index_cast %parallel_loop3A_322 : i32 to index
        %parallel_loop3A_434 = tpu.vector_load %arg6[%parallel_loop3A_430, %parallel_loop3A_431, %parallel_loop3A_432, %parallel_loop3A_433] {strides = array<i32>} : memref<3x2x128x64xf32, #tpu.memory_space<vmem>>, vector<16xf32>,
        %parallel_loop3A_435 = arith.select %ne3A_17, %parallel_loop3A_329, %parallel_loop3A_336 : vector<16xi1>, vector<16xf32>
        %parallel_loop3A_436 = arith.constant 0 : i32
        %parallel_loop3A_437 = vector.broadcast %parallel_loop3A_436 : i32 to vector<16xi32>
        %parallel_loop3A_438 = arith.cmpi slt, %xor3A_4, %parallel_loop3A_437 : vector<16xi32>
        %parallel_loop3A_439 = arith.constant 16 : i32
        %parallel_loop3A_440 = vector.broadcast %parallel_loop3A_439 : i32 to vector<16xi32>
        %parallel_loop3A_441 = arith.addi %xor3A_4, %parallel_loop3A_440 : vector<16xi32>
        %parallel_loop3A_442 = arith.select %parallel_loop3A_438, %parallel_loop3A_441, %xor3A_4 : vector<16xi1>, vector<16xi32>
        %parallel_loop3A_443 = vector.shape_cast %parallel_loop3A_442 : vector<16xi32> to vector<16x1xi32>
        %parallel_loop3A_444 = vector.shape_cast %parallel_loop3A_443 : vector<16x1xi32> to vector<16xi32>
        %parallel_loop3A_445 = tpu.dynamic_gather %parallel_loop3A_435[%parallel_loop3A_444] in [0] : vector<16xf32>, vector<16xi32> -> vector<16xf32>
        %parallel_loop3A_446 = arith.select %ne3A_17, %parallel_loop3A_445, %parallel_loop3A_329 : vector<16xi1>, vector<16xf32>
        %parallel_loop3A_447 = arith.select %ne3A_17, %parallel_loop3A_336, %parallel_loop3A_445 : vector<16xi1>, vector<16xf32>
        %parallel_loop3A_448 = arith.select %ne3A_17, %parallel_loop3A_343, %parallel_loop3A_350 : vector<16xi1>, vector<16xf32>
        %parallel_loop3A_449 = arith.constant 0 : i32
        %parallel_loop3A_450 = vector.broadcast %parallel_loop3A_449 : i32 to vector<16xi32>
        %parallel_loop3A_451 = arith.cmpi slt, %xor3A_4, %parallel_loop3A_450 : vector<16xi32>
        %parallel_loop3A_452 = arith.constant 16 : i32
        %parallel_loop3A_453 = vector.broadcast %parallel_loop3A_452 : i32 to vector<16xi32>
        %parallel_loop3A_454 = arith.addi %xor3A_4, %parallel_loop3A_453 : vector<16xi32>
        %parallel_loop3A_455 = arith.select %parallel_loop3A_451, %parallel_loop3A_454, %xor3A_4 : vector<16xi1>, vector<16xi32>
        %parallel_loop3A_456 = vector.shape_cast %parallel_loop3A_455 : vector<16xi32> to vector<16x1xi32>
        %parallel_loop3A_457 = vector.shape_cast %parallel_loop3A_456 : vector<16x1xi32> to vector<16xi32>
        %parallel_loop3A_458 = tpu.dynamic_gather %parallel_loop3A_448[%parallel_loop3A_457] in [0] : vector<16xf32>, vector<16xi32> -> vector<16xf32>
        %parallel_loop3A_459 = arith.select %ne3A_17, %parallel_loop3A_458, %parallel_loop3A_343 : vector<16xi1>, vector<16xf32>
        %parallel_loop3A_460 = arith.select %ne3A_17, %parallel_loop3A_350, %parallel_loop3A_458 : vector<16xi1>, vector<16xf32>
        %parallel_loop3A_461 = arith.select %ne3A_17, %parallel_loop3A_357, %parallel_loop3A_364 : vector<16xi1>, vector<16xf32>
        %parallel_loop3A_462 = arith.constant 0 : i32
        %parallel_loop3A_463 = vector.broadcast %parallel_loop3A_462 : i32 to vector<16xi32>
        %parallel_loop3A_464 = arith.cmpi slt, %xor3A_4, %parallel_loop3A_463 : vector<16xi32>
        %parallel_loop3A_465 = arith.constant 16 : i32
        %parallel_loop3A_466 = vector.broadcast %parallel_loop3A_465 : i32 to vector<16xi32>
        %parallel_loop3A_467 = arith.addi %xor3A_4, %parallel_loop3A_466 : vector<16xi32>
        %parallel_loop3A_468 = arith.select %parallel_loop3A_464, %parallel_loop3A_467, %xor3A_4 : vector<16xi1>, vector<16xi32>
        %parallel_loop3A_469 = vector.shape_cast %parallel_loop3A_468 : vector<16xi32> to vector<16x1xi32>
        %parallel_loop3A_470 = vector.shape_cast %parallel_loop3A_469 : vector<16x1xi32> to vector<16xi32>
        %parallel_loop3A_471 = tpu.dynamic_gather %parallel_loop3A_461[%parallel_loop3A_470] in [0] : vector<16xf32>, vector<16xi32> -> vector<16xf32>
        %parallel_loop3A_472 = arith.select %ne3A_17, %parallel_loop3A_471, %parallel_loop3A_357 : vector<16xi1>, vector<16xf32>
        %parallel_loop3A_473 = arith.select %ne3A_17, %parallel_loop3A_364, %parallel_loop3A_471 : vector<16xi1>, vector<16xf32>
        %parallel_loop3A_474 = arith.select %ne3A_17, %parallel_loop3A_371, %parallel_loop3A_378 : vector<16xi1>, vector<16xf32>
        %parallel_loop3A_475 = arith.constant 0 : i32
        %parallel_loop3A_476 = vector.broadcast %parallel_loop3A_475 : i32 to vector<16xi32>
        %parallel_loop3A_477 = arith.cmpi slt, %xor3A_4, %parallel_loop3A_476 : vector<16xi32>
        %parallel_loop3A_478 = arith.constant 16 : i32
        %parallel_loop3A_479 = vector.broadcast %parallel_loop3A_478 : i32 to vector<16xi32>
        %parallel_loop3A_480 = arith.addi %xor3A_4, %parallel_loop3A_479 : vector<16xi32>
        %parallel_loop3A_481 = arith.select %parallel_loop3A_477, %parallel_loop3A_480, %xor3A_4 : vector<16xi1>, vector<16xi32>
        %parallel_loop3A_482 = vector.shape_cast %parallel_loop3A_481 : vector<16xi32> to vector<16x1xi32>
        %parallel_loop3A_483 = vector.shape_cast %parallel_loop3A_482 : vector<16x1xi32> to vector<16xi32>
        %parallel_loop3A_484 = tpu.dynamic_gather %parallel_loop3A_474[%parallel_loop3A_483] in [0] : vector<16xf32>, vector<16xi32> -> vector<16xf32>
        %parallel_loop3A_485 = arith.select %ne3A_17, %parallel_loop3A_484, %parallel_loop3A_371 : vector<16xi1>, vector<16xf32>
        %parallel_loop3A_486 = arith.select %ne3A_17, %parallel_loop3A_378, %parallel_loop3A_484 : vector<16xi1>, vector<16xf32>
        %parallel_loop3A_487 = arith.select %ne3A_17, %parallel_loop3A_385, %parallel_loop3A_392 : vector<16xi1>, vector<16xf32>
        %parallel_loop3A_488 = arith.constant 0 : i32
        %parallel_loop3A_489 = vector.broadcast %parallel_loop3A_488 : i32 to vector<16xi32>
        %parallel_loop3A_490 = arith.cmpi slt, %xor3A_4, %parallel_loop3A_489 : vector<16xi32>
        %parallel_loop3A_491 = arith.constant 16 : i32
        %parallel_loop3A_492 = vector.broadcast %parallel_loop3A_491 : i32 to vector<16xi32>
        %parallel_loop3A_493 = arith.addi %xor3A_4, %parallel_loop3A_492 : vector<16xi32>
        %parallel_loop3A_494 = arith.select %parallel_loop3A_490, %parallel_loop3A_493, %xor3A_4 : vector<16xi1>, vector<16xi32>
        %parallel_loop3A_495 = vector.shape_cast %parallel_loop3A_494 : vector<16xi32> to vector<16x1xi32>
        %parallel_loop3A_496 = vector.shape_cast %parallel_loop3A_495 : vector<16x1xi32> to vector<16xi32>
        %parallel_loop3A_497 = tpu.dynamic_gather %parallel_loop3A_487[%parallel_loop3A_496] in [0] : vector<16xf32>, vector<16xi32> -> vector<16xf32>
        %parallel_loop3A_498 = arith.select %ne3A_17, %parallel_loop3A_497, %parallel_loop3A_385 : vector<16xi1>, vector<16xf32>
        %parallel_loop3A_499 = arith.select %ne3A_17, %parallel_loop3A_392, %parallel_loop3A_497 : vector<16xi1>, vector<16xf32>
        %parallel_loop3A_500 = arith.select %ne3A_17, %parallel_loop3A_399, %parallel_loop3A_406 : vector<16xi1>, vector<16xf32>
        %parallel_loop3A_501 = arith.constant 0 : i32
        %parallel_loop3A_502 = vector.broadcast %parallel_loop3A_501 : i32 to vector<16xi32>
        %parallel_loop3A_503 = arith.cmpi slt, %xor3A_4, %parallel_loop3A_502 : vector<16xi32>
        %parallel_loop3A_504 = arith.constant 16 : i32
        %parallel_loop3A_505 = vector.broadcast %parallel_loop3A_504 : i32 to vector<16xi32>
        %parallel_loop3A_506 = arith.addi %xor3A_4, %parallel_loop3A_505 : vector<16xi32>
        %parallel_loop3A_507 = arith.select %parallel_loop3A_503, %parallel_loop3A_506, %xor3A_4 : vector<16xi1>, vector<16xi32>
        %parallel_loop3A_508 = vector.shape_cast %parallel_loop3A_507 : vector<16xi32> to vector<16x1xi32>
        %parallel_loop3A_509 = vector.shape_cast %parallel_loop3A_508 : vector<16x1xi32> to vector<16xi32>
        %parallel_loop3A_510 = tpu.dynamic_gather %parallel_loop3A_500[%parallel_loop3A_509] in [0] : vector<16xf32>, vector<16xi32> -> vector<16xf32>
        %parallel_loop3A_511 = arith.select %ne3A_17, %parallel_loop3A_510, %parallel_loop3A_399 : vector<16xi1>, vector<16xf32>
        %parallel_loop3A_512 = arith.select %ne3A_17, %parallel_loop3A_406, %parallel_loop3A_510 : vector<16xi1>, vector<16xf32>
        %parallel_loop3A_513 = arith.select %ne3A_17, %parallel_loop3A_413, %parallel_loop3A_420 : vector<16xi1>, vector<16xf32>
        %parallel_loop3A_514 = arith.constant 0 : i32
        %parallel_loop3A_515 = vector.broadcast %parallel_loop3A_514 : i32 to vector<16xi32>
        %parallel_loop3A_516 = arith.cmpi slt, %xor3A_4, %parallel_loop3A_515 : vector<16xi32>
        %parallel_loop3A_517 = arith.constant 16 : i32
        %parallel_loop3A_518 = vector.broadcast %parallel_loop3A_517 : i32 to vector<16xi32>
        %parallel_loop3A_519 = arith.addi %xor3A_4, %parallel_loop3A_518 : vector<16xi32>
        %parallel_loop3A_520 = arith.select %parallel_loop3A_516, %parallel_loop3A_519, %xor3A_4 : vector<16xi1>, vector<16xi32>
        %parallel_loop3A_521 = vector.shape_cast %parallel_loop3A_520 : vector<16xi32> to vector<16x1xi32>
        %parallel_loop3A_522 = vector.shape_cast %parallel_loop3A_521 : vector<16x1xi32> to vector<16xi32>
        %parallel_loop3A_523 = tpu.dynamic_gather %parallel_loop3A_513[%parallel_loop3A_522] in [0] : vector<16xf32>, vector<16xi32> -> vector<16xf32>
        %parallel_loop3A_524 = arith.select %ne3A_17, %parallel_loop3A_523, %parallel_loop3A_413 : vector<16xi1>, vector<16xf32>
        %parallel_loop3A_525 = arith.select %ne3A_17, %parallel_loop3A_420, %parallel_loop3A_523 : vector<16xi1>, vector<16xf32>
        %parallel_loop3A_526 = arith.select %ne3A_17, %parallel_loop3A_427, %parallel_loop3A_434 : vector<16xi1>, vector<16xf32>
        %parallel_loop3A_527 = arith.constant 0 : i32
        %parallel_loop3A_528 = vector.broadcast %parallel_loop3A_527 : i32 to vector<16xi32>
        %parallel_loop3A_529 = arith.cmpi slt, %xor3A_4, %parallel_loop3A_528 : vector<16xi32>
        %parallel_loop3A_530 = arith.constant 16 : i32
        %parallel_loop3A_531 = vector.broadcast %parallel_loop3A_530 : i32 to vector<16xi32>
        %parallel_loop3A_532 = arith.addi %xor3A_4, %parallel_loop3A_531 : vector<16xi32>
        %parallel_loop3A_533 = arith.select %parallel_loop3A_529, %parallel_loop3A_532, %xor3A_4 : vector<16xi1>, vector<16xi32>
        %parallel_loop3A_534 = vector.shape_cast %parallel_loop3A_533 : vector<16xi32> to vector<16x1xi32>
        %parallel_loop3A_535 = vector.shape_cast %parallel_loop3A_534 : vector<16x1xi32> to vector<16xi32>
        %parallel_loop3A_536 = tpu.dynamic_gather %parallel_loop3A_526[%parallel_loop3A_535] in [0] : vector<16xf32>, vector<16xi32> -> vector<16xf32>
        %parallel_loop3A_537 = arith.select %ne3A_17, %parallel_loop3A_536, %parallel_loop3A_427 : vector<16xi1>, vector<16xf32>
        %parallel_loop3A_538 = arith.select %ne3A_17, %parallel_loop3A_434, %parallel_loop3A_536 : vector<16xi1>, vector<16xf32>
        %parallel_loop3A_539 = arith.select %ne3A_23, %parallel_loop3A_446, %parallel_loop3A_459 : vector<16xi1>, vector<16xf32>
        %parallel_loop3A_540 = arith.constant 0 : i32
        %parallel_loop3A_541 = vector.broadcast %parallel_loop3A_540 : i32 to vector<16xi32>
        %parallel_loop3A_542 = arith.cmpi slt, %xor3A_7, %parallel_loop3A_541 : vector<16xi32>
        %parallel_loop3A_543 = arith.constant 16 : i32
        %parallel_loop3A_544 = vector.broadcast %parallel_loop3A_543 : i32 to vector<16xi32>
        %parallel_loop3A_545 = arith.addi %xor3A_7, %parallel_loop3A_544 : vector<16xi32>
        %parallel_loop3A_546 = arith.select %parallel_loop3A_542, %parallel_loop3A_545, %xor3A_7 : vector<16xi1>, vector<16xi32>
        %parallel_loop3A_547 = vector.shape_cast %parallel_loop3A_546 : vector<16xi32> to vector<16x1xi32>
        %parallel_loop3A_548 = vector.shape_cast %parallel_loop3A_547 : vector<16x1xi32> to vector<16xi32>
        %parallel_loop3A_549 = tpu.dynamic_gather %parallel_loop3A_539[%parallel_loop3A_548] in [0] : vector<16xf32>, vector<16xi32> -> vector<16xf32>
        %parallel_loop3A_550 = arith.select %ne3A_23, %parallel_loop3A_549, %parallel_loop3A_446 : vector<16xi1>, vector<16xf32>
        %parallel_loop3A_551 = arith.select %ne3A_23, %parallel_loop3A_459, %parallel_loop3A_549 : vector<16xi1>, vector<16xf32>
        %parallel_loop3A_552 = arith.select %ne3A_23, %parallel_loop3A_447, %parallel_loop3A_460 : vector<16xi1>, vector<16xf32>
        %parallel_loop3A_553 = arith.constant 0 : i32
        %parallel_loop3A_554 = vector.broadcast %parallel_loop3A_553 : i32 to vector<16xi32>
        %parallel_loop3A_555 = arith.cmpi slt, %xor3A_7, %parallel_loop3A_554 : vector<16xi32>
        %parallel_loop3A_556 = arith.constant 16 : i32
        %parallel_loop3A_557 = vector.broadcast %parallel_loop3A_556 : i32 to vector<16xi32>
        %parallel_loop3A_558 = arith.addi %xor3A_7, %parallel_loop3A_557 : vector<16xi32>
        %parallel_loop3A_559 = arith.select %parallel_loop3A_555, %parallel_loop3A_558, %xor3A_7 : vector<16xi1>, vector<16xi32>
        %parallel_loop3A_560 = vector.shape_cast %parallel_loop3A_559 : vector<16xi32> to vector<16x1xi32>
        %parallel_loop3A_561 = vector.shape_cast %parallel_loop3A_560 : vector<16x1xi32> to vector<16xi32>
        %parallel_loop3A_562 = tpu.dynamic_gather %parallel_loop3A_552[%parallel_loop3A_561] in [0] : vector<16xf32>, vector<16xi32> -> vector<16xf32>
        %parallel_loop3A_563 = arith.select %ne3A_23, %parallel_loop3A_562, %parallel_loop3A_447 : vector<16xi1>, vector<16xf32>
        %parallel_loop3A_564 = arith.select %ne3A_23, %parallel_loop3A_460, %parallel_loop3A_562 : vector<16xi1>, vector<16xf32>
        %parallel_loop3A_565 = arith.select %ne3A_23, %parallel_loop3A_472, %parallel_loop3A_485 : vector<16xi1>, vector<16xf32>
        %parallel_loop3A_566 = arith.constant 0 : i32
        %parallel_loop3A_567 = vector.broadcast %parallel_loop3A_566 : i32 to vector<16xi32>
        %parallel_loop3A_568 = arith.cmpi slt, %xor3A_7, %parallel_loop3A_567 : vector<16xi32>
        %parallel_loop3A_569 = arith.constant 16 : i32
        %parallel_loop3A_570 = vector.broadcast %parallel_loop3A_569 : i32 to vector<16xi32>
        %parallel_loop3A_571 = arith.addi %xor3A_7, %parallel_loop3A_570 : vector<16xi32>
        %parallel_loop3A_572 = arith.select %parallel_loop3A_568, %parallel_loop3A_571, %xor3A_7 : vector<16xi1>, vector<16xi32>
        %parallel_loop3A_573 = vector.shape_cast %parallel_loop3A_572 : vector<16xi32> to vector<16x1xi32>
        %parallel_loop3A_574 = vector.shape_cast %parallel_loop3A_573 : vector<16x1xi32> to vector<16xi32>
        %parallel_loop3A_575 = tpu.dynamic_gather %parallel_loop3A_565[%parallel_loop3A_574] in [0] : vector<16xf32>, vector<16xi32> -> vector<16xf32>
        %parallel_loop3A_576 = arith.select %ne3A_23, %parallel_loop3A_575, %parallel_loop3A_472 : vector<16xi1>, vector<16xf32>
        %parallel_loop3A_577 = arith.select %ne3A_23, %parallel_loop3A_485, %parallel_loop3A_575 : vector<16xi1>, vector<16xf32>
        %parallel_loop3A_578 = arith.select %ne3A_23, %parallel_loop3A_473, %parallel_loop3A_486 : vector<16xi1>, vector<16xf32>
        %parallel_loop3A_579 = arith.constant 0 : i32
        %parallel_loop3A_580 = vector.broadcast %parallel_loop3A_579 : i32 to vector<16xi32>
        %parallel_loop3A_581 = arith.cmpi slt, %xor3A_7, %parallel_loop3A_580 : vector<16xi32>
        %parallel_loop3A_582 = arith.constant 16 : i32
        %parallel_loop3A_583 = vector.broadcast %parallel_loop3A_582 : i32 to vector<16xi32>
        %parallel_loop3A_584 = arith.addi %xor3A_7, %parallel_loop3A_583 : vector<16xi32>
        %parallel_loop3A_585 = arith.select %parallel_loop3A_581, %parallel_loop3A_584, %xor3A_7 : vector<16xi1>, vector<16xi32>
        %parallel_loop3A_586 = vector.shape_cast %parallel_loop3A_585 : vector<16xi32> to vector<16x1xi32>
        %parallel_loop3A_587 = vector.shape_cast %parallel_loop3A_586 : vector<16x1xi32> to vector<16xi32>
        %parallel_loop3A_588 = tpu.dynamic_gather %parallel_loop3A_578[%parallel_loop3A_587] in [0] : vector<16xf32>, vector<16xi32> -> vector<16xf32>
        %parallel_loop3A_589 = arith.select %ne3A_23, %parallel_loop3A_588, %parallel_loop3A_473 : vector<16xi1>, vector<16xf32>
        %parallel_loop3A_590 = arith.select %ne3A_23, %parallel_loop3A_486, %parallel_loop3A_588 : vector<16xi1>, vector<16xf32>
        %parallel_loop3A_591 = arith.select %ne3A_23, %parallel_loop3A_498, %parallel_loop3A_511 : vector<16xi1>, vector<16xf32>
        %parallel_loop3A_592 = arith.constant 0 : i32
        %parallel_loop3A_593 = vector.broadcast %parallel_loop3A_592 : i32 to vector<16xi32>
        %parallel_loop3A_594 = arith.cmpi slt, %xor3A_7, %parallel_loop3A_593 : vector<16xi32>
        %parallel_loop3A_595 = arith.constant 16 : i32
        %parallel_loop3A_596 = vector.broadcast %parallel_loop3A_595 : i32 to vector<16xi32>
        %parallel_loop3A_597 = arith.addi %xor3A_7, %parallel_loop3A_596 : vector<16xi32>
        %parallel_loop3A_598 = arith.select %parallel_loop3A_594, %parallel_loop3A_597, %xor3A_7 : vector<16xi1>, vector<16xi32>
        %parallel_loop3A_599 = vector.shape_cast %parallel_loop3A_598 : vector<16xi32> to vector<16x1xi32>
        %parallel_loop3A_600 = vector.shape_cast %parallel_loop3A_599 : vector<16x1xi32> to vector<16xi32>
        %parallel_loop3A_601 = tpu.dynamic_gather %parallel_loop3A_591[%parallel_loop3A_600] in [0] : vector<16xf32>, vector<16xi32> -> vector<16xf32>
        %parallel_loop3A_602 = arith.select %ne3A_23, %parallel_loop3A_601, %parallel_loop3A_498 : vector<16xi1>, vector<16xf32>
        %parallel_loop3A_603 = arith.select %ne3A_23, %parallel_loop3A_511, %parallel_loop3A_601 : vector<16xi1>, vector<16xf32>
        %parallel_loop3A_604 = arith.select %ne3A_23, %parallel_loop3A_499, %parallel_loop3A_512 : vector<16xi1>, vector<16xf32>
        %parallel_loop3A_605 = arith.constant 0 : i32
        %parallel_loop3A_606 = vector.broadcast %parallel_loop3A_605 : i32 to vector<16xi32>
        %parallel_loop3A_607 = arith.cmpi slt, %xor3A_7, %parallel_loop3A_606 : vector<16xi32>
        %parallel_loop3A_608 = arith.constant 16 : i32
        %parallel_loop3A_609 = vector.broadcast %parallel_loop3A_608 : i32 to vector<16xi32>
        %parallel_loop3A_610 = arith.addi %xor3A_7, %parallel_loop3A_609 : vector<16xi32>
        %parallel_loop3A_611 = arith.select %parallel_loop3A_607, %parallel_loop3A_610, %xor3A_7 : vector<16xi1>, vector<16xi32>
        %parallel_loop3A_612 = vector.shape_cast %parallel_loop3A_611 : vector<16xi32> to vector<16x1xi32>
        %parallel_loop3A_613 = vector.shape_cast %parallel_loop3A_612 : vector<16x1xi32> to vector<16xi32>
        %parallel_loop3A_614 = tpu.dynamic_gather %parallel_loop3A_604[%parallel_loop3A_613] in [0] : vector<16xf32>, vector<16xi32> -> vector<16xf32>
        %parallel_loop3A_615 = arith.select %ne3A_23, %parallel_loop3A_614, %parallel_loop3A_499 : vector<16xi1>, vector<16xf32>
        %parallel_loop3A_616 = arith.select %ne3A_23, %parallel_loop3A_512, %parallel_loop3A_614 : vector<16xi1>, vector<16xf32>
        %parallel_loop3A_617 = arith.select %ne3A_23, %parallel_loop3A_524, %parallel_loop3A_537 : vector<16xi1>, vector<16xf32>
        %parallel_loop3A_618 = arith.constant 0 : i32
        %parallel_loop3A_619 = vector.broadcast %parallel_loop3A_618 : i32 to vector<16xi32>
        %parallel_loop3A_620 = arith.cmpi slt, %xor3A_7, %parallel_loop3A_619 : vector<16xi32>
        %parallel_loop3A_621 = arith.constant 16 : i32
        %parallel_loop3A_622 = vector.broadcast %parallel_loop3A_621 : i32 to vector<16xi32>
        %parallel_loop3A_623 = arith.addi %xor3A_7, %parallel_loop3A_622 : vector<16xi32>
        %parallel_loop3A_624 = arith.select %parallel_loop3A_620, %parallel_loop3A_623, %xor3A_7 : vector<16xi1>, vector<16xi32>
        %parallel_loop3A_625 = vector.shape_cast %parallel_loop3A_624 : vector<16xi32> to vector<16x1xi32>
        %parallel_loop3A_626 = vector.shape_cast %parallel_loop3A_625 : vector<16x1xi32> to vector<16xi32>
        %parallel_loop3A_627 = tpu.dynamic_gather %parallel_loop3A_617[%parallel_loop3A_626] in [0] : vector<16xf32>, vector<16xi32> -> vector<16xf32>
        %parallel_loop3A_628 = arith.select %ne3A_23, %parallel_loop3A_627, %parallel_loop3A_524 : vector<16xi1>, vector<16xf32>
        %parallel_loop3A_629 = arith.select %ne3A_23, %parallel_loop3A_537, %parallel_loop3A_627 : vector<16xi1>, vector<16xf32>
        %parallel_loop3A_630 = arith.select %ne3A_23, %parallel_loop3A_525, %parallel_loop3A_538 : vector<16xi1>, vector<16xf32>
        %parallel_loop3A_631 = arith.constant 0 : i32
        %parallel_loop3A_632 = vector.broadcast %parallel_loop3A_631 : i32 to vector<16xi32>
        %parallel_loop3A_633 = arith.cmpi slt, %xor3A_7, %parallel_loop3A_632 : vector<16xi32>
        %parallel_loop3A_634 = arith.constant 16 : i32
        %parallel_loop3A_635 = vector.broadcast %parallel_loop3A_634 : i32 to vector<16xi32>
        %parallel_loop3A_636 = arith.addi %xor3A_7, %parallel_loop3A_635 : vector<16xi32>
        %parallel_loop3A_637 = arith.select %parallel_loop3A_633, %parallel_loop3A_636, %xor3A_7 : vector<16xi1>, vector<16xi32>
        %parallel_loop3A_638 = vector.shape_cast %parallel_loop3A_637 : vector<16xi32> to vector<16x1xi32>
        %parallel_loop3A_639 = vector.shape_cast %parallel_loop3A_638 : vector<16x1xi32> to vector<16xi32>
        %parallel_loop3A_640 = tpu.dynamic_gather %parallel_loop3A_630[%parallel_loop3A_639] in [0] : vector<16xf32>, vector<16xi32> -> vector<16xf32>
        %parallel_loop3A_641 = arith.select %ne3A_23, %parallel_loop3A_640, %parallel_loop3A_525 : vector<16xi1>, vector<16xf32>
        %parallel_loop3A_642 = arith.select %ne3A_23, %parallel_loop3A_538, %parallel_loop3A_640 : vector<16xi1>, vector<16xf32>
        %parallel_loop3A_643 = arith.select %ne3A_29, %parallel_loop3A_550, %parallel_loop3A_576 : vector<16xi1>, vector<16xf32>
        %parallel_loop3A_644 = arith.constant 0 : i32
        %parallel_loop3A_645 = vector.broadcast %parallel_loop3A_644 : i32 to vector<16xi32>
        %parallel_loop3A_646 = arith.cmpi slt, %xor3A_10, %parallel_loop3A_645 : vector<16xi32>
        %parallel_loop3A_647 = arith.constant 16 : i32
        %parallel_loop3A_648 = vector.broadcast %parallel_loop3A_647 : i32 to vector<16xi32>
        %parallel_loop3A_649 = arith.addi %xor3A_10, %parallel_loop3A_648 : vector<16xi32>
        %parallel_loop3A_650 = arith.select %parallel_loop3A_646, %parallel_loop3A_649, %xor3A_10 : vector<16xi1>, vector<16xi32>
        %parallel_loop3A_651 = vector.shape_cast %parallel_loop3A_650 : vector<16xi32> to vector<16x1xi32>
        %parallel_loop3A_652 = vector.shape_cast %parallel_loop3A_651 : vector<16x1xi32> to vector<16xi32>
        %parallel_loop3A_653 = tpu.dynamic_gather %parallel_loop3A_643[%parallel_loop3A_652] in [0] : vector<16xf32>, vector<16xi32> -> vector<16xf32>
        %parallel_loop3A_654 = arith.select %ne3A_29, %parallel_loop3A_653, %parallel_loop3A_550 : vector<16xi1>, vector<16xf32>
        %parallel_loop3A_655 = arith.select %ne3A_29, %parallel_loop3A_576, %parallel_loop3A_653 : vector<16xi1>, vector<16xf32>
        %parallel_loop3A_656 = arith.select %ne3A_29, %parallel_loop3A_563, %parallel_loop3A_589 : vector<16xi1>, vector<16xf32>
        %parallel_loop3A_657 = arith.constant 0 : i32
        %parallel_loop3A_658 = vector.broadcast %parallel_loop3A_657 : i32 to vector<16xi32>
        %parallel_loop3A_659 = arith.cmpi slt, %xor3A_10, %parallel_loop3A_658 : vector<16xi32>
        %parallel_loop3A_660 = arith.constant 16 : i32
        %parallel_loop3A_661 = vector.broadcast %parallel_loop3A_660 : i32 to vector<16xi32>
        %parallel_loop3A_662 = arith.addi %xor3A_10, %parallel_loop3A_661 : vector<16xi32>
        %parallel_loop3A_663 = arith.select %parallel_loop3A_659, %parallel_loop3A_662, %xor3A_10 : vector<16xi1>, vector<16xi32>
        %parallel_loop3A_664 = vector.shape_cast %parallel_loop3A_663 : vector<16xi32> to vector<16x1xi32>
        %parallel_loop3A_665 = vector.shape_cast %parallel_loop3A_664 : vector<16x1xi32> to vector<16xi32>
        %parallel_loop3A_666 = tpu.dynamic_gather %parallel_loop3A_656[%parallel_loop3A_665] in [0] : vector<16xf32>, vector<16xi32> -> vector<16xf32>
        %parallel_loop3A_667 = arith.select %ne3A_29, %parallel_loop3A_666, %parallel_loop3A_563 : vector<16xi1>, vector<16xf32>
        %parallel_loop3A_668 = arith.select %ne3A_29, %parallel_loop3A_589, %parallel_loop3A_666 : vector<16xi1>, vector<16xf32>
        %parallel_loop3A_669 = arith.select %ne3A_29, %parallel_loop3A_551, %parallel_loop3A_577 : vector<16xi1>, vector<16xf32>
        %parallel_loop3A_670 = arith.constant 0 : i32
        %parallel_loop3A_671 = vector.broadcast %parallel_loop3A_670 : i32 to vector<16xi32>
        %parallel_loop3A_672 = arith.cmpi slt, %xor3A_10, %parallel_loop3A_671 : vector<16xi32>
        %parallel_loop3A_673 = arith.constant 16 : i32
        %parallel_loop3A_674 = vector.broadcast %parallel_loop3A_673 : i32 to vector<16xi32>
        %parallel_loop3A_675 = arith.addi %xor3A_10, %parallel_loop3A_674 : vector<16xi32>
        %parallel_loop3A_676 = arith.select %parallel_loop3A_672, %parallel_loop3A_675, %xor3A_10 : vector<16xi1>, vector<16xi32>
        %parallel_loop3A_677 = vector.shape_cast %parallel_loop3A_676 : vector<16xi32> to vector<16x1xi32>
        %parallel_loop3A_678 = vector.shape_cast %parallel_loop3A_677 : vector<16x1xi32> to vector<16xi32>
        %parallel_loop3A_679 = tpu.dynamic_gather %parallel_loop3A_669[%parallel_loop3A_678] in [0] : vector<16xf32>, vector<16xi32> -> vector<16xf32>
        %parallel_loop3A_680 = arith.select %ne3A_29, %parallel_loop3A_679, %parallel_loop3A_551 : vector<16xi1>, vector<16xf32>
        %parallel_loop3A_681 = arith.select %ne3A_29, %parallel_loop3A_577, %parallel_loop3A_679 : vector<16xi1>, vector<16xf32>
        %parallel_loop3A_682 = arith.select %ne3A_29, %parallel_loop3A_564, %parallel_loop3A_590 : vector<16xi1>, vector<16xf32>
        %parallel_loop3A_683 = arith.constant 0 : i32
        %parallel_loop3A_684 = vector.broadcast %parallel_loop3A_683 : i32 to vector<16xi32>
        %parallel_loop3A_685 = arith.cmpi slt, %xor3A_10, %parallel_loop3A_684 : vector<16xi32>
        %parallel_loop3A_686 = arith.constant 16 : i32
        %parallel_loop3A_687 = vector.broadcast %parallel_loop3A_686 : i32 to vector<16xi32>
        %parallel_loop3A_688 = arith.addi %xor3A_10, %parallel_loop3A_687 : vector<16xi32>
        %parallel_loop3A_689 = arith.select %parallel_loop3A_685, %parallel_loop3A_688, %xor3A_10 : vector<16xi1>, vector<16xi32>
        %parallel_loop3A_690 = vector.shape_cast %parallel_loop3A_689 : vector<16xi32> to vector<16x1xi32>
        %parallel_loop3A_691 = vector.shape_cast %parallel_loop3A_690 : vector<16x1xi32> to vector<16xi32>
        %parallel_loop3A_692 = tpu.dynamic_gather %parallel_loop3A_682[%parallel_loop3A_691] in [0] : vector<16xf32>, vector<16xi32> -> vector<16xf32>
        %parallel_loop3A_693 = arith.select %ne3A_29, %parallel_loop3A_692, %parallel_loop3A_564 : vector<16xi1>, vector<16xf32>
        %parallel_loop3A_694 = arith.select %ne3A_29, %parallel_loop3A_590, %parallel_loop3A_692 : vector<16xi1>, vector<16xf32>
        %parallel_loop3A_695 = arith.select %ne3A_29, %parallel_loop3A_602, %parallel_loop3A_628 : vector<16xi1>, vector<16xf32>
        %parallel_loop3A_696 = arith.constant 0 : i32
        %parallel_loop3A_697 = vector.broadcast %parallel_loop3A_696 : i32 to vector<16xi32>
        %parallel_loop3A_698 = arith.cmpi slt, %xor3A_10, %parallel_loop3A_697 : vector<16xi32>
        %parallel_loop3A_699 = arith.constant 16 : i32
        %parallel_loop3A_700 = vector.broadcast %parallel_loop3A_699 : i32 to vector<16xi32>
        %parallel_loop3A_701 = arith.addi %xor3A_10, %parallel_loop3A_700 : vector<16xi32>
        %parallel_loop3A_702 = arith.select %parallel_loop3A_698, %parallel_loop3A_701, %xor3A_10 : vector<16xi1>, vector<16xi32>
        %parallel_loop3A_703 = vector.shape_cast %parallel_loop3A_702 : vector<16xi32> to vector<16x1xi32>
        %parallel_loop3A_704 = vector.shape_cast %parallel_loop3A_703 : vector<16x1xi32> to vector<16xi32>
        %parallel_loop3A_705 = tpu.dynamic_gather %parallel_loop3A_695[%parallel_loop3A_704] in [0] : vector<16xf32>, vector<16xi32> -> vector<16xf32>
        %parallel_loop3A_706 = arith.select %ne3A_29, %parallel_loop3A_705, %parallel_loop3A_602 : vector<16xi1>, vector<16xf32>
        %parallel_loop3A_707 = arith.select %ne3A_29, %parallel_loop3A_628, %parallel_loop3A_705 : vector<16xi1>, vector<16xf32>
        %parallel_loop3A_708 = arith.select %ne3A_29, %parallel_loop3A_615, %parallel_loop3A_641 : vector<16xi1>, vector<16xf32>
        %parallel_loop3A_709 = arith.constant 0 : i32
        %parallel_loop3A_710 = vector.broadcast %parallel_loop3A_709 : i32 to vector<16xi32>
        %parallel_loop3A_711 = arith.cmpi slt, %xor3A_10, %parallel_loop3A_710 : vector<16xi32>
        %parallel_loop3A_712 = arith.constant 16 : i32
        %parallel_loop3A_713 = vector.broadcast %parallel_loop3A_712 : i32 to vector<16xi32>
        %parallel_loop3A_714 = arith.addi %xor3A_10, %parallel_loop3A_713 : vector<16xi32>
        %parallel_loop3A_715 = arith.select %parallel_loop3A_711, %parallel_loop3A_714, %xor3A_10 : vector<16xi1>, vector<16xi32>
        %parallel_loop3A_716 = vector.shape_cast %parallel_loop3A_715 : vector<16xi32> to vector<16x1xi32>
        %parallel_loop3A_717 = vector.shape_cast %parallel_loop3A_716 : vector<16x1xi32> to vector<16xi32>
        %parallel_loop3A_718 = tpu.dynamic_gather %parallel_loop3A_708[%parallel_loop3A_717] in [0] : vector<16xf32>, vector<16xi32> -> vector<16xf32>
        %parallel_loop3A_719 = arith.select %ne3A_29, %parallel_loop3A_718, %parallel_loop3A_615 : vector<16xi1>, vector<16xf32>
        %parallel_loop3A_720 = arith.select %ne3A_29, %parallel_loop3A_641, %parallel_loop3A_718 : vector<16xi1>, vector<16xf32>
        %parallel_loop3A_721 = arith.select %ne3A_29, %parallel_loop3A_603, %parallel_loop3A_629 : vector<16xi1>, vector<16xf32>
        %parallel_loop3A_722 = arith.constant 0 : i32
        %parallel_loop3A_723 = vector.broadcast %parallel_loop3A_722 : i32 to vector<16xi32>
        %parallel_loop3A_724 = arith.cmpi slt, %xor3A_10, %parallel_loop3A_723 : vector<16xi32>
        %parallel_loop3A_725 = arith.constant 16 : i32
        %parallel_loop3A_726 = vector.broadcast %parallel_loop3A_725 : i32 to vector<16xi32>
        %parallel_loop3A_727 = arith.addi %xor3A_10, %parallel_loop3A_726 : vector<16xi32>
        %parallel_loop3A_728 = arith.select %parallel_loop3A_724, %parallel_loop3A_727, %xor3A_10 : vector<16xi1>, vector<16xi32>
        %parallel_loop3A_729 = vector.shape_cast %parallel_loop3A_728 : vector<16xi32> to vector<16x1xi32>
        %parallel_loop3A_730 = vector.shape_cast %parallel_loop3A_729 : vector<16x1xi32> to vector<16xi32>
        %parallel_loop3A_731 = tpu.dynamic_gather %parallel_loop3A_721[%parallel_loop3A_730] in [0] : vector<16xf32>, vector<16xi32> -> vector<16xf32>
        %parallel_loop3A_732 = arith.select %ne3A_29, %parallel_loop3A_731, %parallel_loop3A_603 : vector<16xi1>, vector<16xf32>
        %parallel_loop3A_733 = arith.select %ne3A_29, %parallel_loop3A_629, %parallel_loop3A_731 : vector<16xi1>, vector<16xf32>
        %parallel_loop3A_734 = arith.select %ne3A_29, %parallel_loop3A_616, %parallel_loop3A_642 : vector<16xi1>, vector<16xf32>
        %parallel_loop3A_735 = arith.constant 0 : i32
        %parallel_loop3A_736 = vector.broadcast %parallel_loop3A_735 : i32 to vector<16xi32>
        %parallel_loop3A_737 = arith.cmpi slt, %xor3A_10, %parallel_loop3A_736 : vector<16xi32>
        %parallel_loop3A_738 = arith.constant 16 : i32
        %parallel_loop3A_739 = vector.broadcast %parallel_loop3A_738 : i32 to vector<16xi32>
        %parallel_loop3A_740 = arith.addi %xor3A_10, %parallel_loop3A_739 : vector<16xi32>
        %parallel_loop3A_741 = arith.select %parallel_loop3A_737, %parallel_loop3A_740, %xor3A_10 : vector<16xi1>, vector<16xi32>
        %parallel_loop3A_742 = vector.shape_cast %parallel_loop3A_741 : vector<16xi32> to vector<16x1xi32>
        %parallel_loop3A_743 = vector.shape_cast %parallel_loop3A_742 : vector<16x1xi32> to vector<16xi32>
        %parallel_loop3A_744 = tpu.dynamic_gather %parallel_loop3A_734[%parallel_loop3A_743] in [0] : vector<16xf32>, vector<16xi32> -> vector<16xf32>
        %parallel_loop3A_745 = arith.select %ne3A_29, %parallel_loop3A_744, %parallel_loop3A_616 : vector<16xi1>, vector<16xf32>
        %parallel_loop3A_746 = arith.select %ne3A_29, %parallel_loop3A_642, %parallel_loop3A_744 : vector<16xi1>, vector<16xf32>
        %parallel_loop3A_747 = arith.select %ne3A_35, %parallel_loop3A_654, %parallel_loop3A_706 : vector<16xi1>, vector<16xf32>
        %parallel_loop3A_748 = arith.constant 0 : i32
        %parallel_loop3A_749 = vector.broadcast %parallel_loop3A_748 : i32 to vector<16xi32>
        %parallel_loop3A_750 = arith.cmpi slt, %xor3A_13, %parallel_loop3A_749 : vector<16xi32>
        %parallel_loop3A_751 = arith.constant 16 : i32
        %parallel_loop3A_752 = vector.broadcast %parallel_loop3A_751 : i32 to vector<16xi32>
        %parallel_loop3A_753 = arith.addi %xor3A_13, %parallel_loop3A_752 : vector<16xi32>
        %parallel_loop3A_754 = arith.select %parallel_loop3A_750, %parallel_loop3A_753, %xor3A_13 : vector<16xi1>, vector<16xi32>
        %parallel_loop3A_755 = vector.shape_cast %parallel_loop3A_754 : vector<16xi32> to vector<16x1xi32>
        %parallel_loop3A_756 = vector.shape_cast %parallel_loop3A_755 : vector<16x1xi32> to vector<16xi32>
        %parallel_loop3A_757 = tpu.dynamic_gather %parallel_loop3A_747[%parallel_loop3A_756] in [0] : vector<16xf32>, vector<16xi32> -> vector<16xf32>
        %parallel_loop3A_758 = arith.select %ne3A_35, %parallel_loop3A_757, %parallel_loop3A_654 : vector<16xi1>, vector<16xf32>
        %parallel_loop3A_759 = arith.select %ne3A_35, %parallel_loop3A_706, %parallel_loop3A_757 : vector<16xi1>, vector<16xf32>
        %parallel_loop3A_760 = arith.select %ne3A_35, %parallel_loop3A_667, %parallel_loop3A_719 : vector<16xi1>, vector<16xf32>
        %parallel_loop3A_761 = arith.constant 0 : i32
        %parallel_loop3A_762 = vector.broadcast %parallel_loop3A_761 : i32 to vector<16xi32>
        %parallel_loop3A_763 = arith.cmpi slt, %xor3A_13, %parallel_loop3A_762 : vector<16xi32>
        %parallel_loop3A_764 = arith.constant 16 : i32
        %parallel_loop3A_765 = vector.broadcast %parallel_loop3A_764 : i32 to vector<16xi32>
        %parallel_loop3A_766 = arith.addi %xor3A_13, %parallel_loop3A_765 : vector<16xi32>
        %parallel_loop3A_767 = arith.select %parallel_loop3A_763, %parallel_loop3A_766, %xor3A_13 : vector<16xi1>, vector<16xi32>
        %parallel_loop3A_768 = vector.shape_cast %parallel_loop3A_767 : vector<16xi32> to vector<16x1xi32>
        %parallel_loop3A_769 = vector.shape_cast %parallel_loop3A_768 : vector<16x1xi32> to vector<16xi32>
        %parallel_loop3A_770 = tpu.dynamic_gather %parallel_loop3A_760[%parallel_loop3A_769] in [0] : vector<16xf32>, vector<16xi32> -> vector<16xf32>
        %parallel_loop3A_771 = arith.select %ne3A_35, %parallel_loop3A_770, %parallel_loop3A_667 : vector<16xi1>, vector<16xf32>
        %parallel_loop3A_772 = arith.select %ne3A_35, %parallel_loop3A_719, %parallel_loop3A_770 : vector<16xi1>, vector<16xf32>
        %parallel_loop3A_773 = arith.select %ne3A_35, %parallel_loop3A_680, %parallel_loop3A_732 : vector<16xi1>, vector<16xf32>
        %parallel_loop3A_774 = arith.constant 0 : i32
        %parallel_loop3A_775 = vector.broadcast %parallel_loop3A_774 : i32 to vector<16xi32>
        %parallel_loop3A_776 = arith.cmpi slt, %xor3A_13, %parallel_loop3A_775 : vector<16xi32>
        %parallel_loop3A_777 = arith.constant 16 : i32
        %parallel_loop3A_778 = vector.broadcast %parallel_loop3A_777 : i32 to vector<16xi32>
        %parallel_loop3A_779 = arith.addi %xor3A_13, %parallel_loop3A_778 : vector<16xi32>
        %parallel_loop3A_780 = arith.select %parallel_loop3A_776, %parallel_loop3A_779, %xor3A_13 : vector<16xi1>, vector<16xi32>
        %parallel_loop3A_781 = vector.shape_cast %parallel_loop3A_780 : vector<16xi32> to vector<16x1xi32>
        %parallel_loop3A_782 = vector.shape_cast %parallel_loop3A_781 : vector<16x1xi32> to vector<16xi32>
        %parallel_loop3A_783 = tpu.dynamic_gather %parallel_loop3A_773[%parallel_loop3A_782] in [0] : vector<16xf32>, vector<16xi32> -> vector<16xf32>
        %parallel_loop3A_784 = arith.select %ne3A_35, %parallel_loop3A_783, %parallel_loop3A_680 : vector<16xi1>, vector<16xf32>
        %parallel_loop3A_785 = arith.select %ne3A_35, %parallel_loop3A_732, %parallel_loop3A_783 : vector<16xi1>, vector<16xf32>
        %parallel_loop3A_786 = arith.select %ne3A_35, %parallel_loop3A_693, %parallel_loop3A_745 : vector<16xi1>, vector<16xf32>
        %parallel_loop3A_787 = arith.constant 0 : i32
        %parallel_loop3A_788 = vector.broadcast %parallel_loop3A_787 : i32 to vector<16xi32>
        %parallel_loop3A_789 = arith.cmpi slt, %xor3A_13, %parallel_loop3A_788 : vector<16xi32>
        %parallel_loop3A_790 = arith.constant 16 : i32
        %parallel_loop3A_791 = vector.broadcast %parallel_loop3A_790 : i32 to vector<16xi32>
        %parallel_loop3A_792 = arith.addi %xor3A_13, %parallel_loop3A_791 : vector<16xi32>
        %parallel_loop3A_793 = arith.select %parallel_loop3A_789, %parallel_loop3A_792, %xor3A_13 : vector<16xi1>, vector<16xi32>
        %parallel_loop3A_794 = vector.shape_cast %parallel_loop3A_793 : vector<16xi32> to vector<16x1xi32>
        %parallel_loop3A_795 = vector.shape_cast %parallel_loop3A_794 : vector<16x1xi32> to vector<16xi32>
        %parallel_loop3A_796 = tpu.dynamic_gather %parallel_loop3A_786[%parallel_loop3A_795] in [0] : vector<16xf32>, vector<16xi32> -> vector<16xf32>
        %parallel_loop3A_797 = arith.select %ne3A_35, %parallel_loop3A_796, %parallel_loop3A_693 : vector<16xi1>, vector<16xf32>
        %parallel_loop3A_798 = arith.select %ne3A_35, %parallel_loop3A_745, %parallel_loop3A_796 : vector<16xi1>, vector<16xf32>
        %parallel_loop3A_799 = arith.select %ne3A_35, %parallel_loop3A_655, %parallel_loop3A_707 : vector<16xi1>, vector<16xf32>
        %parallel_loop3A_800 = arith.constant 0 : i32
        %parallel_loop3A_801 = vector.broadcast %parallel_loop3A_800 : i32 to vector<16xi32>
        %parallel_loop3A_802 = arith.cmpi slt, %xor3A_13, %parallel_loop3A_801 : vector<16xi32>
        %parallel_loop3A_803 = arith.constant 16 : i32
        %parallel_loop3A_804 = vector.broadcast %parallel_loop3A_803 : i32 to vector<16xi32>
        %parallel_loop3A_805 = arith.addi %xor3A_13, %parallel_loop3A_804 : vector<16xi32>
        %parallel_loop3A_806 = arith.select %parallel_loop3A_802, %parallel_loop3A_805, %xor3A_13 : vector<16xi1>, vector<16xi32>
        %parallel_loop3A_807 = vector.shape_cast %parallel_loop3A_806 : vector<16xi32> to vector<16x1xi32>
        %parallel_loop3A_808 = vector.shape_cast %parallel_loop3A_807 : vector<16x1xi32> to vector<16xi32>
        %parallel_loop3A_809 = tpu.dynamic_gather %parallel_loop3A_799[%parallel_loop3A_808] in [0] : vector<16xf32>, vector<16xi32> -> vector<16xf32>
        %parallel_loop3A_810 = arith.select %ne3A_35, %parallel_loop3A_809, %parallel_loop3A_655 : vector<16xi1>, vector<16xf32>
        %parallel_loop3A_811 = arith.select %ne3A_35, %parallel_loop3A_707, %parallel_loop3A_809 : vector<16xi1>, vector<16xf32>
        %parallel_loop3A_812 = arith.select %ne3A_35, %parallel_loop3A_668, %parallel_loop3A_720 : vector<16xi1>, vector<16xf32>
        %parallel_loop3A_813 = arith.constant 0 : i32
        %parallel_loop3A_814 = vector.broadcast %parallel_loop3A_813 : i32 to vector<16xi32>
        %parallel_loop3A_815 = arith.cmpi slt, %xor3A_13, %parallel_loop3A_814 : vector<16xi32>
        %parallel_loop3A_816 = arith.constant 16 : i32
        %parallel_loop3A_817 = vector.broadcast %parallel_loop3A_816 : i32 to vector<16xi32>
        %parallel_loop3A_818 = arith.addi %xor3A_13, %parallel_loop3A_817 : vector<16xi32>
        %parallel_loop3A_819 = arith.select %parallel_loop3A_815, %parallel_loop3A_818, %xor3A_13 : vector<16xi1>, vector<16xi32>
        %parallel_loop3A_820 = vector.shape_cast %parallel_loop3A_819 : vector<16xi32> to vector<16x1xi32>
        %parallel_loop3A_821 = vector.shape_cast %parallel_loop3A_820 : vector<16x1xi32> to vector<16xi32>
        %parallel_loop3A_822 = tpu.dynamic_gather %parallel_loop3A_812[%parallel_loop3A_821] in [0] : vector<16xf32>, vector<16xi32> -> vector<16xf32>
        %parallel_loop3A_823 = arith.select %ne3A_35, %parallel_loop3A_822, %parallel_loop3A_668 : vector<16xi1>, vector<16xf32>
        %parallel_loop3A_824 = arith.select %ne3A_35, %parallel_loop3A_720, %parallel_loop3A_822 : vector<16xi1>, vector<16xf32>
        %parallel_loop3A_825 = arith.select %ne3A_35, %parallel_loop3A_681, %parallel_loop3A_733 : vector<16xi1>, vector<16xf32>
        %parallel_loop3A_826 = arith.constant 0 : i32
        %parallel_loop3A_827 = vector.broadcast %parallel_loop3A_826 : i32 to vector<16xi32>
        %parallel_loop3A_828 = arith.cmpi slt, %xor3A_13, %parallel_loop3A_827 : vector<16xi32>
        %parallel_loop3A_829 = arith.constant 16 : i32
        %parallel_loop3A_830 = vector.broadcast %parallel_loop3A_829 : i32 to vector<16xi32>
        %parallel_loop3A_831 = arith.addi %xor3A_13, %parallel_loop3A_830 : vector<16xi32>
        %parallel_loop3A_832 = arith.select %parallel_loop3A_828, %parallel_loop3A_831, %xor3A_13 : vector<16xi1>, vector<16xi32>
        %parallel_loop3A_833 = vector.shape_cast %parallel_loop3A_832 : vector<16xi32> to vector<16x1xi32>
        %parallel_loop3A_834 = vector.shape_cast %parallel_loop3A_833 : vector<16x1xi32> to vector<16xi32>
        %parallel_loop3A_835 = tpu.dynamic_gather %parallel_loop3A_825[%parallel_loop3A_834] in [0] : vector<16xf32>, vector<16xi32> -> vector<16xf32>
        %parallel_loop3A_836 = arith.select %ne3A_35, %parallel_loop3A_835, %parallel_loop3A_681 : vector<16xi1>, vector<16xf32>
        %parallel_loop3A_837 = arith.select %ne3A_35, %parallel_loop3A_733, %parallel_loop3A_835 : vector<16xi1>, vector<16xf32>
        %parallel_loop3A_838 = arith.select %ne3A_35, %parallel_loop3A_694, %parallel_loop3A_746 : vector<16xi1>, vector<16xf32>
        %parallel_loop3A_839 = arith.constant 0 : i32
        %parallel_loop3A_840 = vector.broadcast %parallel_loop3A_839 : i32 to vector<16xi32>
        %parallel_loop3A_841 = arith.cmpi slt, %xor3A_13, %parallel_loop3A_840 : vector<16xi32>
        %parallel_loop3A_842 = arith.constant 16 : i32
        %parallel_loop3A_843 = vector.broadcast %parallel_loop3A_842 : i32 to vector<16xi32>
        %parallel_loop3A_844 = arith.addi %xor3A_13, %parallel_loop3A_843 : vector<16xi32>
        %parallel_loop3A_845 = arith.select %parallel_loop3A_841, %parallel_loop3A_844, %xor3A_13 : vector<16xi1>, vector<16xi32>
        %parallel_loop3A_846 = vector.shape_cast %parallel_loop3A_845 : vector<16xi32> to vector<16x1xi32>
        %parallel_loop3A_847 = vector.shape_cast %parallel_loop3A_846 : vector<16x1xi32> to vector<16xi32>
        %parallel_loop3A_848 = tpu.dynamic_gather %parallel_loop3A_838[%parallel_loop3A_847] in [0] : vector<16xf32>, vector<16xi32> -> vector<16xf32>
        %parallel_loop3A_849 = arith.select %ne3A_35, %parallel_loop3A_848, %parallel_loop3A_694 : vector<16xi1>, vector<16xf32>
        %parallel_loop3A_850 = arith.select %ne3A_35, %parallel_loop3A_746, %parallel_loop3A_848 : vector<16xi1>, vector<16xf32>
        %parallel_loop3A_851 = arith.constant 0 : i32
        %parallel_loop3A_852 = arith.addi %parallel_loop3A_322, %parallel_loop3A_851 : i32
        %parallel_loop3A_853 = arith.constant 3 : i32
        %parallel_loop3A_854 = arith.shrsi %parallel_loop3A_852, %parallel_loop3A_853 : i32
        %parallel_loop3A_855 = arith.constant 7 : i32
        %parallel_loop3A_856 = arith.andi %parallel_loop3A_852, %parallel_loop3A_855 : i32
        %parallel_loop3A_857 = arith.constant 0 : i32
        %parallel_loop3A_858 = arith.index_cast %parallel_loop3A_857 : i32 to index
        %parallel_loop3A_859 = arith.index_cast %parallel_loop3A_316 : i32 to index
        %parallel_loop3A_860 = arith.index_cast %parallel_loop3A_854 : i32 to index
        %parallel_loop3A_861 = arith.index_cast %parallel_loop3A_856 : i32 to index
        %parallel_loop3A_862 = arith.index_cast %parallel_loop3A_320 : i32 to index
        %parallel_loop3A_863 = tpu.vector_load %arg7[%parallel_loop3A_858, %parallel_loop3A_859, %parallel_loop3A_860, %parallel_loop3A_861, %parallel_loop3A_862] {strides = array<i32>} : memref<2x2x8x8x128xf32, #tpu.memory_space<vmem>>, vector<16xf32>,
        tpu.vector_store %arg7[%parallel_loop3A_858, %parallel_loop3A_859, %parallel_loop3A_860, %parallel_loop3A_861, %parallel_loop3A_862], %parallel_loop3A_758 {strides = array<i32>} : memref<2x2x8x8x128xf32, #tpu.memory_space<vmem>>, vector<16xf32>,
        %parallel_loop3A_864 = arith.constant 1 : i32
        %parallel_loop3A_865 = arith.addi %parallel_loop3A_322, %parallel_loop3A_864 : i32
        %parallel_loop3A_866 = arith.constant 3 : i32
        %parallel_loop3A_867 = arith.shrsi %parallel_loop3A_865, %parallel_loop3A_866 : i32
        %parallel_loop3A_868 = arith.constant 7 : i32
        %parallel_loop3A_869 = arith.andi %parallel_loop3A_865, %parallel_loop3A_868 : i32
        %parallel_loop3A_870 = arith.constant 0 : i32
        %parallel_loop3A_871 = arith.index_cast %parallel_loop3A_870 : i32 to index
        %parallel_loop3A_872 = arith.index_cast %parallel_loop3A_316 : i32 to index
        %parallel_loop3A_873 = arith.index_cast %parallel_loop3A_867 : i32 to index
        %parallel_loop3A_874 = arith.index_cast %parallel_loop3A_869 : i32 to index
        %parallel_loop3A_875 = arith.index_cast %parallel_loop3A_320 : i32 to index
        %parallel_loop3A_876 = tpu.vector_load %arg7[%parallel_loop3A_871, %parallel_loop3A_872, %parallel_loop3A_873, %parallel_loop3A_874, %parallel_loop3A_875] {strides = array<i32>} : memref<2x2x8x8x128xf32, #tpu.memory_space<vmem>>, vector<16xf32>,
        tpu.vector_store %arg7[%parallel_loop3A_871, %parallel_loop3A_872, %parallel_loop3A_873, %parallel_loop3A_874, %parallel_loop3A_875], %parallel_loop3A_771 {strides = array<i32>} : memref<2x2x8x8x128xf32, #tpu.memory_space<vmem>>, vector<16xf32>,
        %parallel_loop3A_877 = arith.constant 2 : i32
        %parallel_loop3A_878 = arith.addi %parallel_loop3A_322, %parallel_loop3A_877 : i32
        %parallel_loop3A_879 = arith.constant 3 : i32
        %parallel_loop3A_880 = arith.shrsi %parallel_loop3A_878, %parallel_loop3A_879 : i32
        %parallel_loop3A_881 = arith.constant 7 : i32
        %parallel_loop3A_882 = arith.andi %parallel_loop3A_878, %parallel_loop3A_881 : i32
        %parallel_loop3A_883 = arith.constant 0 : i32
        %parallel_loop3A_884 = arith.index_cast %parallel_loop3A_883 : i32 to index
        %parallel_loop3A_885 = arith.index_cast %parallel_loop3A_316 : i32 to index
        %parallel_loop3A_886 = arith.index_cast %parallel_loop3A_880 : i32 to index
        %parallel_loop3A_887 = arith.index_cast %parallel_loop3A_882 : i32 to index
        %parallel_loop3A_888 = arith.index_cast %parallel_loop3A_320 : i32 to index
        %parallel_loop3A_889 = tpu.vector_load %arg7[%parallel_loop3A_884, %parallel_loop3A_885, %parallel_loop3A_886, %parallel_loop3A_887, %parallel_loop3A_888] {strides = array<i32>} : memref<2x2x8x8x128xf32, #tpu.memory_space<vmem>>, vector<16xf32>,
        tpu.vector_store %arg7[%parallel_loop3A_884, %parallel_loop3A_885, %parallel_loop3A_886, %parallel_loop3A_887, %parallel_loop3A_888], %parallel_loop3A_784 {strides = array<i32>} : memref<2x2x8x8x128xf32, #tpu.memory_space<vmem>>, vector<16xf32>,
        %parallel_loop3A_890 = arith.constant 3 : i32
        %parallel_loop3A_891 = arith.addi %parallel_loop3A_322, %parallel_loop3A_890 : i32
        %parallel_loop3A_892 = arith.constant 3 : i32
        %parallel_loop3A_893 = arith.shrsi %parallel_loop3A_891, %parallel_loop3A_892 : i32
        %parallel_loop3A_894 = arith.constant 7 : i32
        %parallel_loop3A_895 = arith.andi %parallel_loop3A_891, %parallel_loop3A_894 : i32
        %parallel_loop3A_896 = arith.constant 0 : i32
        %parallel_loop3A_897 = arith.index_cast %parallel_loop3A_896 : i32 to index
        %parallel_loop3A_898 = arith.index_cast %parallel_loop3A_316 : i32 to index
        %parallel_loop3A_899 = arith.index_cast %parallel_loop3A_893 : i32 to index
        %parallel_loop3A_900 = arith.index_cast %parallel_loop3A_895 : i32 to index
        %parallel_loop3A_901 = arith.index_cast %parallel_loop3A_320 : i32 to index
        %parallel_loop3A_902 = tpu.vector_load %arg7[%parallel_loop3A_897, %parallel_loop3A_898, %parallel_loop3A_899, %parallel_loop3A_900, %parallel_loop3A_901] {strides = array<i32>} : memref<2x2x8x8x128xf32, #tpu.memory_space<vmem>>, vector<16xf32>,
        tpu.vector_store %arg7[%parallel_loop3A_897, %parallel_loop3A_898, %parallel_loop3A_899, %parallel_loop3A_900, %parallel_loop3A_901], %parallel_loop3A_797 {strides = array<i32>} : memref<2x2x8x8x128xf32, #tpu.memory_space<vmem>>, vector<16xf32>,
        %parallel_loop3A_903 = arith.constant 4 : i32
        %parallel_loop3A_904 = arith.addi %parallel_loop3A_322, %parallel_loop3A_903 : i32
        %parallel_loop3A_905 = arith.constant 3 : i32
        %parallel_loop3A_906 = arith.shrsi %parallel_loop3A_904, %parallel_loop3A_905 : i32
        %parallel_loop3A_907 = arith.constant 7 : i32
        %parallel_loop3A_908 = arith.andi %parallel_loop3A_904, %parallel_loop3A_907 : i32
        %parallel_loop3A_909 = arith.constant 0 : i32
        %parallel_loop3A_910 = arith.index_cast %parallel_loop3A_909 : i32 to index
        %parallel_loop3A_911 = arith.index_cast %parallel_loop3A_316 : i32 to index
        %parallel_loop3A_912 = arith.index_cast %parallel_loop3A_906 : i32 to index
        %parallel_loop3A_913 = arith.index_cast %parallel_loop3A_908 : i32 to index
        %parallel_loop3A_914 = arith.index_cast %parallel_loop3A_320 : i32 to index
        %parallel_loop3A_915 = tpu.vector_load %arg7[%parallel_loop3A_910, %parallel_loop3A_911, %parallel_loop3A_912, %parallel_loop3A_913, %parallel_loop3A_914] {strides = array<i32>} : memref<2x2x8x8x128xf32, #tpu.memory_space<vmem>>, vector<16xf32>,
        tpu.vector_store %arg7[%parallel_loop3A_910, %parallel_loop3A_911, %parallel_loop3A_912, %parallel_loop3A_913, %parallel_loop3A_914], %parallel_loop3A_810 {strides = array<i32>} : memref<2x2x8x8x128xf32, #tpu.memory_space<vmem>>, vector<16xf32>,
        %parallel_loop3A_916 = arith.constant 5 : i32
        %parallel_loop3A_917 = arith.addi %parallel_loop3A_322, %parallel_loop3A_916 : i32
        %parallel_loop3A_918 = arith.constant 3 : i32
        %parallel_loop3A_919 = arith.shrsi %parallel_loop3A_917, %parallel_loop3A_918 : i32
        %parallel_loop3A_920 = arith.constant 7 : i32
        %parallel_loop3A_921 = arith.andi %parallel_loop3A_917, %parallel_loop3A_920 : i32
        %parallel_loop3A_922 = arith.constant 0 : i32
        %parallel_loop3A_923 = arith.index_cast %parallel_loop3A_922 : i32 to index
        %parallel_loop3A_924 = arith.index_cast %parallel_loop3A_316 : i32 to index
        %parallel_loop3A_925 = arith.index_cast %parallel_loop3A_919 : i32 to index
        %parallel_loop3A_926 = arith.index_cast %parallel_loop3A_921 : i32 to index
        %parallel_loop3A_927 = arith.index_cast %parallel_loop3A_320 : i32 to index
        %parallel_loop3A_928 = tpu.vector_load %arg7[%parallel_loop3A_923, %parallel_loop3A_924, %parallel_loop3A_925, %parallel_loop3A_926, %parallel_loop3A_927] {strides = array<i32>} : memref<2x2x8x8x128xf32, #tpu.memory_space<vmem>>, vector<16xf32>,
        tpu.vector_store %arg7[%parallel_loop3A_923, %parallel_loop3A_924, %parallel_loop3A_925, %parallel_loop3A_926, %parallel_loop3A_927], %parallel_loop3A_823 {strides = array<i32>} : memref<2x2x8x8x128xf32, #tpu.memory_space<vmem>>, vector<16xf32>,
        %parallel_loop3A_929 = arith.constant 6 : i32
        %parallel_loop3A_930 = arith.addi %parallel_loop3A_322, %parallel_loop3A_929 : i32
        %parallel_loop3A_931 = arith.constant 3 : i32
        %parallel_loop3A_932 = arith.shrsi %parallel_loop3A_930, %parallel_loop3A_931 : i32
        %parallel_loop3A_933 = arith.constant 7 : i32
        %parallel_loop3A_934 = arith.andi %parallel_loop3A_930, %parallel_loop3A_933 : i32
        %parallel_loop3A_935 = arith.constant 0 : i32
        %parallel_loop3A_936 = arith.index_cast %parallel_loop3A_935 : i32 to index
        %parallel_loop3A_937 = arith.index_cast %parallel_loop3A_316 : i32 to index
        %parallel_loop3A_938 = arith.index_cast %parallel_loop3A_932 : i32 to index
        %parallel_loop3A_939 = arith.index_cast %parallel_loop3A_934 : i32 to index
        %parallel_loop3A_940 = arith.index_cast %parallel_loop3A_320 : i32 to index
        %parallel_loop3A_941 = tpu.vector_load %arg7[%parallel_loop3A_936, %parallel_loop3A_937, %parallel_loop3A_938, %parallel_loop3A_939, %parallel_loop3A_940] {strides = array<i32>} : memref<2x2x8x8x128xf32, #tpu.memory_space<vmem>>, vector<16xf32>,
        tpu.vector_store %arg7[%parallel_loop3A_936, %parallel_loop3A_937, %parallel_loop3A_938, %parallel_loop3A_939, %parallel_loop3A_940], %parallel_loop3A_836 {strides = array<i32>} : memref<2x2x8x8x128xf32, #tpu.memory_space<vmem>>, vector<16xf32>,
        %parallel_loop3A_942 = arith.constant 7 : i32
        %parallel_loop3A_943 = arith.addi %parallel_loop3A_322, %parallel_loop3A_942 : i32
        %parallel_loop3A_944 = arith.constant 3 : i32
        %parallel_loop3A_945 = arith.shrsi %parallel_loop3A_943, %parallel_loop3A_944 : i32
        %parallel_loop3A_946 = arith.constant 7 : i32
        %parallel_loop3A_947 = arith.andi %parallel_loop3A_943, %parallel_loop3A_946 : i32
        %parallel_loop3A_948 = arith.constant 0 : i32
        %parallel_loop3A_949 = arith.index_cast %parallel_loop3A_948 : i32 to index
        %parallel_loop3A_950 = arith.index_cast %parallel_loop3A_316 : i32 to index
        %parallel_loop3A_951 = arith.index_cast %parallel_loop3A_945 : i32 to index
        %parallel_loop3A_952 = arith.index_cast %parallel_loop3A_947 : i32 to index
        %parallel_loop3A_953 = arith.index_cast %parallel_loop3A_320 : i32 to index
        %parallel_loop3A_954 = tpu.vector_load %arg7[%parallel_loop3A_949, %parallel_loop3A_950, %parallel_loop3A_951, %parallel_loop3A_952, %parallel_loop3A_953] {strides = array<i32>} : memref<2x2x8x8x128xf32, #tpu.memory_space<vmem>>, vector<16xf32>,
        tpu.vector_store %arg7[%parallel_loop3A_949, %parallel_loop3A_950, %parallel_loop3A_951, %parallel_loop3A_952, %parallel_loop3A_953], %parallel_loop3A_849 {strides = array<i32>} : memref<2x2x8x8x128xf32, #tpu.memory_space<vmem>>, vector<16xf32>,
        %parallel_loop3A_955 = arith.constant 8 : i32
        %parallel_loop3A_956 = arith.addi %parallel_loop3A_322, %parallel_loop3A_955 : i32
        %parallel_loop3A_957 = arith.constant 3 : i32
        %parallel_loop3A_958 = arith.shrsi %parallel_loop3A_956, %parallel_loop3A_957 : i32
        %parallel_loop3A_959 = arith.constant 7 : i32
        %parallel_loop3A_960 = arith.andi %parallel_loop3A_956, %parallel_loop3A_959 : i32
        %parallel_loop3A_961 = arith.constant 0 : i32
        %parallel_loop3A_962 = arith.index_cast %parallel_loop3A_961 : i32 to index
        %parallel_loop3A_963 = arith.index_cast %parallel_loop3A_316 : i32 to index
        %parallel_loop3A_964 = arith.index_cast %parallel_loop3A_958 : i32 to index
        %parallel_loop3A_965 = arith.index_cast %parallel_loop3A_960 : i32 to index
        %parallel_loop3A_966 = arith.index_cast %parallel_loop3A_320 : i32 to index
        %parallel_loop3A_967 = tpu.vector_load %arg7[%parallel_loop3A_962, %parallel_loop3A_963, %parallel_loop3A_964, %parallel_loop3A_965, %parallel_loop3A_966] {strides = array<i32>} : memref<2x2x8x8x128xf32, #tpu.memory_space<vmem>>, vector<16xf32>,
        tpu.vector_store %arg7[%parallel_loop3A_962, %parallel_loop3A_963, %parallel_loop3A_964, %parallel_loop3A_965, %parallel_loop3A_966], %parallel_loop3A_759 {strides = array<i32>} : memref<2x2x8x8x128xf32, #tpu.memory_space<vmem>>, vector<16xf32>,
        %parallel_loop3A_968 = arith.constant 9 : i32
        %parallel_loop3A_969 = arith.addi %parallel_loop3A_322, %parallel_loop3A_968 : i32
        %parallel_loop3A_970 = arith.constant 3 : i32
        %parallel_loop3A_971 = arith.shrsi %parallel_loop3A_969, %parallel_loop3A_970 : i32
        %parallel_loop3A_972 = arith.constant 7 : i32
        %parallel_loop3A_973 = arith.andi %parallel_loop3A_969, %parallel_loop3A_972 : i32
        %parallel_loop3A_974 = arith.constant 0 : i32
        %parallel_loop3A_975 = arith.index_cast %parallel_loop3A_974 : i32 to index
        %parallel_loop3A_976 = arith.index_cast %parallel_loop3A_316 : i32 to index
        %parallel_loop3A_977 = arith.index_cast %parallel_loop3A_971 : i32 to index
        %parallel_loop3A_978 = arith.index_cast %parallel_loop3A_973 : i32 to index
        %parallel_loop3A_979 = arith.index_cast %parallel_loop3A_320 : i32 to index
        %parallel_loop3A_980 = tpu.vector_load %arg7[%parallel_loop3A_975, %parallel_loop3A_976, %parallel_loop3A_977, %parallel_loop3A_978, %parallel_loop3A_979] {strides = array<i32>} : memref<2x2x8x8x128xf32, #tpu.memory_space<vmem>>, vector<16xf32>,
        tpu.vector_store %arg7[%parallel_loop3A_975, %parallel_loop3A_976, %parallel_loop3A_977, %parallel_loop3A_978, %parallel_loop3A_979], %parallel_loop3A_772 {strides = array<i32>} : memref<2x2x8x8x128xf32, #tpu.memory_space<vmem>>, vector<16xf32>,
        %parallel_loop3A_981 = arith.constant 10 : i32
        %parallel_loop3A_982 = arith.addi %parallel_loop3A_322, %parallel_loop3A_981 : i32
        %parallel_loop3A_983 = arith.constant 3 : i32
        %parallel_loop3A_984 = arith.shrsi %parallel_loop3A_982, %parallel_loop3A_983 : i32
        %parallel_loop3A_985 = arith.constant 7 : i32
        %parallel_loop3A_986 = arith.andi %parallel_loop3A_982, %parallel_loop3A_985 : i32
        %parallel_loop3A_987 = arith.constant 0 : i32
        %parallel_loop3A_988 = arith.index_cast %parallel_loop3A_987 : i32 to index
        %parallel_loop3A_989 = arith.index_cast %parallel_loop3A_316 : i32 to index
        %parallel_loop3A_990 = arith.index_cast %parallel_loop3A_984 : i32 to index
        %parallel_loop3A_991 = arith.index_cast %parallel_loop3A_986 : i32 to index
        %parallel_loop3A_992 = arith.index_cast %parallel_loop3A_320 : i32 to index
        %parallel_loop3A_993 = tpu.vector_load %arg7[%parallel_loop3A_988, %parallel_loop3A_989, %parallel_loop3A_990, %parallel_loop3A_991, %parallel_loop3A_992] {strides = array<i32>} : memref<2x2x8x8x128xf32, #tpu.memory_space<vmem>>, vector<16xf32>,
        tpu.vector_store %arg7[%parallel_loop3A_988, %parallel_loop3A_989, %parallel_loop3A_990, %parallel_loop3A_991, %parallel_loop3A_992], %parallel_loop3A_785 {strides = array<i32>} : memref<2x2x8x8x128xf32, #tpu.memory_space<vmem>>, vector<16xf32>,
        %parallel_loop3A_994 = arith.constant 11 : i32
        %parallel_loop3A_995 = arith.addi %parallel_loop3A_322, %parallel_loop3A_994 : i32
        %parallel_loop3A_996 = arith.constant 3 : i32
        %parallel_loop3A_997 = arith.shrsi %parallel_loop3A_995, %parallel_loop3A_996 : i32
        %parallel_loop3A_998 = arith.constant 7 : i32
        %parallel_loop3A_999 = arith.andi %parallel_loop3A_995, %parallel_loop3A_998 : i32
        %parallel_loop3A_1000 = arith.constant 0 : i32
        %parallel_loop3A_1001 = arith.index_cast %parallel_loop3A_1000 : i32 to index
        %parallel_loop3A_1002 = arith.index_cast %parallel_loop3A_316 : i32 to index
        %parallel_loop3A_1003 = arith.index_cast %parallel_loop3A_997 : i32 to index
        %parallel_loop3A_1004 = arith.index_cast %parallel_loop3A_999 : i32 to index
        %parallel_loop3A_1005 = arith.index_cast %parallel_loop3A_320 : i32 to index
        %parallel_loop3A_1006 = tpu.vector_load %arg7[%parallel_loop3A_1001, %parallel_loop3A_1002, %parallel_loop3A_1003, %parallel_loop3A_1004, %parallel_loop3A_1005] {strides = array<i32>} : memref<2x2x8x8x128xf32, #tpu.memory_space<vmem>>, vector<16xf32>,
        tpu.vector_store %arg7[%parallel_loop3A_1001, %parallel_loop3A_1002, %parallel_loop3A_1003, %parallel_loop3A_1004, %parallel_loop3A_1005], %parallel_loop3A_798 {strides = array<i32>} : memref<2x2x8x8x128xf32, #tpu.memory_space<vmem>>, vector<16xf32>,
        %parallel_loop3A_1007 = arith.constant 12 : i32
        %parallel_loop3A_1008 = arith.addi %parallel_loop3A_322, %parallel_loop3A_1007 : i32
        %parallel_loop3A_1009 = arith.constant 3 : i32
        %parallel_loop3A_1010 = arith.shrsi %parallel_loop3A_1008, %parallel_loop3A_1009 : i32
        %parallel_loop3A_1011 = arith.constant 7 : i32
        %parallel_loop3A_1012 = arith.andi %parallel_loop3A_1008, %parallel_loop3A_1011 : i32
        %parallel_loop3A_1013 = arith.constant 0 : i32
        %parallel_loop3A_1014 = arith.index_cast %parallel_loop3A_1013 : i32 to index
        %parallel_loop3A_1015 = arith.index_cast %parallel_loop3A_316 : i32 to index
        %parallel_loop3A_1016 = arith.index_cast %parallel_loop3A_1010 : i32 to index
        %parallel_loop3A_1017 = arith.index_cast %parallel_loop3A_1012 : i32 to index
        %parallel_loop3A_1018 = arith.index_cast %parallel_loop3A_320 : i32 to index
        %parallel_loop3A_1019 = tpu.vector_load %arg7[%parallel_loop3A_1014, %parallel_loop3A_1015, %parallel_loop3A_1016, %parallel_loop3A_1017, %parallel_loop3A_1018] {strides = array<i32>} : memref<2x2x8x8x128xf32, #tpu.memory_space<vmem>>, vector<16xf32>,
        tpu.vector_store %arg7[%parallel_loop3A_1014, %parallel_loop3A_1015, %parallel_loop3A_1016, %parallel_loop3A_1017, %parallel_loop3A_1018], %parallel_loop3A_811 {strides = array<i32>} : memref<2x2x8x8x128xf32, #tpu.memory_space<vmem>>, vector<16xf32>,
        %parallel_loop3A_1020 = arith.constant 13 : i32
        %parallel_loop3A_1021 = arith.addi %parallel_loop3A_322, %parallel_loop3A_1020 : i32
        %parallel_loop3A_1022 = arith.constant 3 : i32
        %parallel_loop3A_1023 = arith.shrsi %parallel_loop3A_1021, %parallel_loop3A_1022 : i32
        %parallel_loop3A_1024 = arith.constant 7 : i32
        %parallel_loop3A_1025 = arith.andi %parallel_loop3A_1021, %parallel_loop3A_1024 : i32
        %parallel_loop3A_1026 = arith.constant 0 : i32
        %parallel_loop3A_1027 = arith.index_cast %parallel_loop3A_1026 : i32 to index
        %parallel_loop3A_1028 = arith.index_cast %parallel_loop3A_316 : i32 to index
        %parallel_loop3A_1029 = arith.index_cast %parallel_loop3A_1023 : i32 to index
        %parallel_loop3A_1030 = arith.index_cast %parallel_loop3A_1025 : i32 to index
        %parallel_loop3A_1031 = arith.index_cast %parallel_loop3A_320 : i32 to index
        %parallel_loop3A_1032 = tpu.vector_load %arg7[%parallel_loop3A_1027, %parallel_loop3A_1028, %parallel_loop3A_1029, %parallel_loop3A_1030, %parallel_loop3A_1031] {strides = array<i32>} : memref<2x2x8x8x128xf32, #tpu.memory_space<vmem>>, vector<16xf32>,
        tpu.vector_store %arg7[%parallel_loop3A_1027, %parallel_loop3A_1028, %parallel_loop3A_1029, %parallel_loop3A_1030, %parallel_loop3A_1031], %parallel_loop3A_824 {strides = array<i32>} : memref<2x2x8x8x128xf32, #tpu.memory_space<vmem>>, vector<16xf32>,
        %parallel_loop3A_1033 = arith.constant 14 : i32
        %parallel_loop3A_1034 = arith.addi %parallel_loop3A_322, %parallel_loop3A_1033 : i32
        %parallel_loop3A_1035 = arith.constant 3 : i32
        %parallel_loop3A_1036 = arith.shrsi %parallel_loop3A_1034, %parallel_loop3A_1035 : i32
        %parallel_loop3A_1037 = arith.constant 7 : i32
        %parallel_loop3A_1038 = arith.andi %parallel_loop3A_1034, %parallel_loop3A_1037 : i32
        %parallel_loop3A_1039 = arith.constant 0 : i32
        %parallel_loop3A_1040 = arith.index_cast %parallel_loop3A_1039 : i32 to index
        %parallel_loop3A_1041 = arith.index_cast %parallel_loop3A_316 : i32 to index
        %parallel_loop3A_1042 = arith.index_cast %parallel_loop3A_1036 : i32 to index
        %parallel_loop3A_1043 = arith.index_cast %parallel_loop3A_1038 : i32 to index
        %parallel_loop3A_1044 = arith.index_cast %parallel_loop3A_320 : i32 to index
        %parallel_loop3A_1045 = tpu.vector_load %arg7[%parallel_loop3A_1040, %parallel_loop3A_1041, %parallel_loop3A_1042, %parallel_loop3A_1043, %parallel_loop3A_1044] {strides = array<i32>} : memref<2x2x8x8x128xf32, #tpu.memory_space<vmem>>, vector<16xf32>,
        tpu.vector_store %arg7[%parallel_loop3A_1040, %parallel_loop3A_1041, %parallel_loop3A_1042, %parallel_loop3A_1043, %parallel_loop3A_1044], %parallel_loop3A_837 {strides = array<i32>} : memref<2x2x8x8x128xf32, #tpu.memory_space<vmem>>, vector<16xf32>,
        %parallel_loop3A_1046 = arith.constant 15 : i32
        %parallel_loop3A_1047 = arith.addi %parallel_loop3A_322, %parallel_loop3A_1046 : i32
        %parallel_loop3A_1048 = arith.constant 3 : i32
        %parallel_loop3A_1049 = arith.shrsi %parallel_loop3A_1047, %parallel_loop3A_1048 : i32
        %parallel_loop3A_1050 = arith.constant 7 : i32
        %parallel_loop3A_1051 = arith.andi %parallel_loop3A_1047, %parallel_loop3A_1050 : i32
        %parallel_loop3A_1052 = arith.constant 0 : i32
        %parallel_loop3A_1053 = arith.index_cast %parallel_loop3A_1052 : i32 to index
        %parallel_loop3A_1054 = arith.index_cast %parallel_loop3A_316 : i32 to index
        %parallel_loop3A_1055 = arith.index_cast %parallel_loop3A_1049 : i32 to index
        %parallel_loop3A_1056 = arith.index_cast %parallel_loop3A_1051 : i32 to index
        %parallel_loop3A_1057 = arith.index_cast %parallel_loop3A_320 : i32 to index
        %parallel_loop3A_1058 = tpu.vector_load %arg7[%parallel_loop3A_1053, %parallel_loop3A_1054, %parallel_loop3A_1055, %parallel_loop3A_1056, %parallel_loop3A_1057] {strides = array<i32>} : memref<2x2x8x8x128xf32, #tpu.memory_space<vmem>>, vector<16xf32>,
        tpu.vector_store %arg7[%parallel_loop3A_1053, %parallel_loop3A_1054, %parallel_loop3A_1055, %parallel_loop3A_1056, %parallel_loop3A_1057], %parallel_loop3A_850 {strides = array<i32>} : memref<2x2x8x8x128xf32, #tpu.memory_space<vmem>>, vector<16xf32>,
      } {sc.loop_unroll_factor = 2 : i64, sc.parallel_access}
      %mul3A_205 = arith.constant 2 : i32
      %mul3A_206 = arith.muli %mul3A_205, %add3A_165 : i32
      %dma_start3A_207 = arith.constant 0 : i32
      %dma_start3A_208 = arith.constant 0 : i32
      %dma_start3A_209 = arith.constant 0 : i32
      %dma_start3A_210 = arith.constant 0 : i32
      %dma_start3A_211 = arith.constant 0 : i32
      %dma_start3A_212 = arith.constant 0 : i32
      %dma_start3A_213 = tpu.memref_slice %arg7[%dma_start3A_207, %dma_start3A_209, %dma_start3A_210, %dma_start3A_211, %dma_start3A_212] : memref<2x2x8x8x128xf32, #tpu.memory_space<vmem>> -> memref<1x2x8x8x128xf32, #tpu.memory_space<vmem>>
      %dma_start3A_214 = tpu.memref_squeeze %dma_start3A_213 : memref<1x2x8x8x128xf32, #tpu.memory_space<vmem>> -> memref<2x8x8x128xf32, #tpu.memory_space<vmem>>
      %dma_start3A_215 = arith.constant 0 : i32
      %dma_start3A_216 = arith.constant 0 : i32
      %dma_start3A_217 = arith.constant 0 : i32
      %dma_start3A_218 = tpu.memref_slice %arg4[%mul3A_206, %dma_start3A_215, %add3A, %dma_start3A_216, %dma_start3A_217] : memref<200x8x32x8x128xf32, #tpu.memory_space<hbm>> -> memref<2x8x1x8x128xf32, #tpu.memory_space<hbm>>
      %dma_start3A_219 = tpu.memref_squeeze %dma_start3A_218 : memref<2x8x1x8x128xf32, #tpu.memory_space<hbm>> -> memref<2x8x8x128xf32, #tpu.memory_space<hbm>>
      %dma_start3A_220 = tpu.memref_slice %arg9[%dma_start3A_208] : memref<2x!tpu.dma_semaphore, #tpu.memory_space<semaphore_mem>> -> memref<1x!tpu.dma_semaphore, #tpu.memory_space<semaphore_mem>>
      %dma_start3A_221 = tpu.memref_squeeze %dma_start3A_220 : memref<1x!tpu.dma_semaphore, #tpu.memory_space<semaphore_mem>> -> memref<!tpu.dma_semaphore, #tpu.memory_space<semaphore_mem>>
      %dma_start3A_222 = arith.constant 0 : i32
      %dma_start3A_223 = arith.constant 0 : i32
      %dma_start3A_224 = arith.constant 0 : i32
      %dma_start3A_225 = tpu.memref_slice %arg4[%mul3A_206, %dma_start3A_222, %add3A, %dma_start3A_223, %dma_start3A_224] : memref<200x8x32x8x128xf32, #tpu.memory_space<hbm>> -> memref<2x8x1x8x128xf32, #tpu.memory_space<hbm>>
      %dma_start3A_226 = tpu.memref_squeeze %dma_start3A_225 : memref<2x8x1x8x128xf32, #tpu.memory_space<hbm>> -> memref<2x8x8x128xf32, #tpu.memory_space<hbm>>
      %dma_start3A_227 = arith.constant 0 : i32
      %dma_start3A_228 = arith.constant 0 : i32
      %dma_start3A_229 = arith.constant 0 : i32
      %dma_start3A_230 = arith.constant 0 : i32
      %dma_start3A_231 = tpu.memref_slice %arg7[%dma_start3A_207, %dma_start3A_227, %dma_start3A_228, %dma_start3A_229, %dma_start3A_230] : memref<2x2x8x8x128xf32, #tpu.memory_space<vmem>> -> memref<1x2x8x8x128xf32, #tpu.memory_space<vmem>>
      %dma_start3A_232 = tpu.memref_squeeze %dma_start3A_231 : memref<1x2x8x8x128xf32, #tpu.memory_space<vmem>> -> memref<2x8x8x128xf32, #tpu.memory_space<vmem>>
      tpu.enqueue_dma source(%dma_start3A_232 : memref<2x8x8x128xf32, #tpu.memory_space<vmem>>) target(%dma_start3A_226 : memref<2x8x8x128xf32, #tpu.memory_space<hbm>>) target_semaphore(%dma_start3A_221 : memref<!tpu.dma_semaphore, #tpu.memory_space<semaphore_mem>>)
      %mul3A_233 = arith.constant 2 : i32
      %mul3A_234 = arith.muli %mul3A_233, %scan3A_161 : i32
      %add3A_235 = arith.constant 1 : i32
      %add3A_236 = arith.addi %mul3A_234, %add3A_235 : i32
      %rem3A_237 = arith.constant 3 : i32
      %rem3A_238 = arith.remsi %add3A_236, %rem3A_237 : i32
      %dma_wait3A_239 = arith.constant 0 : i32
      %dma_wait3A_240 = arith.constant 0 : i32
      %dma_wait3A_241 = arith.constant 0 : i32
      %dma_wait3A_242 = arith.constant 0 : i32
      %dma_wait3A_243 = tpu.memref_slice %arg6[%rem3A_238, %dma_wait3A_240, %dma_wait3A_241, %dma_wait3A_242] : memref<3x2x128x64xf32, #tpu.memory_space<vmem>> -> memref<1x1x128x64xf32, #tpu.memory_space<vmem>>
      %dma_wait3A_244 = tpu.memref_squeeze %dma_wait3A_243 : memref<1x1x128x64xf32, #tpu.memory_space<vmem>> -> memref<128x64xf32, #tpu.memory_space<vmem>>
      %dma_wait3A_245 = arith.constant 0 : i32
      %dma_wait3A_246 = tpu.memref_slice %arg5[%dma_wait3A_239, %dma_wait3A_245] : memref<200x128xi32, #tpu.memory_space<vmem>> -> memref<1x128xi32, #tpu.memory_space<vmem>>
      %dma_wait3A_247 = tpu.memref_squeeze %dma_wait3A_246 : memref<1x128xi32, #tpu.memory_space<vmem>> -> memref<128xi32, #tpu.memory_space<vmem>>
      %dma_wait3A_248 = arith.constant 0 : i32
      %dma_wait3A_249 = arith.constant 0 : i32
      %dma_wait3A_250 = tpu.memref_slice %arg2[%dma_wait3A_248, %dma_wait3A_249] : memref<100000x64xf32, #tpu.memory_space<hbm>> -> memref<100000x64xf32, #tpu.memory_space<hbm>>
      %dma_wait3A_251 = tpu.memref_slice %arg8[%rem3A_238] : memref<3x!tpu.dma_semaphore, #tpu.memory_space<semaphore_mem>> -> memref<1x!tpu.dma_semaphore, #tpu.memory_space<semaphore_mem>>
      %dma_wait3A_252 = tpu.memref_squeeze %dma_wait3A_251 : memref<1x!tpu.dma_semaphore, #tpu.memory_space<semaphore_mem>> -> memref<!tpu.dma_semaphore, #tpu.memory_space<semaphore_mem>>
      tpu.wait_indirect_dma semaphore(%dma_wait3A_252 : memref<!tpu.dma_semaphore, #tpu.memory_space<semaphore_mem>>) src(%dma_wait3A_250 : memref<100000x64xf32, #tpu.memory_space<hbm>>) dst(%dma_wait3A_244 : memref<128x64xf32, #tpu.memory_space<vmem>>)
      %dma_wait3A_253 = arith.constant 0 : i32
      %dma_wait3A_254 = arith.constant 1 : i32
      %dma_wait3A_255 = arith.constant 0 : i32
      %dma_wait3A_256 = arith.constant 0 : i32
      %dma_wait3A_257 = tpu.memref_slice %arg6[%rem3A_238, %dma_wait3A_254, %dma_wait3A_255, %dma_wait3A_256] : memref<3x2x128x64xf32, #tpu.memory_space<vmem>> -> memref<1x1x128x64xf32, #tpu.memory_space<vmem>>
      %dma_wait3A_258 = tpu.memref_squeeze %dma_wait3A_257 : memref<1x1x128x64xf32, #tpu.memory_space<vmem>> -> memref<128x64xf32, #tpu.memory_space<vmem>>
      %dma_wait3A_259 = arith.constant 0 : i32
      %dma_wait3A_260 = tpu.memref_slice %arg5[%dma_wait3A_253, %dma_wait3A_259] : memref<200x128xi32, #tpu.memory_space<vmem>> -> memref<1x128xi32, #tpu.memory_space<vmem>>
      %dma_wait3A_261 = tpu.memref_squeeze %dma_wait3A_260 : memref<1x128xi32, #tpu.memory_space<vmem>> -> memref<128xi32, #tpu.memory_space<vmem>>
      %dma_wait3A_262 = arith.constant 0 : i32
      %dma_wait3A_263 = arith.constant 0 : i32
      %dma_wait3A_264 = tpu.memref_slice %arg2[%dma_wait3A_262, %dma_wait3A_263] : memref<100000x64xf32, #tpu.memory_space<hbm>> -> memref<100000x64xf32, #tpu.memory_space<hbm>>
      %dma_wait3A_265 = tpu.memref_slice %arg8[%rem3A_238] : memref<3x!tpu.dma_semaphore, #tpu.memory_space<semaphore_mem>> -> memref<1x!tpu.dma_semaphore, #tpu.memory_space<semaphore_mem>>
      %dma_wait3A_266 = tpu.memref_squeeze %dma_wait3A_265 : memref<1x!tpu.dma_semaphore, #tpu.memory_space<semaphore_mem>> -> memref<!tpu.dma_semaphore, #tpu.memory_space<semaphore_mem>>
      tpu.wait_indirect_dma semaphore(%dma_wait3A_266 : memref<!tpu.dma_semaphore, #tpu.memory_space<semaphore_mem>>) src(%dma_wait3A_264 : memref<100000x64xf32, #tpu.memory_space<hbm>>) dst(%dma_wait3A_258 : memref<128x64xf32, #tpu.memory_space<vmem>>)
      %add3A_267 = arith.constant 2 : i32
      %add3A_268 = arith.addi %add3A_236, %add3A_267 : i32
      %lt3A_269 = arith.constant 100 : i32
      %lt3A_270 = arith.cmpi slt, %add3A_268, %lt3A_269 : i32
      %convert_element_type3A_271 = arith.extui %lt3A_270 : i1 to i32
      %cond3A_272 = arith.constant 0 : i32
      %cond3A_273 = arith.cmpi ne, %convert_element_type3A_271, %cond3A_272 : i32
      scf.if %cond3A_273 {
        %add3A_310 = arith.constant 2 : i32
        %add3A_311 = arith.addi %add3A_236, %add3A_310 : i32
        %add3A_312 = arith.constant 2 : i32
        %add3A_313 = arith.addi %add3A_236, %add3A_312 : i32
        %rem3A_314 = arith.constant 3 : i32
        %rem3A_315 = arith.remsi %add3A_313, %rem3A_314 : i32
        %mul3A_316 = arith.constant 2 : i32
        %mul3A_317 = arith.muli %mul3A_316, %add3A_311 : i32
        %add3A_318 = arith.constant 0 : i32
        %add3A_319 = arith.addi %mul3A_317, %add3A_318 : i32
        %dma_start3A_320 = arith.constant 0 : i32
        %dma_start3A_321 = arith.constant 0 : i32
        %dma_start3A_322 = arith.constant 0 : i32
        %dma_start3A_323 = tpu.memref_slice %arg6[%rem3A_315, %dma_start3A_320, %dma_start3A_321, %dma_start3A_322] : memref<3x2x128x64xf32, #tpu.memory_space<vmem>> -> memref<1x1x128x64xf32, #tpu.memory_space<vmem>>
        %dma_start3A_324 = tpu.memref_squeeze %dma_start3A_323 : memref<1x1x128x64xf32, #tpu.memory_space<vmem>> -> memref<128x64xf32, #tpu.memory_space<vmem>>
        %dma_start3A_325 = arith.constant 0 : i32
        %dma_start3A_326 = tpu.memref_slice %arg5[%add3A_319, %dma_start3A_325] : memref<200x128xi32, #tpu.memory_space<vmem>> -> memref<1x128xi32, #tpu.memory_space<vmem>>
        %dma_start3A_327 = tpu.memref_squeeze %dma_start3A_326 : memref<1x128xi32, #tpu.memory_space<vmem>> -> memref<128xi32, #tpu.memory_space<vmem>>
        %dma_start3A_328 = arith.constant 0 : i32
        %dma_start3A_329 = arith.constant 0 : i32
        %dma_start3A_330 = tpu.memref_slice %arg2[%dma_start3A_328, %dma_start3A_329] : memref<100000x64xf32, #tpu.memory_space<hbm>> -> memref<100000x64xf32, #tpu.memory_space<hbm>>
        %dma_start3A_331 = tpu.memref_slice %arg8[%rem3A_315] : memref<3x!tpu.dma_semaphore, #tpu.memory_space<semaphore_mem>> -> memref<1x!tpu.dma_semaphore, #tpu.memory_space<semaphore_mem>>
        %dma_start3A_332 = tpu.memref_squeeze %dma_start3A_331 : memref<1x!tpu.dma_semaphore, #tpu.memory_space<semaphore_mem>> -> memref<!tpu.dma_semaphore, #tpu.memory_space<semaphore_mem>>
        tpu.enqueue_indirect_dma source(%dma_start3A_330 : memref<100000x64xf32, #tpu.memory_space<hbm>>) target(%dma_start3A_324 : memref<128x64xf32, #tpu.memory_space<vmem>>) offsets(%dma_start3A_327 : memref<128xi32, #tpu.memory_space<vmem>>) semaphore(%dma_start3A_332 : memref<!tpu.dma_semaphore, #tpu.memory_space<semaphore_mem>>)
        %mul3A_333 = arith.constant 2 : i32
        %mul3A_334 = arith.muli %mul3A_333, %add3A_311 : i32
        %add3A_335 = arith.constant 1 : i32
        %add3A_336 = arith.addi %mul3A_334, %add3A_335 : i32
        %dma_start3A_337 = arith.constant 1 : i32
        %dma_start3A_338 = arith.constant 0 : i32
        %dma_start3A_339 = arith.constant 0 : i32
        %dma_start3A_340 = tpu.memref_slice %arg6[%rem3A_315, %dma_start3A_337, %dma_start3A_338, %dma_start3A_339] : memref<3x2x128x64xf32, #tpu.memory_space<vmem>> -> memref<1x1x128x64xf32, #tpu.memory_space<vmem>>
        %dma_start3A_341 = tpu.memref_squeeze %dma_start3A_340 : memref<1x1x128x64xf32, #tpu.memory_space<vmem>> -> memref<128x64xf32, #tpu.memory_space<vmem>>
        %dma_start3A_342 = arith.constant 0 : i32
        %dma_start3A_343 = tpu.memref_slice %arg5[%add3A_336, %dma_start3A_342] : memref<200x128xi32, #tpu.memory_space<vmem>> -> memref<1x128xi32, #tpu.memory_space<vmem>>
        %dma_start3A_344 = tpu.memref_squeeze %dma_start3A_343 : memref<1x128xi32, #tpu.memory_space<vmem>> -> memref<128xi32, #tpu.memory_space<vmem>>
        %dma_start3A_345 = arith.constant 0 : i32
        %dma_start3A_346 = arith.constant 0 : i32
        %dma_start3A_347 = tpu.memref_slice %arg2[%dma_start3A_345, %dma_start3A_346] : memref<100000x64xf32, #tpu.memory_space<hbm>> -> memref<100000x64xf32, #tpu.memory_space<hbm>>
        %dma_start3A_348 = tpu.memref_slice %arg8[%rem3A_315] : memref<3x!tpu.dma_semaphore, #tpu.memory_space<semaphore_mem>> -> memref<1x!tpu.dma_semaphore, #tpu.memory_space<semaphore_mem>>
        %dma_start3A_349 = tpu.memref_squeeze %dma_start3A_348 : memref<1x!tpu.dma_semaphore, #tpu.memory_space<semaphore_mem>> -> memref<!tpu.dma_semaphore, #tpu.memory_space<semaphore_mem>>
        tpu.enqueue_indirect_dma source(%dma_start3A_347 : memref<100000x64xf32, #tpu.memory_space<hbm>>) target(%dma_start3A_341 : memref<128x64xf32, #tpu.memory_space<vmem>>) offsets(%dma_start3A_344 : memref<128xi32, #tpu.memory_space<vmem>>) semaphore(%dma_start3A_349 : memref<!tpu.dma_semaphore, #tpu.memory_space<semaphore_mem>>)
      } else {
      }
      %ge3A_274 = arith.constant 2 : i32
      %ge3A_275 = arith.cmpi sge, %add3A_236, %ge3A_274 : i32
      %convert_element_type3A_276 = arith.extui %ge3A_275 : i1 to i32
      %cond3A_277 = arith.constant 0 : i32
      %cond3A_278 = arith.cmpi ne, %convert_element_type3A_276, %cond3A_277 : i32
      scf.if %cond3A_278 {
        %dma_wait3A_310 = arith.constant 0 : i32
        %dma_wait3A_311 = arith.constant 1 : i32
        %dma_wait3A_312 = arith.constant 1 : i32
        %dma_wait3A_313 = arith.constant 0 : i32
        %dma_wait3A_314 = arith.constant 0 : i32
        %dma_wait3A_315 = arith.constant 0 : i32
        %dma_wait3A_316 = arith.constant 0 : i32
        %dma_wait3A_317 = tpu.memref_slice %arg7[%dma_wait3A_311, %dma_wait3A_313, %dma_wait3A_314, %dma_wait3A_315, %dma_wait3A_316] : memref<2x2x8x8x128xf32, #tpu.memory_space<vmem>> -> memref<1x2x8x8x128xf32, #tpu.memory_space<vmem>>
        %dma_wait3A_318 = tpu.memref_squeeze %dma_wait3A_317 : memref<1x2x8x8x128xf32, #tpu.memory_space<vmem>> -> memref<2x8x8x128xf32, #tpu.memory_space<vmem>>
        %dma_wait3A_319 = arith.constant 0 : i32
        %dma_wait3A_320 = arith.constant 0 : i32
        %dma_wait3A_321 = arith.constant 0 : i32
        %dma_wait3A_322 = arith.constant 0 : i32
        %dma_wait3A_323 = tpu.memref_slice %arg4[%dma_wait3A_319, %dma_wait3A_320, %dma_wait3A_310, %dma_wait3A_321, %dma_wait3A_322] : memref<200x8x32x8x128xf32, #tpu.memory_space<hbm>> -> memref<2x8x1x8x128xf32, #tpu.memory_space<hbm>>
        %dma_wait3A_324 = tpu.memref_squeeze %dma_wait3A_323 : memref<2x8x1x8x128xf32, #tpu.memory_space<hbm>> -> memref<2x8x8x128xf32, #tpu.memory_space<hbm>>
        %dma_wait3A_325 = tpu.memref_slice %arg9[%dma_wait3A_312] : memref<2x!tpu.dma_semaphore, #tpu.memory_space<semaphore_mem>> -> memref<1x!tpu.dma_semaphore, #tpu.memory_space<semaphore_mem>>
        %dma_wait3A_326 = tpu.memref_squeeze %dma_wait3A_325 : memref<1x!tpu.dma_semaphore, #tpu.memory_space<semaphore_mem>> -> memref<!tpu.dma_semaphore, #tpu.memory_space<semaphore_mem>>
        %dma_wait3A_327 = arith.constant 0 : i32
        %dma_wait3A_328 = arith.constant 0 : i32
        %dma_wait3A_329 = arith.constant 0 : i32
        %dma_wait3A_330 = arith.constant 0 : i32
        %dma_wait3A_331 = tpu.memref_slice %arg7[%dma_wait3A_311, %dma_wait3A_327, %dma_wait3A_328, %dma_wait3A_329, %dma_wait3A_330] : memref<2x2x8x8x128xf32, #tpu.memory_space<vmem>> -> memref<1x2x8x8x128xf32, #tpu.memory_space<vmem>>
        %dma_wait3A_332 = tpu.memref_squeeze %dma_wait3A_331 : memref<1x2x8x8x128xf32, #tpu.memory_space<vmem>> -> memref<2x8x8x128xf32, #tpu.memory_space<vmem>>
        %dma_wait3A_333 = arith.constant 0 : i32
        %dma_wait3A_334 = arith.constant 0 : i32
        %dma_wait3A_335 = arith.constant 0 : i32
        %dma_wait3A_336 = arith.constant 0 : i32
        %dma_wait3A_337 = tpu.memref_slice %arg4[%dma_wait3A_333, %dma_wait3A_334, %dma_wait3A_310, %dma_wait3A_335, %dma_wait3A_336] : memref<200x8x32x8x128xf32, #tpu.memory_space<hbm>> -> memref<2x8x1x8x128xf32, #tpu.memory_space<hbm>>
        %dma_wait3A_338 = tpu.memref_squeeze %dma_wait3A_337 : memref<2x8x1x8x128xf32, #tpu.memory_space<hbm>> -> memref<2x8x8x128xf32, #tpu.memory_space<hbm>>
        tpu.wait_dma2 semaphore(%dma_wait3A_326 : memref<!tpu.dma_semaphore, #tpu.memory_space<semaphore_mem>>) src(%dma_wait3A_338 : memref<2x8x8x128xf32, #tpu.memory_space<hbm>>) dst(%dma_wait3A_332 : memref<2x8x8x128xf32, #tpu.memory_space<vmem>>)
      } else {
      }
      %parallel_loop3A_279 = arith.constant 0 : i32
      %parallel_loop3A_280 = arith.constant 64 : i32
      %parallel_loop3A_281 = arith.constant 1 : i32
      scf.for %parallel_loop3A_310 = %parallel_loop3A_279 to %parallel_loop3A_280 step %parallel_loop3A_281  : i32 {
        %parallel_loop3A_311 = arith.constant 3 : i32
        %parallel_loop3A_312 = arith.shrsi %parallel_loop3A_310, %parallel_loop3A_311 : i32
        %parallel_loop3A_313 = arith.constant 2 : i32
        %parallel_loop3A_314 = arith.shrsi %parallel_loop3A_310, %parallel_loop3A_313 : i32
        %parallel_loop3A_315 = arith.constant 1 : i32
        %parallel_loop3A_316 = arith.andi %parallel_loop3A_314, %parallel_loop3A_315 : i32
        %parallel_loop3A_317 = arith.constant 3 : i32
        %parallel_loop3A_318 = arith.andi %parallel_loop3A_310, %parallel_loop3A_317 : i32
        %parallel_loop3A_319 = arith.constant 16 : i32
        %parallel_loop3A_320 = arith.muli %parallel_loop3A_319, %parallel_loop3A_312 : i32
        %parallel_loop3A_321 = arith.constant 16 : i32
        %parallel_loop3A_322 = arith.muli %parallel_loop3A_321, %parallel_loop3A_318 : i32
        %parallel_loop3A_323 = arith.constant 0 : i32
        %parallel_loop3A_324 = arith.addi %parallel_loop3A_320, %parallel_loop3A_323 : i32
        %parallel_loop3A_325 = arith.index_cast %rem3A_238 : i32 to index
        %parallel_loop3A_326 = arith.index_cast %parallel_loop3A_316 : i32 to index
        %parallel_loop3A_327 = arith.index_cast %parallel_loop3A_324 : i32 to index
        %parallel_loop3A_328 = arith.index_cast %parallel_loop3A_322 : i32 to index
        %parallel_loop3A_329 = tpu.vector_load %arg6[%parallel_loop3A_325, %parallel_loop3A_326, %parallel_loop3A_327, %parallel_loop3A_328] {strides = array<i32>} : memref<3x2x128x64xf32, #tpu.memory_space<vmem>>, vector<16xf32>,
        %parallel_loop3A_330 = arith.constant 1 : i32
        %parallel_loop3A_331 = arith.addi %parallel_loop3A_320, %parallel_loop3A_330 : i32
        %parallel_loop3A_332 = arith.index_cast %rem3A_238 : i32 to index
        %parallel_loop3A_333 = arith.index_cast %parallel_loop3A_316 : i32 to index
        %parallel_loop3A_334 = arith.index_cast %parallel_loop3A_331 : i32 to index
        %parallel_loop3A_335 = arith.index_cast %parallel_loop3A_322 : i32 to index
        %parallel_loop3A_336 = tpu.vector_load %arg6[%parallel_loop3A_332, %parallel_loop3A_333, %parallel_loop3A_334, %parallel_loop3A_335] {strides = array<i32>} : memref<3x2x128x64xf32, #tpu.memory_space<vmem>>, vector<16xf32>,
        %parallel_loop3A_337 = arith.constant 2 : i32
        %parallel_loop3A_338 = arith.addi %parallel_loop3A_320, %parallel_loop3A_337 : i32
        %parallel_loop3A_339 = arith.index_cast %rem3A_238 : i32 to index
        %parallel_loop3A_340 = arith.index_cast %parallel_loop3A_316 : i32 to index
        %parallel_loop3A_341 = arith.index_cast %parallel_loop3A_338 : i32 to index
        %parallel_loop3A_342 = arith.index_cast %parallel_loop3A_322 : i32 to index
        %parallel_loop3A_343 = tpu.vector_load %arg6[%parallel_loop3A_339, %parallel_loop3A_340, %parallel_loop3A_341, %parallel_loop3A_342] {strides = array<i32>} : memref<3x2x128x64xf32, #tpu.memory_space<vmem>>, vector<16xf32>,
        %parallel_loop3A_344 = arith.constant 3 : i32
        %parallel_loop3A_345 = arith.addi %parallel_loop3A_320, %parallel_loop3A_344 : i32
        %parallel_loop3A_346 = arith.index_cast %rem3A_238 : i32 to index
        %parallel_loop3A_347 = arith.index_cast %parallel_loop3A_316 : i32 to index
        %parallel_loop3A_348 = arith.index_cast %parallel_loop3A_345 : i32 to index
        %parallel_loop3A_349 = arith.index_cast %parallel_loop3A_322 : i32 to index
        %parallel_loop3A_350 = tpu.vector_load %arg6[%parallel_loop3A_346, %parallel_loop3A_347, %parallel_loop3A_348, %parallel_loop3A_349] {strides = array<i32>} : memref<3x2x128x64xf32, #tpu.memory_space<vmem>>, vector<16xf32>,
        %parallel_loop3A_351 = arith.constant 4 : i32
        %parallel_loop3A_352 = arith.addi %parallel_loop3A_320, %parallel_loop3A_351 : i32
        %parallel_loop3A_353 = arith.index_cast %rem3A_238 : i32 to index
        %parallel_loop3A_354 = arith.index_cast %parallel_loop3A_316 : i32 to index
        %parallel_loop3A_355 = arith.index_cast %parallel_loop3A_352 : i32 to index
        %parallel_loop3A_356 = arith.index_cast %parallel_loop3A_322 : i32 to index
        %parallel_loop3A_357 = tpu.vector_load %arg6[%parallel_loop3A_353, %parallel_loop3A_354, %parallel_loop3A_355, %parallel_loop3A_356] {strides = array<i32>} : memref<3x2x128x64xf32, #tpu.memory_space<vmem>>, vector<16xf32>,
        %parallel_loop3A_358 = arith.constant 5 : i32
        %parallel_loop3A_359 = arith.addi %parallel_loop3A_320, %parallel_loop3A_358 : i32
        %parallel_loop3A_360 = arith.index_cast %rem3A_238 : i32 to index
        %parallel_loop3A_361 = arith.index_cast %parallel_loop3A_316 : i32 to index
        %parallel_loop3A_362 = arith.index_cast %parallel_loop3A_359 : i32 to index
        %parallel_loop3A_363 = arith.index_cast %parallel_loop3A_322 : i32 to index
        %parallel_loop3A_364 = tpu.vector_load %arg6[%parallel_loop3A_360, %parallel_loop3A_361, %parallel_loop3A_362, %parallel_loop3A_363] {strides = array<i32>} : memref<3x2x128x64xf32, #tpu.memory_space<vmem>>, vector<16xf32>,
        %parallel_loop3A_365 = arith.constant 6 : i32
        %parallel_loop3A_366 = arith.addi %parallel_loop3A_320, %parallel_loop3A_365 : i32
        %parallel_loop3A_367 = arith.index_cast %rem3A_238 : i32 to index
        %parallel_loop3A_368 = arith.index_cast %parallel_loop3A_316 : i32 to index
        %parallel_loop3A_369 = arith.index_cast %parallel_loop3A_366 : i32 to index
        %parallel_loop3A_370 = arith.index_cast %parallel_loop3A_322 : i32 to index
        %parallel_loop3A_371 = tpu.vector_load %arg6[%parallel_loop3A_367, %parallel_loop3A_368, %parallel_loop3A_369, %parallel_loop3A_370] {strides = array<i32>} : memref<3x2x128x64xf32, #tpu.memory_space<vmem>>, vector<16xf32>,
        %parallel_loop3A_372 = arith.constant 7 : i32
        %parallel_loop3A_373 = arith.addi %parallel_loop3A_320, %parallel_loop3A_372 : i32
        %parallel_loop3A_374 = arith.index_cast %rem3A_238 : i32 to index
        %parallel_loop3A_375 = arith.index_cast %parallel_loop3A_316 : i32 to index
        %parallel_loop3A_376 = arith.index_cast %parallel_loop3A_373 : i32 to index
        %parallel_loop3A_377 = arith.index_cast %parallel_loop3A_322 : i32 to index
        %parallel_loop3A_378 = tpu.vector_load %arg6[%parallel_loop3A_374, %parallel_loop3A_375, %parallel_loop3A_376, %parallel_loop3A_377] {strides = array<i32>} : memref<3x2x128x64xf32, #tpu.memory_space<vmem>>, vector<16xf32>,
        %parallel_loop3A_379 = arith.constant 8 : i32
        %parallel_loop3A_380 = arith.addi %parallel_loop3A_320, %parallel_loop3A_379 : i32
        %parallel_loop3A_381 = arith.index_cast %rem3A_238 : i32 to index
        %parallel_loop3A_382 = arith.index_cast %parallel_loop3A_316 : i32 to index
        %parallel_loop3A_383 = arith.index_cast %parallel_loop3A_380 : i32 to index
        %parallel_loop3A_384 = arith.index_cast %parallel_loop3A_322 : i32 to index
        %parallel_loop3A_385 = tpu.vector_load %arg6[%parallel_loop3A_381, %parallel_loop3A_382, %parallel_loop3A_383, %parallel_loop3A_384] {strides = array<i32>} : memref<3x2x128x64xf32, #tpu.memory_space<vmem>>, vector<16xf32>,
        %parallel_loop3A_386 = arith.constant 9 : i32
        %parallel_loop3A_387 = arith.addi %parallel_loop3A_320, %parallel_loop3A_386 : i32
        %parallel_loop3A_388 = arith.index_cast %rem3A_238 : i32 to index
        %parallel_loop3A_389 = arith.index_cast %parallel_loop3A_316 : i32 to index
        %parallel_loop3A_390 = arith.index_cast %parallel_loop3A_387 : i32 to index
        %parallel_loop3A_391 = arith.index_cast %parallel_loop3A_322 : i32 to index
        %parallel_loop3A_392 = tpu.vector_load %arg6[%parallel_loop3A_388, %parallel_loop3A_389, %parallel_loop3A_390, %parallel_loop3A_391] {strides = array<i32>} : memref<3x2x128x64xf32, #tpu.memory_space<vmem>>, vector<16xf32>,
        %parallel_loop3A_393 = arith.constant 10 : i32
        %parallel_loop3A_394 = arith.addi %parallel_loop3A_320, %parallel_loop3A_393 : i32
        %parallel_loop3A_395 = arith.index_cast %rem3A_238 : i32 to index
        %parallel_loop3A_396 = arith.index_cast %parallel_loop3A_316 : i32 to index
        %parallel_loop3A_397 = arith.index_cast %parallel_loop3A_394 : i32 to index
        %parallel_loop3A_398 = arith.index_cast %parallel_loop3A_322 : i32 to index
        %parallel_loop3A_399 = tpu.vector_load %arg6[%parallel_loop3A_395, %parallel_loop3A_396, %parallel_loop3A_397, %parallel_loop3A_398] {strides = array<i32>} : memref<3x2x128x64xf32, #tpu.memory_space<vmem>>, vector<16xf32>,
        %parallel_loop3A_400 = arith.constant 11 : i32
        %parallel_loop3A_401 = arith.addi %parallel_loop3A_320, %parallel_loop3A_400 : i32
        %parallel_loop3A_402 = arith.index_cast %rem3A_238 : i32 to index
        %parallel_loop3A_403 = arith.index_cast %parallel_loop3A_316 : i32 to index
        %parallel_loop3A_404 = arith.index_cast %parallel_loop3A_401 : i32 to index
        %parallel_loop3A_405 = arith.index_cast %parallel_loop3A_322 : i32 to index
        %parallel_loop3A_406 = tpu.vector_load %arg6[%parallel_loop3A_402, %parallel_loop3A_403, %parallel_loop3A_404, %parallel_loop3A_405] {strides = array<i32>} : memref<3x2x128x64xf32, #tpu.memory_space<vmem>>, vector<16xf32>,
        %parallel_loop3A_407 = arith.constant 12 : i32
        %parallel_loop3A_408 = arith.addi %parallel_loop3A_320, %parallel_loop3A_407 : i32
        %parallel_loop3A_409 = arith.index_cast %rem3A_238 : i32 to index
        %parallel_loop3A_410 = arith.index_cast %parallel_loop3A_316 : i32 to index
        %parallel_loop3A_411 = arith.index_cast %parallel_loop3A_408 : i32 to index
        %parallel_loop3A_412 = arith.index_cast %parallel_loop3A_322 : i32 to index
        %parallel_loop3A_413 = tpu.vector_load %arg6[%parallel_loop3A_409, %parallel_loop3A_410, %parallel_loop3A_411, %parallel_loop3A_412] {strides = array<i32>} : memref<3x2x128x64xf32, #tpu.memory_space<vmem>>, vector<16xf32>,
        %parallel_loop3A_414 = arith.constant 13 : i32
        %parallel_loop3A_415 = arith.addi %parallel_loop3A_320, %parallel_loop3A_414 : i32
        %parallel_loop3A_416 = arith.index_cast %rem3A_238 : i32 to index
        %parallel_loop3A_417 = arith.index_cast %parallel_loop3A_316 : i32 to index
        %parallel_loop3A_418 = arith.index_cast %parallel_loop3A_415 : i32 to index
        %parallel_loop3A_419 = arith.index_cast %parallel_loop3A_322 : i32 to index
        %parallel_loop3A_420 = tpu.vector_load %arg6[%parallel_loop3A_416, %parallel_loop3A_417, %parallel_loop3A_418, %parallel_loop3A_419] {strides = array<i32>} : memref<3x2x128x64xf32, #tpu.memory_space<vmem>>, vector<16xf32>,
        %parallel_loop3A_421 = arith.constant 14 : i32
        %parallel_loop3A_422 = arith.addi %parallel_loop3A_320, %parallel_loop3A_421 : i32
        %parallel_loop3A_423 = arith.index_cast %rem3A_238 : i32 to index
        %parallel_loop3A_424 = arith.index_cast %parallel_loop3A_316 : i32 to index
        %parallel_loop3A_425 = arith.index_cast %parallel_loop3A_422 : i32 to index
        %parallel_loop3A_426 = arith.index_cast %parallel_loop3A_322 : i32 to index
        %parallel_loop3A_427 = tpu.vector_load %arg6[%parallel_loop3A_423, %parallel_loop3A_424, %parallel_loop3A_425, %parallel_loop3A_426] {strides = array<i32>} : memref<3x2x128x64xf32, #tpu.memory_space<vmem>>, vector<16xf32>,
        %parallel_loop3A_428 = arith.constant 15 : i32
        %parallel_loop3A_429 = arith.addi %parallel_loop3A_320, %parallel_loop3A_428 : i32
        %parallel_loop3A_430 = arith.index_cast %rem3A_238 : i32 to index
        %parallel_loop3A_431 = arith.index_cast %parallel_loop3A_316 : i32 to index
        %parallel_loop3A_432 = arith.index_cast %parallel_loop3A_429 : i32 to index
        %parallel_loop3A_433 = arith.index_cast %parallel_loop3A_322 : i32 to index
        %parallel_loop3A_434 = tpu.vector_load %arg6[%parallel_loop3A_430, %parallel_loop3A_431, %parallel_loop3A_432, %parallel_loop3A_433] {strides = array<i32>} : memref<3x2x128x64xf32, #tpu.memory_space<vmem>>, vector<16xf32>,
        %parallel_loop3A_435 = arith.select %ne3A_17, %parallel_loop3A_329, %parallel_loop3A_336 : vector<16xi1>, vector<16xf32>
        %parallel_loop3A_436 = arith.constant 0 : i32
        %parallel_loop3A_437 = vector.broadcast %parallel_loop3A_436 : i32 to vector<16xi32>
        %parallel_loop3A_438 = arith.cmpi slt, %xor3A_4, %parallel_loop3A_437 : vector<16xi32>
        %parallel_loop3A_439 = arith.constant 16 : i32
        %parallel_loop3A_440 = vector.broadcast %parallel_loop3A_439 : i32 to vector<16xi32>
        %parallel_loop3A_441 = arith.addi %xor3A_4, %parallel_loop3A_440 : vector<16xi32>
        %parallel_loop3A_442 = arith.select %parallel_loop3A_438, %parallel_loop3A_441, %xor3A_4 : vector<16xi1>, vector<16xi32>
        %parallel_loop3A_443 = vector.shape_cast %parallel_loop3A_442 : vector<16xi32> to vector<16x1xi32>
        %parallel_loop3A_444 = vector.shape_cast %parallel_loop3A_443 : vector<16x1xi32> to vector<16xi32>
        %parallel_loop3A_445 = tpu.dynamic_gather %parallel_loop3A_435[%parallel_loop3A_444] in [0] : vector<16xf32>, vector<16xi32> -> vector<16xf32>
        %parallel_loop3A_446 = arith.select %ne3A_17, %parallel_loop3A_445, %parallel_loop3A_329 : vector<16xi1>, vector<16xf32>
        %parallel_loop3A_447 = arith.select %ne3A_17, %parallel_loop3A_336, %parallel_loop3A_445 : vector<16xi1>, vector<16xf32>
        %parallel_loop3A_448 = arith.select %ne3A_17, %parallel_loop3A_343, %parallel_loop3A_350 : vector<16xi1>, vector<16xf32>
        %parallel_loop3A_449 = arith.constant 0 : i32
        %parallel_loop3A_450 = vector.broadcast %parallel_loop3A_449 : i32 to vector<16xi32>
        %parallel_loop3A_451 = arith.cmpi slt, %xor3A_4, %parallel_loop3A_450 : vector<16xi32>
        %parallel_loop3A_452 = arith.constant 16 : i32
        %parallel_loop3A_453 = vector.broadcast %parallel_loop3A_452 : i32 to vector<16xi32>
        %parallel_loop3A_454 = arith.addi %xor3A_4, %parallel_loop3A_453 : vector<16xi32>
        %parallel_loop3A_455 = arith.select %parallel_loop3A_451, %parallel_loop3A_454, %xor3A_4 : vector<16xi1>, vector<16xi32>
        %parallel_loop3A_456 = vector.shape_cast %parallel_loop3A_455 : vector<16xi32> to vector<16x1xi32>
        %parallel_loop3A_457 = vector.shape_cast %parallel_loop3A_456 : vector<16x1xi32> to vector<16xi32>
        %parallel_loop3A_458 = tpu.dynamic_gather %parallel_loop3A_448[%parallel_loop3A_457] in [0] : vector<16xf32>, vector<16xi32> -> vector<16xf32>
        %parallel_loop3A_459 = arith.select %ne3A_17, %parallel_loop3A_458, %parallel_loop3A_343 : vector<16xi1>, vector<16xf32>
        %parallel_loop3A_460 = arith.select %ne3A_17, %parallel_loop3A_350, %parallel_loop3A_458 : vector<16xi1>, vector<16xf32>
        %parallel_loop3A_461 = arith.select %ne3A_17, %parallel_loop3A_357, %parallel_loop3A_364 : vector<16xi1>, vector<16xf32>
        %parallel_loop3A_462 = arith.constant 0 : i32
        %parallel_loop3A_463 = vector.broadcast %parallel_loop3A_462 : i32 to vector<16xi32>
        %parallel_loop3A_464 = arith.cmpi slt, %xor3A_4, %parallel_loop3A_463 : vector<16xi32>
        %parallel_loop3A_465 = arith.constant 16 : i32
        %parallel_loop3A_466 = vector.broadcast %parallel_loop3A_465 : i32 to vector<16xi32>
        %parallel_loop3A_467 = arith.addi %xor3A_4, %parallel_loop3A_466 : vector<16xi32>
        %parallel_loop3A_468 = arith.select %parallel_loop3A_464, %parallel_loop3A_467, %xor3A_4 : vector<16xi1>, vector<16xi32>
        %parallel_loop3A_469 = vector.shape_cast %parallel_loop3A_468 : vector<16xi32> to vector<16x1xi32>
        %parallel_loop3A_470 = vector.shape_cast %parallel_loop3A_469 : vector<16x1xi32> to vector<16xi32>
        %parallel_loop3A_471 = tpu.dynamic_gather %parallel_loop3A_461[%parallel_loop3A_470] in [0] : vector<16xf32>, vector<16xi32> -> vector<16xf32>
        %parallel_loop3A_472 = arith.select %ne3A_17, %parallel_loop3A_471, %parallel_loop3A_357 : vector<16xi1>, vector<16xf32>
        %parallel_loop3A_473 = arith.select %ne3A_17, %parallel_loop3A_364, %parallel_loop3A_471 : vector<16xi1>, vector<16xf32>
        %parallel_loop3A_474 = arith.select %ne3A_17, %parallel_loop3A_371, %parallel_loop3A_378 : vector<16xi1>, vector<16xf32>
        %parallel_loop3A_475 = arith.constant 0 : i32
        %parallel_loop3A_476 = vector.broadcast %parallel_loop3A_475 : i32 to vector<16xi32>
        %parallel_loop3A_477 = arith.cmpi slt, %xor3A_4, %parallel_loop3A_476 : vector<16xi32>
        %parallel_loop3A_478 = arith.constant 16 : i32
        %parallel_loop3A_479 = vector.broadcast %parallel_loop3A_478 : i32 to vector<16xi32>
        %parallel_loop3A_480 = arith.addi %xor3A_4, %parallel_loop3A_479 : vector<16xi32>
        %parallel_loop3A_481 = arith.select %parallel_loop3A_477, %parallel_loop3A_480, %xor3A_4 : vector<16xi1>, vector<16xi32>
        %parallel_loop3A_482 = vector.shape_cast %parallel_loop3A_481 : vector<16xi32> to vector<16x1xi32>
        %parallel_loop3A_483 = vector.shape_cast %parallel_loop3A_482 : vector<16x1xi32> to vector<16xi32>
        %parallel_loop3A_484 = tpu.dynamic_gather %parallel_loop3A_474[%parallel_loop3A_483] in [0] : vector<16xf32>, vector<16xi32> -> vector<16xf32>
        %parallel_loop3A_485 = arith.select %ne3A_17, %parallel_loop3A_484, %parallel_loop3A_371 : vector<16xi1>, vector<16xf32>
        %parallel_loop3A_486 = arith.select %ne3A_17, %parallel_loop3A_378, %parallel_loop3A_484 : vector<16xi1>, vector<16xf32>
        %parallel_loop3A_487 = arith.select %ne3A_17, %parallel_loop3A_385, %parallel_loop3A_392 : vector<16xi1>, vector<16xf32>
        %parallel_loop3A_488 = arith.constant 0 : i32
        %parallel_loop3A_489 = vector.broadcast %parallel_loop3A_488 : i32 to vector<16xi32>
        %parallel_loop3A_490 = arith.cmpi slt, %xor3A_4, %parallel_loop3A_489 : vector<16xi32>
        %parallel_loop3A_491 = arith.constant 16 : i32
        %parallel_loop3A_492 = vector.broadcast %parallel_loop3A_491 : i32 to vector<16xi32>
        %parallel_loop3A_493 = arith.addi %xor3A_4, %parallel_loop3A_492 : vector<16xi32>
        %parallel_loop3A_494 = arith.select %parallel_loop3A_490, %parallel_loop3A_493, %xor3A_4 : vector<16xi1>, vector<16xi32>
        %parallel_loop3A_495 = vector.shape_cast %parallel_loop3A_494 : vector<16xi32> to vector<16x1xi32>
        %parallel_loop3A_496 = vector.shape_cast %parallel_loop3A_495 : vector<16x1xi32> to vector<16xi32>
        %parallel_loop3A_497 = tpu.dynamic_gather %parallel_loop3A_487[%parallel_loop3A_496] in [0] : vector<16xf32>, vector<16xi32> -> vector<16xf32>
        %parallel_loop3A_498 = arith.select %ne3A_17, %parallel_loop3A_497, %parallel_loop3A_385 : vector<16xi1>, vector<16xf32>
        %parallel_loop3A_499 = arith.select %ne3A_17, %parallel_loop3A_392, %parallel_loop3A_497 : vector<16xi1>, vector<16xf32>
        %parallel_loop3A_500 = arith.select %ne3A_17, %parallel_loop3A_399, %parallel_loop3A_406 : vector<16xi1>, vector<16xf32>
        %parallel_loop3A_501 = arith.constant 0 : i32
        %parallel_loop3A_502 = vector.broadcast %parallel_loop3A_501 : i32 to vector<16xi32>
        %parallel_loop3A_503 = arith.cmpi slt, %xor3A_4, %parallel_loop3A_502 : vector<16xi32>
        %parallel_loop3A_504 = arith.constant 16 : i32
        %parallel_loop3A_505 = vector.broadcast %parallel_loop3A_504 : i32 to vector<16xi32>
        %parallel_loop3A_506 = arith.addi %xor3A_4, %parallel_loop3A_505 : vector<16xi32>
        %parallel_loop3A_507 = arith.select %parallel_loop3A_503, %parallel_loop3A_506, %xor3A_4 : vector<16xi1>, vector<16xi32>
        %parallel_loop3A_508 = vector.shape_cast %parallel_loop3A_507 : vector<16xi32> to vector<16x1xi32>
        %parallel_loop3A_509 = vector.shape_cast %parallel_loop3A_508 : vector<16x1xi32> to vector<16xi32>
        %parallel_loop3A_510 = tpu.dynamic_gather %parallel_loop3A_500[%parallel_loop3A_509] in [0] : vector<16xf32>, vector<16xi32> -> vector<16xf32>
        %parallel_loop3A_511 = arith.select %ne3A_17, %parallel_loop3A_510, %parallel_loop3A_399 : vector<16xi1>, vector<16xf32>
        %parallel_loop3A_512 = arith.select %ne3A_17, %parallel_loop3A_406, %parallel_loop3A_510 : vector<16xi1>, vector<16xf32>
        %parallel_loop3A_513 = arith.select %ne3A_17, %parallel_loop3A_413, %parallel_loop3A_420 : vector<16xi1>, vector<16xf32>
        %parallel_loop3A_514 = arith.constant 0 : i32
        %parallel_loop3A_515 = vector.broadcast %parallel_loop3A_514 : i32 to vector<16xi32>
        %parallel_loop3A_516 = arith.cmpi slt, %xor3A_4, %parallel_loop3A_515 : vector<16xi32>
        %parallel_loop3A_517 = arith.constant 16 : i32
        %parallel_loop3A_518 = vector.broadcast %parallel_loop3A_517 : i32 to vector<16xi32>
        %parallel_loop3A_519 = arith.addi %xor3A_4, %parallel_loop3A_518 : vector<16xi32>
        %parallel_loop3A_520 = arith.select %parallel_loop3A_516, %parallel_loop3A_519, %xor3A_4 : vector<16xi1>, vector<16xi32>
        %parallel_loop3A_521 = vector.shape_cast %parallel_loop3A_520 : vector<16xi32> to vector<16x1xi32>
        %parallel_loop3A_522 = vector.shape_cast %parallel_loop3A_521 : vector<16x1xi32> to vector<16xi32>
        %parallel_loop3A_523 = tpu.dynamic_gather %parallel_loop3A_513[%parallel_loop3A_522] in [0] : vector<16xf32>, vector<16xi32> -> vector<16xf32>
        %parallel_loop3A_524 = arith.select %ne3A_17, %parallel_loop3A_523, %parallel_loop3A_413 : vector<16xi1>, vector<16xf32>
        %parallel_loop3A_525 = arith.select %ne3A_17, %parallel_loop3A_420, %parallel_loop3A_523 : vector<16xi1>, vector<16xf32>
        %parallel_loop3A_526 = arith.select %ne3A_17, %parallel_loop3A_427, %parallel_loop3A_434 : vector<16xi1>, vector<16xf32>
        %parallel_loop3A_527 = arith.constant 0 : i32
        %parallel_loop3A_528 = vector.broadcast %parallel_loop3A_527 : i32 to vector<16xi32>
        %parallel_loop3A_529 = arith.cmpi slt, %xor3A_4, %parallel_loop3A_528 : vector<16xi32>
        %parallel_loop3A_530 = arith.constant 16 : i32
        %parallel_loop3A_531 = vector.broadcast %parallel_loop3A_530 : i32 to vector<16xi32>
        %parallel_loop3A_532 = arith.addi %xor3A_4, %parallel_loop3A_531 : vector<16xi32>
        %parallel_loop3A_533 = arith.select %parallel_loop3A_529, %parallel_loop3A_532, %xor3A_4 : vector<16xi1>, vector<16xi32>
        %parallel_loop3A_534 = vector.shape_cast %parallel_loop3A_533 : vector<16xi32> to vector<16x1xi32>
        %parallel_loop3A_535 = vector.shape_cast %parallel_loop3A_534 : vector<16x1xi32> to vector<16xi32>
        %parallel_loop3A_536 = tpu.dynamic_gather %parallel_loop3A_526[%parallel_loop3A_535] in [0] : vector<16xf32>, vector<16xi32> -> vector<16xf32>
        %parallel_loop3A_537 = arith.select %ne3A_17, %parallel_loop3A_536, %parallel_loop3A_427 : vector<16xi1>, vector<16xf32>
        %parallel_loop3A_538 = arith.select %ne3A_17, %parallel_loop3A_434, %parallel_loop3A_536 : vector<16xi1>, vector<16xf32>
        %parallel_loop3A_539 = arith.select %ne3A_23, %parallel_loop3A_446, %parallel_loop3A_459 : vector<16xi1>, vector<16xf32>
        %parallel_loop3A_540 = arith.constant 0 : i32
        %parallel_loop3A_541 = vector.broadcast %parallel_loop3A_540 : i32 to vector<16xi32>
        %parallel_loop3A_542 = arith.cmpi slt, %xor3A_7, %parallel_loop3A_541 : vector<16xi32>
        %parallel_loop3A_543 = arith.constant 16 : i32
        %parallel_loop3A_544 = vector.broadcast %parallel_loop3A_543 : i32 to vector<16xi32>
        %parallel_loop3A_545 = arith.addi %xor3A_7, %parallel_loop3A_544 : vector<16xi32>
        %parallel_loop3A_546 = arith.select %parallel_loop3A_542, %parallel_loop3A_545, %xor3A_7 : vector<16xi1>, vector<16xi32>
        %parallel_loop3A_547 = vector.shape_cast %parallel_loop3A_546 : vector<16xi32> to vector<16x1xi32>
        %parallel_loop3A_548 = vector.shape_cast %parallel_loop3A_547 : vector<16x1xi32> to vector<16xi32>
        %parallel_loop3A_549 = tpu.dynamic_gather %parallel_loop3A_539[%parallel_loop3A_548] in [0] : vector<16xf32>, vector<16xi32> -> vector<16xf32>
        %parallel_loop3A_550 = arith.select %ne3A_23, %parallel_loop3A_549, %parallel_loop3A_446 : vector<16xi1>, vector<16xf32>
        %parallel_loop3A_551 = arith.select %ne3A_23, %parallel_loop3A_459, %parallel_loop3A_549 : vector<16xi1>, vector<16xf32>
        %parallel_loop3A_552 = arith.select %ne3A_23, %parallel_loop3A_447, %parallel_loop3A_460 : vector<16xi1>, vector<16xf32>
        %parallel_loop3A_553 = arith.constant 0 : i32
        %parallel_loop3A_554 = vector.broadcast %parallel_loop3A_553 : i32 to vector<16xi32>
        %parallel_loop3A_555 = arith.cmpi slt, %xor3A_7, %parallel_loop3A_554 : vector<16xi32>
        %parallel_loop3A_556 = arith.constant 16 : i32
        %parallel_loop3A_557 = vector.broadcast %parallel_loop3A_556 : i32 to vector<16xi32>
        %parallel_loop3A_558 = arith.addi %xor3A_7, %parallel_loop3A_557 : vector<16xi32>
        %parallel_loop3A_559 = arith.select %parallel_loop3A_555, %parallel_loop3A_558, %xor3A_7 : vector<16xi1>, vector<16xi32>
        %parallel_loop3A_560 = vector.shape_cast %parallel_loop3A_559 : vector<16xi32> to vector<16x1xi32>
        %parallel_loop3A_561 = vector.shape_cast %parallel_loop3A_560 : vector<16x1xi32> to vector<16xi32>
        %parallel_loop3A_562 = tpu.dynamic_gather %parallel_loop3A_552[%parallel_loop3A_561] in [0] : vector<16xf32>, vector<16xi32> -> vector<16xf32>
        %parallel_loop3A_563 = arith.select %ne3A_23, %parallel_loop3A_562, %parallel_loop3A_447 : vector<16xi1>, vector<16xf32>
        %parallel_loop3A_564 = arith.select %ne3A_23, %parallel_loop3A_460, %parallel_loop3A_562 : vector<16xi1>, vector<16xf32>
        %parallel_loop3A_565 = arith.select %ne3A_23, %parallel_loop3A_472, %parallel_loop3A_485 : vector<16xi1>, vector<16xf32>
        %parallel_loop3A_566 = arith.constant 0 : i32
        %parallel_loop3A_567 = vector.broadcast %parallel_loop3A_566 : i32 to vector<16xi32>
        %parallel_loop3A_568 = arith.cmpi slt, %xor3A_7, %parallel_loop3A_567 : vector<16xi32>
        %parallel_loop3A_569 = arith.constant 16 : i32
        %parallel_loop3A_570 = vector.broadcast %parallel_loop3A_569 : i32 to vector<16xi32>
        %parallel_loop3A_571 = arith.addi %xor3A_7, %parallel_loop3A_570 : vector<16xi32>
        %parallel_loop3A_572 = arith.select %parallel_loop3A_568, %parallel_loop3A_571, %xor3A_7 : vector<16xi1>, vector<16xi32>
        %parallel_loop3A_573 = vector.shape_cast %parallel_loop3A_572 : vector<16xi32> to vector<16x1xi32>
        %parallel_loop3A_574 = vector.shape_cast %parallel_loop3A_573 : vector<16x1xi32> to vector<16xi32>
        %parallel_loop3A_575 = tpu.dynamic_gather %parallel_loop3A_565[%parallel_loop3A_574] in [0] : vector<16xf32>, vector<16xi32> -> vector<16xf32>
        %parallel_loop3A_576 = arith.select %ne3A_23, %parallel_loop3A_575, %parallel_loop3A_472 : vector<16xi1>, vector<16xf32>
        %parallel_loop3A_577 = arith.select %ne3A_23, %parallel_loop3A_485, %parallel_loop3A_575 : vector<16xi1>, vector<16xf32>
        %parallel_loop3A_578 = arith.select %ne3A_23, %parallel_loop3A_473, %parallel_loop3A_486 : vector<16xi1>, vector<16xf32>
        %parallel_loop3A_579 = arith.constant 0 : i32
        %parallel_loop3A_580 = vector.broadcast %parallel_loop3A_579 : i32 to vector<16xi32>
        %parallel_loop3A_581 = arith.cmpi slt, %xor3A_7, %parallel_loop3A_580 : vector<16xi32>
        %parallel_loop3A_582 = arith.constant 16 : i32
        %parallel_loop3A_583 = vector.broadcast %parallel_loop3A_582 : i32 to vector<16xi32>
        %parallel_loop3A_584 = arith.addi %xor3A_7, %parallel_loop3A_583 : vector<16xi32>
        %parallel_loop3A_585 = arith.select %parallel_loop3A_581, %parallel_loop3A_584, %xor3A_7 : vector<16xi1>, vector<16xi32>
        %parallel_loop3A_586 = vector.shape_cast %parallel_loop3A_585 : vector<16xi32> to vector<16x1xi32>
        %parallel_loop3A_587 = vector.shape_cast %parallel_loop3A_586 : vector<16x1xi32> to vector<16xi32>
        %parallel_loop3A_588 = tpu.dynamic_gather %parallel_loop3A_578[%parallel_loop3A_587] in [0] : vector<16xf32>, vector<16xi32> -> vector<16xf32>
        %parallel_loop3A_589 = arith.select %ne3A_23, %parallel_loop3A_588, %parallel_loop3A_473 : vector<16xi1>, vector<16xf32>
        %parallel_loop3A_590 = arith.select %ne3A_23, %parallel_loop3A_486, %parallel_loop3A_588 : vector<16xi1>, vector<16xf32>
        %parallel_loop3A_591 = arith.select %ne3A_23, %parallel_loop3A_498, %parallel_loop3A_511 : vector<16xi1>, vector<16xf32>
        %parallel_loop3A_592 = arith.constant 0 : i32
        %parallel_loop3A_593 = vector.broadcast %parallel_loop3A_592 : i32 to vector<16xi32>
        %parallel_loop3A_594 = arith.cmpi slt, %xor3A_7, %parallel_loop3A_593 : vector<16xi32>
        %parallel_loop3A_595 = arith.constant 16 : i32
        %parallel_loop3A_596 = vector.broadcast %parallel_loop3A_595 : i32 to vector<16xi32>
        %parallel_loop3A_597 = arith.addi %xor3A_7, %parallel_loop3A_596 : vector<16xi32>
        %parallel_loop3A_598 = arith.select %parallel_loop3A_594, %parallel_loop3A_597, %xor3A_7 : vector<16xi1>, vector<16xi32>
        %parallel_loop3A_599 = vector.shape_cast %parallel_loop3A_598 : vector<16xi32> to vector<16x1xi32>
        %parallel_loop3A_600 = vector.shape_cast %parallel_loop3A_599 : vector<16x1xi32> to vector<16xi32>
        %parallel_loop3A_601 = tpu.dynamic_gather %parallel_loop3A_591[%parallel_loop3A_600] in [0] : vector<16xf32>, vector<16xi32> -> vector<16xf32>
        %parallel_loop3A_602 = arith.select %ne3A_23, %parallel_loop3A_601, %parallel_loop3A_498 : vector<16xi1>, vector<16xf32>
        %parallel_loop3A_603 = arith.select %ne3A_23, %parallel_loop3A_511, %parallel_loop3A_601 : vector<16xi1>, vector<16xf32>
        %parallel_loop3A_604 = arith.select %ne3A_23, %parallel_loop3A_499, %parallel_loop3A_512 : vector<16xi1>, vector<16xf32>
        %parallel_loop3A_605 = arith.constant 0 : i32
        %parallel_loop3A_606 = vector.broadcast %parallel_loop3A_605 : i32 to vector<16xi32>
        %parallel_loop3A_607 = arith.cmpi slt, %xor3A_7, %parallel_loop3A_606 : vector<16xi32>
        %parallel_loop3A_608 = arith.constant 16 : i32
        %parallel_loop3A_609 = vector.broadcast %parallel_loop3A_608 : i32 to vector<16xi32>
        %parallel_loop3A_610 = arith.addi %xor3A_7, %parallel_loop3A_609 : vector<16xi32>
        %parallel_loop3A_611 = arith.select %parallel_loop3A_607, %parallel_loop3A_610, %xor3A_7 : vector<16xi1>, vector<16xi32>
        %parallel_loop3A_612 = vector.shape_cast %parallel_loop3A_611 : vector<16xi32> to vector<16x1xi32>
        %parallel_loop3A_613 = vector.shape_cast %parallel_loop3A_612 : vector<16x1xi32> to vector<16xi32>
        %parallel_loop3A_614 = tpu.dynamic_gather %parallel_loop3A_604[%parallel_loop3A_613] in [0] : vector<16xf32>, vector<16xi32> -> vector<16xf32>
        %parallel_loop3A_615 = arith.select %ne3A_23, %parallel_loop3A_614, %parallel_loop3A_499 : vector<16xi1>, vector<16xf32>
        %parallel_loop3A_616 = arith.select %ne3A_23, %parallel_loop3A_512, %parallel_loop3A_614 : vector<16xi1>, vector<16xf32>
        %parallel_loop3A_617 = arith.select %ne3A_23, %parallel_loop3A_524, %parallel_loop3A_537 : vector<16xi1>, vector<16xf32>
        %parallel_loop3A_618 = arith.constant 0 : i32
        %parallel_loop3A_619 = vector.broadcast %parallel_loop3A_618 : i32 to vector<16xi32>
        %parallel_loop3A_620 = arith.cmpi slt, %xor3A_7, %parallel_loop3A_619 : vector<16xi32>
        %parallel_loop3A_621 = arith.constant 16 : i32
        %parallel_loop3A_622 = vector.broadcast %parallel_loop3A_621 : i32 to vector<16xi32>
        %parallel_loop3A_623 = arith.addi %xor3A_7, %parallel_loop3A_622 : vector<16xi32>
        %parallel_loop3A_624 = arith.select %parallel_loop3A_620, %parallel_loop3A_623, %xor3A_7 : vector<16xi1>, vector<16xi32>
        %parallel_loop3A_625 = vector.shape_cast %parallel_loop3A_624 : vector<16xi32> to vector<16x1xi32>
        %parallel_loop3A_626 = vector.shape_cast %parallel_loop3A_625 : vector<16x1xi32> to vector<16xi32>
        %parallel_loop3A_627 = tpu.dynamic_gather %parallel_loop3A_617[%parallel_loop3A_626] in [0] : vector<16xf32>, vector<16xi32> -> vector<16xf32>
        %parallel_loop3A_628 = arith.select %ne3A_23, %parallel_loop3A_627, %parallel_loop3A_524 : vector<16xi1>, vector<16xf32>
        %parallel_loop3A_629 = arith.select %ne3A_23, %parallel_loop3A_537, %parallel_loop3A_627 : vector<16xi1>, vector<16xf32>
        %parallel_loop3A_630 = arith.select %ne3A_23, %parallel_loop3A_525, %parallel_loop3A_538 : vector<16xi1>, vector<16xf32>
        %parallel_loop3A_631 = arith.constant 0 : i32
        %parallel_loop3A_632 = vector.broadcast %parallel_loop3A_631 : i32 to vector<16xi32>
        %parallel_loop3A_633 = arith.cmpi slt, %xor3A_7, %parallel_loop3A_632 : vector<16xi32>
        %parallel_loop3A_634 = arith.constant 16 : i32
        %parallel_loop3A_635 = vector.broadcast %parallel_loop3A_634 : i32 to vector<16xi32>
        %parallel_loop3A_636 = arith.addi %xor3A_7, %parallel_loop3A_635 : vector<16xi32>
        %parallel_loop3A_637 = arith.select %parallel_loop3A_633, %parallel_loop3A_636, %xor3A_7 : vector<16xi1>, vector<16xi32>
        %parallel_loop3A_638 = vector.shape_cast %parallel_loop3A_637 : vector<16xi32> to vector<16x1xi32>
        %parallel_loop3A_639 = vector.shape_cast %parallel_loop3A_638 : vector<16x1xi32> to vector<16xi32>
        %parallel_loop3A_640 = tpu.dynamic_gather %parallel_loop3A_630[%parallel_loop3A_639] in [0] : vector<16xf32>, vector<16xi32> -> vector<16xf32>
        %parallel_loop3A_641 = arith.select %ne3A_23, %parallel_loop3A_640, %parallel_loop3A_525 : vector<16xi1>, vector<16xf32>
        %parallel_loop3A_642 = arith.select %ne3A_23, %parallel_loop3A_538, %parallel_loop3A_640 : vector<16xi1>, vector<16xf32>
        %parallel_loop3A_643 = arith.select %ne3A_29, %parallel_loop3A_550, %parallel_loop3A_576 : vector<16xi1>, vector<16xf32>
        %parallel_loop3A_644 = arith.constant 0 : i32
        %parallel_loop3A_645 = vector.broadcast %parallel_loop3A_644 : i32 to vector<16xi32>
        %parallel_loop3A_646 = arith.cmpi slt, %xor3A_10, %parallel_loop3A_645 : vector<16xi32>
        %parallel_loop3A_647 = arith.constant 16 : i32
        %parallel_loop3A_648 = vector.broadcast %parallel_loop3A_647 : i32 to vector<16xi32>
        %parallel_loop3A_649 = arith.addi %xor3A_10, %parallel_loop3A_648 : vector<16xi32>
        %parallel_loop3A_650 = arith.select %parallel_loop3A_646, %parallel_loop3A_649, %xor3A_10 : vector<16xi1>, vector<16xi32>
        %parallel_loop3A_651 = vector.shape_cast %parallel_loop3A_650 : vector<16xi32> to vector<16x1xi32>
        %parallel_loop3A_652 = vector.shape_cast %parallel_loop3A_651 : vector<16x1xi32> to vector<16xi32>
        %parallel_loop3A_653 = tpu.dynamic_gather %parallel_loop3A_643[%parallel_loop3A_652] in [0] : vector<16xf32>, vector<16xi32> -> vector<16xf32>
        %parallel_loop3A_654 = arith.select %ne3A_29, %parallel_loop3A_653, %parallel_loop3A_550 : vector<16xi1>, vector<16xf32>
        %parallel_loop3A_655 = arith.select %ne3A_29, %parallel_loop3A_576, %parallel_loop3A_653 : vector<16xi1>, vector<16xf32>
        %parallel_loop3A_656 = arith.select %ne3A_29, %parallel_loop3A_563, %parallel_loop3A_589 : vector<16xi1>, vector<16xf32>
        %parallel_loop3A_657 = arith.constant 0 : i32
        %parallel_loop3A_658 = vector.broadcast %parallel_loop3A_657 : i32 to vector<16xi32>
        %parallel_loop3A_659 = arith.cmpi slt, %xor3A_10, %parallel_loop3A_658 : vector<16xi32>
        %parallel_loop3A_660 = arith.constant 16 : i32
        %parallel_loop3A_661 = vector.broadcast %parallel_loop3A_660 : i32 to vector<16xi32>
        %parallel_loop3A_662 = arith.addi %xor3A_10, %parallel_loop3A_661 : vector<16xi32>
        %parallel_loop3A_663 = arith.select %parallel_loop3A_659, %parallel_loop3A_662, %xor3A_10 : vector<16xi1>, vector<16xi32>
        %parallel_loop3A_664 = vector.shape_cast %parallel_loop3A_663 : vector<16xi32> to vector<16x1xi32>
        %parallel_loop3A_665 = vector.shape_cast %parallel_loop3A_664 : vector<16x1xi32> to vector<16xi32>
        %parallel_loop3A_666 = tpu.dynamic_gather %parallel_loop3A_656[%parallel_loop3A_665] in [0] : vector<16xf32>, vector<16xi32> -> vector<16xf32>
        %parallel_loop3A_667 = arith.select %ne3A_29, %parallel_loop3A_666, %parallel_loop3A_563 : vector<16xi1>, vector<16xf32>
        %parallel_loop3A_668 = arith.select %ne3A_29, %parallel_loop3A_589, %parallel_loop3A_666 : vector<16xi1>, vector<16xf32>
        %parallel_loop3A_669 = arith.select %ne3A_29, %parallel_loop3A_551, %parallel_loop3A_577 : vector<16xi1>, vector<16xf32>
        %parallel_loop3A_670 = arith.constant 0 : i32
        %parallel_loop3A_671 = vector.broadcast %parallel_loop3A_670 : i32 to vector<16xi32>
        %parallel_loop3A_672 = arith.cmpi slt, %xor3A_10, %parallel_loop3A_671 : vector<16xi32>
        %parallel_loop3A_673 = arith.constant 16 : i32
        %parallel_loop3A_674 = vector.broadcast %parallel_loop3A_673 : i32 to vector<16xi32>
        %parallel_loop3A_675 = arith.addi %xor3A_10, %parallel_loop3A_674 : vector<16xi32>
        %parallel_loop3A_676 = arith.select %parallel_loop3A_672, %parallel_loop3A_675, %xor3A_10 : vector<16xi1>, vector<16xi32>
        %parallel_loop3A_677 = vector.shape_cast %parallel_loop3A_676 : vector<16xi32> to vector<16x1xi32>
        %parallel_loop3A_678 = vector.shape_cast %parallel_loop3A_677 : vector<16x1xi32> to vector<16xi32>
        %parallel_loop3A_679 = tpu.dynamic_gather %parallel_loop3A_669[%parallel_loop3A_678] in [0] : vector<16xf32>, vector<16xi32> -> vector<16xf32>
        %parallel_loop3A_680 = arith.select %ne3A_29, %parallel_loop3A_679, %parallel_loop3A_551 : vector<16xi1>, vector<16xf32>
        %parallel_loop3A_681 = arith.select %ne3A_29, %parallel_loop3A_577, %parallel_loop3A_679 : vector<16xi1>, vector<16xf32>
        %parallel_loop3A_682 = arith.select %ne3A_29, %parallel_loop3A_564, %parallel_loop3A_590 : vector<16xi1>, vector<16xf32>
        %parallel_loop3A_683 = arith.constant 0 : i32
        %parallel_loop3A_684 = vector.broadcast %parallel_loop3A_683 : i32 to vector<16xi32>
        %parallel_loop3A_685 = arith.cmpi slt, %xor3A_10, %parallel_loop3A_684 : vector<16xi32>
        %parallel_loop3A_686 = arith.constant 16 : i32
        %parallel_loop3A_687 = vector.broadcast %parallel_loop3A_686 : i32 to vector<16xi32>
        %parallel_loop3A_688 = arith.addi %xor3A_10, %parallel_loop3A_687 : vector<16xi32>
        %parallel_loop3A_689 = arith.select %parallel_loop3A_685, %parallel_loop3A_688, %xor3A_10 : vector<16xi1>, vector<16xi32>
        %parallel_loop3A_690 = vector.shape_cast %parallel_loop3A_689 : vector<16xi32> to vector<16x1xi32>
        %parallel_loop3A_691 = vector.shape_cast %parallel_loop3A_690 : vector<16x1xi32> to vector<16xi32>
        %parallel_loop3A_692 = tpu.dynamic_gather %parallel_loop3A_682[%parallel_loop3A_691] in [0] : vector<16xf32>, vector<16xi32> -> vector<16xf32>
        %parallel_loop3A_693 = arith.select %ne3A_29, %parallel_loop3A_692, %parallel_loop3A_564 : vector<16xi1>, vector<16xf32>
        %parallel_loop3A_694 = arith.select %ne3A_29, %parallel_loop3A_590, %parallel_loop3A_692 : vector<16xi1>, vector<16xf32>
        %parallel_loop3A_695 = arith.select %ne3A_29, %parallel_loop3A_602, %parallel_loop3A_628 : vector<16xi1>, vector<16xf32>
        %parallel_loop3A_696 = arith.constant 0 : i32
        %parallel_loop3A_697 = vector.broadcast %parallel_loop3A_696 : i32 to vector<16xi32>
        %parallel_loop3A_698 = arith.cmpi slt, %xor3A_10, %parallel_loop3A_697 : vector<16xi32>
        %parallel_loop3A_699 = arith.constant 16 : i32
        %parallel_loop3A_700 = vector.broadcast %parallel_loop3A_699 : i32 to vector<16xi32>
        %parallel_loop3A_701 = arith.addi %xor3A_10, %parallel_loop3A_700 : vector<16xi32>
        %parallel_loop3A_702 = arith.select %parallel_loop3A_698, %parallel_loop3A_701, %xor3A_10 : vector<16xi1>, vector<16xi32>
        %parallel_loop3A_703 = vector.shape_cast %parallel_loop3A_702 : vector<16xi32> to vector<16x1xi32>
        %parallel_loop3A_704 = vector.shape_cast %parallel_loop3A_703 : vector<16x1xi32> to vector<16xi32>
        %parallel_loop3A_705 = tpu.dynamic_gather %parallel_loop3A_695[%parallel_loop3A_704] in [0] : vector<16xf32>, vector<16xi32> -> vector<16xf32>
        %parallel_loop3A_706 = arith.select %ne3A_29, %parallel_loop3A_705, %parallel_loop3A_602 : vector<16xi1>, vector<16xf32>
        %parallel_loop3A_707 = arith.select %ne3A_29, %parallel_loop3A_628, %parallel_loop3A_705 : vector<16xi1>, vector<16xf32>
        %parallel_loop3A_708 = arith.select %ne3A_29, %parallel_loop3A_615, %parallel_loop3A_641 : vector<16xi1>, vector<16xf32>
        %parallel_loop3A_709 = arith.constant 0 : i32
        %parallel_loop3A_710 = vector.broadcast %parallel_loop3A_709 : i32 to vector<16xi32>
        %parallel_loop3A_711 = arith.cmpi slt, %xor3A_10, %parallel_loop3A_710 : vector<16xi32>
        %parallel_loop3A_712 = arith.constant 16 : i32
        %parallel_loop3A_713 = vector.broadcast %parallel_loop3A_712 : i32 to vector<16xi32>
        %parallel_loop3A_714 = arith.addi %xor3A_10, %parallel_loop3A_713 : vector<16xi32>
        %parallel_loop3A_715 = arith.select %parallel_loop3A_711, %parallel_loop3A_714, %xor3A_10 : vector<16xi1>, vector<16xi32>
        %parallel_loop3A_716 = vector.shape_cast %parallel_loop3A_715 : vector<16xi32> to vector<16x1xi32>
        %parallel_loop3A_717 = vector.shape_cast %parallel_loop3A_716 : vector<16x1xi32> to vector<16xi32>
        %parallel_loop3A_718 = tpu.dynamic_gather %parallel_loop3A_708[%parallel_loop3A_717] in [0] : vector<16xf32>, vector<16xi32> -> vector<16xf32>
        %parallel_loop3A_719 = arith.select %ne3A_29, %parallel_loop3A_718, %parallel_loop3A_615 : vector<16xi1>, vector<16xf32>
        %parallel_loop3A_720 = arith.select %ne3A_29, %parallel_loop3A_641, %parallel_loop3A_718 : vector<16xi1>, vector<16xf32>
        %parallel_loop3A_721 = arith.select %ne3A_29, %parallel_loop3A_603, %parallel_loop3A_629 : vector<16xi1>, vector<16xf32>
        %parallel_loop3A_722 = arith.constant 0 : i32
        %parallel_loop3A_723 = vector.broadcast %parallel_loop3A_722 : i32 to vector<16xi32>
        %parallel_loop3A_724 = arith.cmpi slt, %xor3A_10, %parallel_loop3A_723 : vector<16xi32>
        %parallel_loop3A_725 = arith.constant 16 : i32
        %parallel_loop3A_726 = vector.broadcast %parallel_loop3A_725 : i32 to vector<16xi32>
        %parallel_loop3A_727 = arith.addi %xor3A_10, %parallel_loop3A_726 : vector<16xi32>
        %parallel_loop3A_728 = arith.select %parallel_loop3A_724, %parallel_loop3A_727, %xor3A_10 : vector<16xi1>, vector<16xi32>
        %parallel_loop3A_729 = vector.shape_cast %parallel_loop3A_728 : vector<16xi32> to vector<16x1xi32>
        %parallel_loop3A_730 = vector.shape_cast %parallel_loop3A_729 : vector<16x1xi32> to vector<16xi32>
        %parallel_loop3A_731 = tpu.dynamic_gather %parallel_loop3A_721[%parallel_loop3A_730] in [0] : vector<16xf32>, vector<16xi32> -> vector<16xf32>
        %parallel_loop3A_732 = arith.select %ne3A_29, %parallel_loop3A_731, %parallel_loop3A_603 : vector<16xi1>, vector<16xf32>
        %parallel_loop3A_733 = arith.select %ne3A_29, %parallel_loop3A_629, %parallel_loop3A_731 : vector<16xi1>, vector<16xf32>
        %parallel_loop3A_734 = arith.select %ne3A_29, %parallel_loop3A_616, %parallel_loop3A_642 : vector<16xi1>, vector<16xf32>
        %parallel_loop3A_735 = arith.constant 0 : i32
        %parallel_loop3A_736 = vector.broadcast %parallel_loop3A_735 : i32 to vector<16xi32>
        %parallel_loop3A_737 = arith.cmpi slt, %xor3A_10, %parallel_loop3A_736 : vector<16xi32>
        %parallel_loop3A_738 = arith.constant 16 : i32
        %parallel_loop3A_739 = vector.broadcast %parallel_loop3A_738 : i32 to vector<16xi32>
        %parallel_loop3A_740 = arith.addi %xor3A_10, %parallel_loop3A_739 : vector<16xi32>
        %parallel_loop3A_741 = arith.select %parallel_loop3A_737, %parallel_loop3A_740, %xor3A_10 : vector<16xi1>, vector<16xi32>
        %parallel_loop3A_742 = vector.shape_cast %parallel_loop3A_741 : vector<16xi32> to vector<16x1xi32>
        %parallel_loop3A_743 = vector.shape_cast %parallel_loop3A_742 : vector<16x1xi32> to vector<16xi32>
        %parallel_loop3A_744 = tpu.dynamic_gather %parallel_loop3A_734[%parallel_loop3A_743] in [0] : vector<16xf32>, vector<16xi32> -> vector<16xf32>
        %parallel_loop3A_745 = arith.select %ne3A_29, %parallel_loop3A_744, %parallel_loop3A_616 : vector<16xi1>, vector<16xf32>
        %parallel_loop3A_746 = arith.select %ne3A_29, %parallel_loop3A_642, %parallel_loop3A_744 : vector<16xi1>, vector<16xf32>
        %parallel_loop3A_747 = arith.select %ne3A_35, %parallel_loop3A_654, %parallel_loop3A_706 : vector<16xi1>, vector<16xf32>
        %parallel_loop3A_748 = arith.constant 0 : i32
        %parallel_loop3A_749 = vector.broadcast %parallel_loop3A_748 : i32 to vector<16xi32>
        %parallel_loop3A_750 = arith.cmpi slt, %xor3A_13, %parallel_loop3A_749 : vector<16xi32>
        %parallel_loop3A_751 = arith.constant 16 : i32
        %parallel_loop3A_752 = vector.broadcast %parallel_loop3A_751 : i32 to vector<16xi32>
        %parallel_loop3A_753 = arith.addi %xor3A_13, %parallel_loop3A_752 : vector<16xi32>
        %parallel_loop3A_754 = arith.select %parallel_loop3A_750, %parallel_loop3A_753, %xor3A_13 : vector<16xi1>, vector<16xi32>
        %parallel_loop3A_755 = vector.shape_cast %parallel_loop3A_754 : vector<16xi32> to vector<16x1xi32>
        %parallel_loop3A_756 = vector.shape_cast %parallel_loop3A_755 : vector<16x1xi32> to vector<16xi32>
        %parallel_loop3A_757 = tpu.dynamic_gather %parallel_loop3A_747[%parallel_loop3A_756] in [0] : vector<16xf32>, vector<16xi32> -> vector<16xf32>
        %parallel_loop3A_758 = arith.select %ne3A_35, %parallel_loop3A_757, %parallel_loop3A_654 : vector<16xi1>, vector<16xf32>
        %parallel_loop3A_759 = arith.select %ne3A_35, %parallel_loop3A_706, %parallel_loop3A_757 : vector<16xi1>, vector<16xf32>
        %parallel_loop3A_760 = arith.select %ne3A_35, %parallel_loop3A_667, %parallel_loop3A_719 : vector<16xi1>, vector<16xf32>
        %parallel_loop3A_761 = arith.constant 0 : i32
        %parallel_loop3A_762 = vector.broadcast %parallel_loop3A_761 : i32 to vector<16xi32>
        %parallel_loop3A_763 = arith.cmpi slt, %xor3A_13, %parallel_loop3A_762 : vector<16xi32>
        %parallel_loop3A_764 = arith.constant 16 : i32
        %parallel_loop3A_765 = vector.broadcast %parallel_loop3A_764 : i32 to vector<16xi32>
        %parallel_loop3A_766 = arith.addi %xor3A_13, %parallel_loop3A_765 : vector<16xi32>
        %parallel_loop3A_767 = arith.select %parallel_loop3A_763, %parallel_loop3A_766, %xor3A_13 : vector<16xi1>, vector<16xi32>
        %parallel_loop3A_768 = vector.shape_cast %parallel_loop3A_767 : vector<16xi32> to vector<16x1xi32>
        %parallel_loop3A_769 = vector.shape_cast %parallel_loop3A_768 : vector<16x1xi32> to vector<16xi32>
        %parallel_loop3A_770 = tpu.dynamic_gather %parallel_loop3A_760[%parallel_loop3A_769] in [0] : vector<16xf32>, vector<16xi32> -> vector<16xf32>
        %parallel_loop3A_771 = arith.select %ne3A_35, %parallel_loop3A_770, %parallel_loop3A_667 : vector<16xi1>, vector<16xf32>
        %parallel_loop3A_772 = arith.select %ne3A_35, %parallel_loop3A_719, %parallel_loop3A_770 : vector<16xi1>, vector<16xf32>
        %parallel_loop3A_773 = arith.select %ne3A_35, %parallel_loop3A_680, %parallel_loop3A_732 : vector<16xi1>, vector<16xf32>
        %parallel_loop3A_774 = arith.constant 0 : i32
        %parallel_loop3A_775 = vector.broadcast %parallel_loop3A_774 : i32 to vector<16xi32>
        %parallel_loop3A_776 = arith.cmpi slt, %xor3A_13, %parallel_loop3A_775 : vector<16xi32>
        %parallel_loop3A_777 = arith.constant 16 : i32
        %parallel_loop3A_778 = vector.broadcast %parallel_loop3A_777 : i32 to vector<16xi32>
        %parallel_loop3A_779 = arith.addi %xor3A_13, %parallel_loop3A_778 : vector<16xi32>
        %parallel_loop3A_780 = arith.select %parallel_loop3A_776, %parallel_loop3A_779, %xor3A_13 : vector<16xi1>, vector<16xi32>
        %parallel_loop3A_781 = vector.shape_cast %parallel_loop3A_780 : vector<16xi32> to vector<16x1xi32>
        %parallel_loop3A_782 = vector.shape_cast %parallel_loop3A_781 : vector<16x1xi32> to vector<16xi32>
        %parallel_loop3A_783 = tpu.dynamic_gather %parallel_loop3A_773[%parallel_loop3A_782] in [0] : vector<16xf32>, vector<16xi32> -> vector<16xf32>
        %parallel_loop3A_784 = arith.select %ne3A_35, %parallel_loop3A_783, %parallel_loop3A_680 : vector<16xi1>, vector<16xf32>
        %parallel_loop3A_785 = arith.select %ne3A_35, %parallel_loop3A_732, %parallel_loop3A_783 : vector<16xi1>, vector<16xf32>
        %parallel_loop3A_786 = arith.select %ne3A_35, %parallel_loop3A_693, %parallel_loop3A_745 : vector<16xi1>, vector<16xf32>
        %parallel_loop3A_787 = arith.constant 0 : i32
        %parallel_loop3A_788 = vector.broadcast %parallel_loop3A_787 : i32 to vector<16xi32>
        %parallel_loop3A_789 = arith.cmpi slt, %xor3A_13, %parallel_loop3A_788 : vector<16xi32>
        %parallel_loop3A_790 = arith.constant 16 : i32
        %parallel_loop3A_791 = vector.broadcast %parallel_loop3A_790 : i32 to vector<16xi32>
        %parallel_loop3A_792 = arith.addi %xor3A_13, %parallel_loop3A_791 : vector<16xi32>
        %parallel_loop3A_793 = arith.select %parallel_loop3A_789, %parallel_loop3A_792, %xor3A_13 : vector<16xi1>, vector<16xi32>
        %parallel_loop3A_794 = vector.shape_cast %parallel_loop3A_793 : vector<16xi32> to vector<16x1xi32>
        %parallel_loop3A_795 = vector.shape_cast %parallel_loop3A_794 : vector<16x1xi32> to vector<16xi32>
        %parallel_loop3A_796 = tpu.dynamic_gather %parallel_loop3A_786[%parallel_loop3A_795] in [0] : vector<16xf32>, vector<16xi32> -> vector<16xf32>
        %parallel_loop3A_797 = arith.select %ne3A_35, %parallel_loop3A_796, %parallel_loop3A_693 : vector<16xi1>, vector<16xf32>
        %parallel_loop3A_798 = arith.select %ne3A_35, %parallel_loop3A_745, %parallel_loop3A_796 : vector<16xi1>, vector<16xf32>
        %parallel_loop3A_799 = arith.select %ne3A_35, %parallel_loop3A_655, %parallel_loop3A_707 : vector<16xi1>, vector<16xf32>
        %parallel_loop3A_800 = arith.constant 0 : i32
        %parallel_loop3A_801 = vector.broadcast %parallel_loop3A_800 : i32 to vector<16xi32>
        %parallel_loop3A_802 = arith.cmpi slt, %xor3A_13, %parallel_loop3A_801 : vector<16xi32>
        %parallel_loop3A_803 = arith.constant 16 : i32
        %parallel_loop3A_804 = vector.broadcast %parallel_loop3A_803 : i32 to vector<16xi32>
        %parallel_loop3A_805 = arith.addi %xor3A_13, %parallel_loop3A_804 : vector<16xi32>
        %parallel_loop3A_806 = arith.select %parallel_loop3A_802, %parallel_loop3A_805, %xor3A_13 : vector<16xi1>, vector<16xi32>
        %parallel_loop3A_807 = vector.shape_cast %parallel_loop3A_806 : vector<16xi32> to vector<16x1xi32>
        %parallel_loop3A_808 = vector.shape_cast %parallel_loop3A_807 : vector<16x1xi32> to vector<16xi32>
        %parallel_loop3A_809 = tpu.dynamic_gather %parallel_loop3A_799[%parallel_loop3A_808] in [0] : vector<16xf32>, vector<16xi32> -> vector<16xf32>
        %parallel_loop3A_810 = arith.select %ne3A_35, %parallel_loop3A_809, %parallel_loop3A_655 : vector<16xi1>, vector<16xf32>
        %parallel_loop3A_811 = arith.select %ne3A_35, %parallel_loop3A_707, %parallel_loop3A_809 : vector<16xi1>, vector<16xf32>
        %parallel_loop3A_812 = arith.select %ne3A_35, %parallel_loop3A_668, %parallel_loop3A_720 : vector<16xi1>, vector<16xf32>
        %parallel_loop3A_813 = arith.constant 0 : i32
        %parallel_loop3A_814 = vector.broadcast %parallel_loop3A_813 : i32 to vector<16xi32>
        %parallel_loop3A_815 = arith.cmpi slt, %xor3A_13, %parallel_loop3A_814 : vector<16xi32>
        %parallel_loop3A_816 = arith.constant 16 : i32
        %parallel_loop3A_817 = vector.broadcast %parallel_loop3A_816 : i32 to vector<16xi32>
        %parallel_loop3A_818 = arith.addi %xor3A_13, %parallel_loop3A_817 : vector<16xi32>
        %parallel_loop3A_819 = arith.select %parallel_loop3A_815, %parallel_loop3A_818, %xor3A_13 : vector<16xi1>, vector<16xi32>
        %parallel_loop3A_820 = vector.shape_cast %parallel_loop3A_819 : vector<16xi32> to vector<16x1xi32>
        %parallel_loop3A_821 = vector.shape_cast %parallel_loop3A_820 : vector<16x1xi32> to vector<16xi32>
        %parallel_loop3A_822 = tpu.dynamic_gather %parallel_loop3A_812[%parallel_loop3A_821] in [0] : vector<16xf32>, vector<16xi32> -> vector<16xf32>
        %parallel_loop3A_823 = arith.select %ne3A_35, %parallel_loop3A_822, %parallel_loop3A_668 : vector<16xi1>, vector<16xf32>
        %parallel_loop3A_824 = arith.select %ne3A_35, %parallel_loop3A_720, %parallel_loop3A_822 : vector<16xi1>, vector<16xf32>
        %parallel_loop3A_825 = arith.select %ne3A_35, %parallel_loop3A_681, %parallel_loop3A_733 : vector<16xi1>, vector<16xf32>
        %parallel_loop3A_826 = arith.constant 0 : i32
        %parallel_loop3A_827 = vector.broadcast %parallel_loop3A_826 : i32 to vector<16xi32>
        %parallel_loop3A_828 = arith.cmpi slt, %xor3A_13, %parallel_loop3A_827 : vector<16xi32>
        %parallel_loop3A_829 = arith.constant 16 : i32
        %parallel_loop3A_830 = vector.broadcast %parallel_loop3A_829 : i32 to vector<16xi32>
        %parallel_loop3A_831 = arith.addi %xor3A_13, %parallel_loop3A_830 : vector<16xi32>
        %parallel_loop3A_832 = arith.select %parallel_loop3A_828, %parallel_loop3A_831, %xor3A_13 : vector<16xi1>, vector<16xi32>
        %parallel_loop3A_833 = vector.shape_cast %parallel_loop3A_832 : vector<16xi32> to vector<16x1xi32>
        %parallel_loop3A_834 = vector.shape_cast %parallel_loop3A_833 : vector<16x1xi32> to vector<16xi32>
        %parallel_loop3A_835 = tpu.dynamic_gather %parallel_loop3A_825[%parallel_loop3A_834] in [0] : vector<16xf32>, vector<16xi32> -> vector<16xf32>
        %parallel_loop3A_836 = arith.select %ne3A_35, %parallel_loop3A_835, %parallel_loop3A_681 : vector<16xi1>, vector<16xf32>
        %parallel_loop3A_837 = arith.select %ne3A_35, %parallel_loop3A_733, %parallel_loop3A_835 : vector<16xi1>, vector<16xf32>
        %parallel_loop3A_838 = arith.select %ne3A_35, %parallel_loop3A_694, %parallel_loop3A_746 : vector<16xi1>, vector<16xf32>
        %parallel_loop3A_839 = arith.constant 0 : i32
        %parallel_loop3A_840 = vector.broadcast %parallel_loop3A_839 : i32 to vector<16xi32>
        %parallel_loop3A_841 = arith.cmpi slt, %xor3A_13, %parallel_loop3A_840 : vector<16xi32>
        %parallel_loop3A_842 = arith.constant 16 : i32
        %parallel_loop3A_843 = vector.broadcast %parallel_loop3A_842 : i32 to vector<16xi32>
        %parallel_loop3A_844 = arith.addi %xor3A_13, %parallel_loop3A_843 : vector<16xi32>
        %parallel_loop3A_845 = arith.select %parallel_loop3A_841, %parallel_loop3A_844, %xor3A_13 : vector<16xi1>, vector<16xi32>
        %parallel_loop3A_846 = vector.shape_cast %parallel_loop3A_845 : vector<16xi32> to vector<16x1xi32>
        %parallel_loop3A_847 = vector.shape_cast %parallel_loop3A_846 : vector<16x1xi32> to vector<16xi32>
        %parallel_loop3A_848 = tpu.dynamic_gather %parallel_loop3A_838[%parallel_loop3A_847] in [0] : vector<16xf32>, vector<16xi32> -> vector<16xf32>
        %parallel_loop3A_849 = arith.select %ne3A_35, %parallel_loop3A_848, %parallel_loop3A_694 : vector<16xi1>, vector<16xf32>
        %parallel_loop3A_850 = arith.select %ne3A_35, %parallel_loop3A_746, %parallel_loop3A_848 : vector<16xi1>, vector<16xf32>
        %parallel_loop3A_851 = arith.constant 0 : i32
        %parallel_loop3A_852 = arith.addi %parallel_loop3A_322, %parallel_loop3A_851 : i32
        %parallel_loop3A_853 = arith.constant 3 : i32
        %parallel_loop3A_854 = arith.shrsi %parallel_loop3A_852, %parallel_loop3A_853 : i32
        %parallel_loop3A_855 = arith.constant 7 : i32
        %parallel_loop3A_856 = arith.andi %parallel_loop3A_852, %parallel_loop3A_855 : i32
        %parallel_loop3A_857 = arith.constant 1 : i32
        %parallel_loop3A_858 = arith.index_cast %parallel_loop3A_857 : i32 to index
        %parallel_loop3A_859 = arith.index_cast %parallel_loop3A_316 : i32 to index
        %parallel_loop3A_860 = arith.index_cast %parallel_loop3A_854 : i32 to index
        %parallel_loop3A_861 = arith.index_cast %parallel_loop3A_856 : i32 to index
        %parallel_loop3A_862 = arith.index_cast %parallel_loop3A_320 : i32 to index
        %parallel_loop3A_863 = tpu.vector_load %arg7[%parallel_loop3A_858, %parallel_loop3A_859, %parallel_loop3A_860, %parallel_loop3A_861, %parallel_loop3A_862] {strides = array<i32>} : memref<2x2x8x8x128xf32, #tpu.memory_space<vmem>>, vector<16xf32>,
        tpu.vector_store %arg7[%parallel_loop3A_858, %parallel_loop3A_859, %parallel_loop3A_860, %parallel_loop3A_861, %parallel_loop3A_862], %parallel_loop3A_758 {strides = array<i32>} : memref<2x2x8x8x128xf32, #tpu.memory_space<vmem>>, vector<16xf32>,
        %parallel_loop3A_864 = arith.constant 1 : i32
        %parallel_loop3A_865 = arith.addi %parallel_loop3A_322, %parallel_loop3A_864 : i32
        %parallel_loop3A_866 = arith.constant 3 : i32
        %parallel_loop3A_867 = arith.shrsi %parallel_loop3A_865, %parallel_loop3A_866 : i32
        %parallel_loop3A_868 = arith.constant 7 : i32
        %parallel_loop3A_869 = arith.andi %parallel_loop3A_865, %parallel_loop3A_868 : i32
        %parallel_loop3A_870 = arith.constant 1 : i32
        %parallel_loop3A_871 = arith.index_cast %parallel_loop3A_870 : i32 to index
        %parallel_loop3A_872 = arith.index_cast %parallel_loop3A_316 : i32 to index
        %parallel_loop3A_873 = arith.index_cast %parallel_loop3A_867 : i32 to index
        %parallel_loop3A_874 = arith.index_cast %parallel_loop3A_869 : i32 to index
        %parallel_loop3A_875 = arith.index_cast %parallel_loop3A_320 : i32 to index
        %parallel_loop3A_876 = tpu.vector_load %arg7[%parallel_loop3A_871, %parallel_loop3A_872, %parallel_loop3A_873, %parallel_loop3A_874, %parallel_loop3A_875] {strides = array<i32>} : memref<2x2x8x8x128xf32, #tpu.memory_space<vmem>>, vector<16xf32>,
        tpu.vector_store %arg7[%parallel_loop3A_871, %parallel_loop3A_872, %parallel_loop3A_873, %parallel_loop3A_874, %parallel_loop3A_875], %parallel_loop3A_771 {strides = array<i32>} : memref<2x2x8x8x128xf32, #tpu.memory_space<vmem>>, vector<16xf32>,
        %parallel_loop3A_877 = arith.constant 2 : i32
        %parallel_loop3A_878 = arith.addi %parallel_loop3A_322, %parallel_loop3A_877 : i32
        %parallel_loop3A_879 = arith.constant 3 : i32
        %parallel_loop3A_880 = arith.shrsi %parallel_loop3A_878, %parallel_loop3A_879 : i32
        %parallel_loop3A_881 = arith.constant 7 : i32
        %parallel_loop3A_882 = arith.andi %parallel_loop3A_878, %parallel_loop3A_881 : i32
        %parallel_loop3A_883 = arith.constant 1 : i32
        %parallel_loop3A_884 = arith.index_cast %parallel_loop3A_883 : i32 to index
        %parallel_loop3A_885 = arith.index_cast %parallel_loop3A_316 : i32 to index
        %parallel_loop3A_886 = arith.index_cast %parallel_loop3A_880 : i32 to index
        %parallel_loop3A_887 = arith.index_cast %parallel_loop3A_882 : i32 to index
        %parallel_loop3A_888 = arith.index_cast %parallel_loop3A_320 : i32 to index
        %parallel_loop3A_889 = tpu.vector_load %arg7[%parallel_loop3A_884, %parallel_loop3A_885, %parallel_loop3A_886, %parallel_loop3A_887, %parallel_loop3A_888] {strides = array<i32>} : memref<2x2x8x8x128xf32, #tpu.memory_space<vmem>>, vector<16xf32>,
        tpu.vector_store %arg7[%parallel_loop3A_884, %parallel_loop3A_885, %parallel_loop3A_886, %parallel_loop3A_887, %parallel_loop3A_888], %parallel_loop3A_784 {strides = array<i32>} : memref<2x2x8x8x128xf32, #tpu.memory_space<vmem>>, vector<16xf32>,
        %parallel_loop3A_890 = arith.constant 3 : i32
        %parallel_loop3A_891 = arith.addi %parallel_loop3A_322, %parallel_loop3A_890 : i32
        %parallel_loop3A_892 = arith.constant 3 : i32
        %parallel_loop3A_893 = arith.shrsi %parallel_loop3A_891, %parallel_loop3A_892 : i32
        %parallel_loop3A_894 = arith.constant 7 : i32
        %parallel_loop3A_895 = arith.andi %parallel_loop3A_891, %parallel_loop3A_894 : i32
        %parallel_loop3A_896 = arith.constant 1 : i32
        %parallel_loop3A_897 = arith.index_cast %parallel_loop3A_896 : i32 to index
        %parallel_loop3A_898 = arith.index_cast %parallel_loop3A_316 : i32 to index
        %parallel_loop3A_899 = arith.index_cast %parallel_loop3A_893 : i32 to index
        %parallel_loop3A_900 = arith.index_cast %parallel_loop3A_895 : i32 to index
        %parallel_loop3A_901 = arith.index_cast %parallel_loop3A_320 : i32 to index
        %parallel_loop3A_902 = tpu.vector_load %arg7[%parallel_loop3A_897, %parallel_loop3A_898, %parallel_loop3A_899, %parallel_loop3A_900, %parallel_loop3A_901] {strides = array<i32>} : memref<2x2x8x8x128xf32, #tpu.memory_space<vmem>>, vector<16xf32>,
        tpu.vector_store %arg7[%parallel_loop3A_897, %parallel_loop3A_898, %parallel_loop3A_899, %parallel_loop3A_900, %parallel_loop3A_901], %parallel_loop3A_797 {strides = array<i32>} : memref<2x2x8x8x128xf32, #tpu.memory_space<vmem>>, vector<16xf32>,
        %parallel_loop3A_903 = arith.constant 4 : i32
        %parallel_loop3A_904 = arith.addi %parallel_loop3A_322, %parallel_loop3A_903 : i32
        %parallel_loop3A_905 = arith.constant 3 : i32
        %parallel_loop3A_906 = arith.shrsi %parallel_loop3A_904, %parallel_loop3A_905 : i32
        %parallel_loop3A_907 = arith.constant 7 : i32
        %parallel_loop3A_908 = arith.andi %parallel_loop3A_904, %parallel_loop3A_907 : i32
        %parallel_loop3A_909 = arith.constant 1 : i32
        %parallel_loop3A_910 = arith.index_cast %parallel_loop3A_909 : i32 to index
        %parallel_loop3A_911 = arith.index_cast %parallel_loop3A_316 : i32 to index
        %parallel_loop3A_912 = arith.index_cast %parallel_loop3A_906 : i32 to index
        %parallel_loop3A_913 = arith.index_cast %parallel_loop3A_908 : i32 to index
        %parallel_loop3A_914 = arith.index_cast %parallel_loop3A_320 : i32 to index
        %parallel_loop3A_915 = tpu.vector_load %arg7[%parallel_loop3A_910, %parallel_loop3A_911, %parallel_loop3A_912, %parallel_loop3A_913, %parallel_loop3A_914] {strides = array<i32>} : memref<2x2x8x8x128xf32, #tpu.memory_space<vmem>>, vector<16xf32>,
        tpu.vector_store %arg7[%parallel_loop3A_910, %parallel_loop3A_911, %parallel_loop3A_912, %parallel_loop3A_913, %parallel_loop3A_914], %parallel_loop3A_810 {strides = array<i32>} : memref<2x2x8x8x128xf32, #tpu.memory_space<vmem>>, vector<16xf32>,
        %parallel_loop3A_916 = arith.constant 5 : i32
        %parallel_loop3A_917 = arith.addi %parallel_loop3A_322, %parallel_loop3A_916 : i32
        %parallel_loop3A_918 = arith.constant 3 : i32
        %parallel_loop3A_919 = arith.shrsi %parallel_loop3A_917, %parallel_loop3A_918 : i32
        %parallel_loop3A_920 = arith.constant 7 : i32
        %parallel_loop3A_921 = arith.andi %parallel_loop3A_917, %parallel_loop3A_920 : i32
        %parallel_loop3A_922 = arith.constant 1 : i32
        %parallel_loop3A_923 = arith.index_cast %parallel_loop3A_922 : i32 to index
        %parallel_loop3A_924 = arith.index_cast %parallel_loop3A_316 : i32 to index
        %parallel_loop3A_925 = arith.index_cast %parallel_loop3A_919 : i32 to index
        %parallel_loop3A_926 = arith.index_cast %parallel_loop3A_921 : i32 to index
        %parallel_loop3A_927 = arith.index_cast %parallel_loop3A_320 : i32 to index
        %parallel_loop3A_928 = tpu.vector_load %arg7[%parallel_loop3A_923, %parallel_loop3A_924, %parallel_loop3A_925, %parallel_loop3A_926, %parallel_loop3A_927] {strides = array<i32>} : memref<2x2x8x8x128xf32, #tpu.memory_space<vmem>>, vector<16xf32>,
        tpu.vector_store %arg7[%parallel_loop3A_923, %parallel_loop3A_924, %parallel_loop3A_925, %parallel_loop3A_926, %parallel_loop3A_927], %parallel_loop3A_823 {strides = array<i32>} : memref<2x2x8x8x128xf32, #tpu.memory_space<vmem>>, vector<16xf32>,
        %parallel_loop3A_929 = arith.constant 6 : i32
        %parallel_loop3A_930 = arith.addi %parallel_loop3A_322, %parallel_loop3A_929 : i32
        %parallel_loop3A_931 = arith.constant 3 : i32
        %parallel_loop3A_932 = arith.shrsi %parallel_loop3A_930, %parallel_loop3A_931 : i32
        %parallel_loop3A_933 = arith.constant 7 : i32
        %parallel_loop3A_934 = arith.andi %parallel_loop3A_930, %parallel_loop3A_933 : i32
        %parallel_loop3A_935 = arith.constant 1 : i32
        %parallel_loop3A_936 = arith.index_cast %parallel_loop3A_935 : i32 to index
        %parallel_loop3A_937 = arith.index_cast %parallel_loop3A_316 : i32 to index
        %parallel_loop3A_938 = arith.index_cast %parallel_loop3A_932 : i32 to index
        %parallel_loop3A_939 = arith.index_cast %parallel_loop3A_934 : i32 to index
        %parallel_loop3A_940 = arith.index_cast %parallel_loop3A_320 : i32 to index
        %parallel_loop3A_941 = tpu.vector_load %arg7[%parallel_loop3A_936, %parallel_loop3A_937, %parallel_loop3A_938, %parallel_loop3A_939, %parallel_loop3A_940] {strides = array<i32>} : memref<2x2x8x8x128xf32, #tpu.memory_space<vmem>>, vector<16xf32>,
        tpu.vector_store %arg7[%parallel_loop3A_936, %parallel_loop3A_937, %parallel_loop3A_938, %parallel_loop3A_939, %parallel_loop3A_940], %parallel_loop3A_836 {strides = array<i32>} : memref<2x2x8x8x128xf32, #tpu.memory_space<vmem>>, vector<16xf32>,
        %parallel_loop3A_942 = arith.constant 7 : i32
        %parallel_loop3A_943 = arith.addi %parallel_loop3A_322, %parallel_loop3A_942 : i32
        %parallel_loop3A_944 = arith.constant 3 : i32
        %parallel_loop3A_945 = arith.shrsi %parallel_loop3A_943, %parallel_loop3A_944 : i32
        %parallel_loop3A_946 = arith.constant 7 : i32
        %parallel_loop3A_947 = arith.andi %parallel_loop3A_943, %parallel_loop3A_946 : i32
        %parallel_loop3A_948 = arith.constant 1 : i32
        %parallel_loop3A_949 = arith.index_cast %parallel_loop3A_948 : i32 to index
        %parallel_loop3A_950 = arith.index_cast %parallel_loop3A_316 : i32 to index
        %parallel_loop3A_951 = arith.index_cast %parallel_loop3A_945 : i32 to index
        %parallel_loop3A_952 = arith.index_cast %parallel_loop3A_947 : i32 to index
        %parallel_loop3A_953 = arith.index_cast %parallel_loop3A_320 : i32 to index
        %parallel_loop3A_954 = tpu.vector_load %arg7[%parallel_loop3A_949, %parallel_loop3A_950, %parallel_loop3A_951, %parallel_loop3A_952, %parallel_loop3A_953] {strides = array<i32>} : memref<2x2x8x8x128xf32, #tpu.memory_space<vmem>>, vector<16xf32>,
        tpu.vector_store %arg7[%parallel_loop3A_949, %parallel_loop3A_950, %parallel_loop3A_951, %parallel_loop3A_952, %parallel_loop3A_953], %parallel_loop3A_849 {strides = array<i32>} : memref<2x2x8x8x128xf32, #tpu.memory_space<vmem>>, vector<16xf32>,
        %parallel_loop3A_955 = arith.constant 8 : i32
        %parallel_loop3A_956 = arith.addi %parallel_loop3A_322, %parallel_loop3A_955 : i32
        %parallel_loop3A_957 = arith.constant 3 : i32
        %parallel_loop3A_958 = arith.shrsi %parallel_loop3A_956, %parallel_loop3A_957 : i32
        %parallel_loop3A_959 = arith.constant 7 : i32
        %parallel_loop3A_960 = arith.andi %parallel_loop3A_956, %parallel_loop3A_959 : i32
        %parallel_loop3A_961 = arith.constant 1 : i32
        %parallel_loop3A_962 = arith.index_cast %parallel_loop3A_961 : i32 to index
        %parallel_loop3A_963 = arith.index_cast %parallel_loop3A_316 : i32 to index
        %parallel_loop3A_964 = arith.index_cast %parallel_loop3A_958 : i32 to index
        %parallel_loop3A_965 = arith.index_cast %parallel_loop3A_960 : i32 to index
        %parallel_loop3A_966 = arith.index_cast %parallel_loop3A_320 : i32 to index
        %parallel_loop3A_967 = tpu.vector_load %arg7[%parallel_loop3A_962, %parallel_loop3A_963, %parallel_loop3A_964, %parallel_loop3A_965, %parallel_loop3A_966] {strides = array<i32>} : memref<2x2x8x8x128xf32, #tpu.memory_space<vmem>>, vector<16xf32>,
        tpu.vector_store %arg7[%parallel_loop3A_962, %parallel_loop3A_963, %parallel_loop3A_964, %parallel_loop3A_965, %parallel_loop3A_966], %parallel_loop3A_759 {strides = array<i32>} : memref<2x2x8x8x128xf32, #tpu.memory_space<vmem>>, vector<16xf32>,
        %parallel_loop3A_968 = arith.constant 9 : i32
        %parallel_loop3A_969 = arith.addi %parallel_loop3A_322, %parallel_loop3A_968 : i32
        %parallel_loop3A_970 = arith.constant 3 : i32
        %parallel_loop3A_971 = arith.shrsi %parallel_loop3A_969, %parallel_loop3A_970 : i32
        %parallel_loop3A_972 = arith.constant 7 : i32
        %parallel_loop3A_973 = arith.andi %parallel_loop3A_969, %parallel_loop3A_972 : i32
        %parallel_loop3A_974 = arith.constant 1 : i32
        %parallel_loop3A_975 = arith.index_cast %parallel_loop3A_974 : i32 to index
        %parallel_loop3A_976 = arith.index_cast %parallel_loop3A_316 : i32 to index
        %parallel_loop3A_977 = arith.index_cast %parallel_loop3A_971 : i32 to index
        %parallel_loop3A_978 = arith.index_cast %parallel_loop3A_973 : i32 to index
        %parallel_loop3A_979 = arith.index_cast %parallel_loop3A_320 : i32 to index
        %parallel_loop3A_980 = tpu.vector_load %arg7[%parallel_loop3A_975, %parallel_loop3A_976, %parallel_loop3A_977, %parallel_loop3A_978, %parallel_loop3A_979] {strides = array<i32>} : memref<2x2x8x8x128xf32, #tpu.memory_space<vmem>>, vector<16xf32>,
        tpu.vector_store %arg7[%parallel_loop3A_975, %parallel_loop3A_976, %parallel_loop3A_977, %parallel_loop3A_978, %parallel_loop3A_979], %parallel_loop3A_772 {strides = array<i32>} : memref<2x2x8x8x128xf32, #tpu.memory_space<vmem>>, vector<16xf32>,
        %parallel_loop3A_981 = arith.constant 10 : i32
        %parallel_loop3A_982 = arith.addi %parallel_loop3A_322, %parallel_loop3A_981 : i32
        %parallel_loop3A_983 = arith.constant 3 : i32
        %parallel_loop3A_984 = arith.shrsi %parallel_loop3A_982, %parallel_loop3A_983 : i32
        %parallel_loop3A_985 = arith.constant 7 : i32
        %parallel_loop3A_986 = arith.andi %parallel_loop3A_982, %parallel_loop3A_985 : i32
        %parallel_loop3A_987 = arith.constant 1 : i32
        %parallel_loop3A_988 = arith.index_cast %parallel_loop3A_987 : i32 to index
        %parallel_loop3A_989 = arith.index_cast %parallel_loop3A_316 : i32 to index
        %parallel_loop3A_990 = arith.index_cast %parallel_loop3A_984 : i32 to index
        %parallel_loop3A_991 = arith.index_cast %parallel_loop3A_986 : i32 to index
        %parallel_loop3A_992 = arith.index_cast %parallel_loop3A_320 : i32 to index
        %parallel_loop3A_993 = tpu.vector_load %arg7[%parallel_loop3A_988, %parallel_loop3A_989, %parallel_loop3A_990, %parallel_loop3A_991, %parallel_loop3A_992] {strides = array<i32>} : memref<2x2x8x8x128xf32, #tpu.memory_space<vmem>>, vector<16xf32>,
        tpu.vector_store %arg7[%parallel_loop3A_988, %parallel_loop3A_989, %parallel_loop3A_990, %parallel_loop3A_991, %parallel_loop3A_992], %parallel_loop3A_785 {strides = array<i32>} : memref<2x2x8x8x128xf32, #tpu.memory_space<vmem>>, vector<16xf32>,
        %parallel_loop3A_994 = arith.constant 11 : i32
        %parallel_loop3A_995 = arith.addi %parallel_loop3A_322, %parallel_loop3A_994 : i32
        %parallel_loop3A_996 = arith.constant 3 : i32
        %parallel_loop3A_997 = arith.shrsi %parallel_loop3A_995, %parallel_loop3A_996 : i32
        %parallel_loop3A_998 = arith.constant 7 : i32
        %parallel_loop3A_999 = arith.andi %parallel_loop3A_995, %parallel_loop3A_998 : i32
        %parallel_loop3A_1000 = arith.constant 1 : i32
        %parallel_loop3A_1001 = arith.index_cast %parallel_loop3A_1000 : i32 to index
        %parallel_loop3A_1002 = arith.index_cast %parallel_loop3A_316 : i32 to index
        %parallel_loop3A_1003 = arith.index_cast %parallel_loop3A_997 : i32 to index
        %parallel_loop3A_1004 = arith.index_cast %parallel_loop3A_999 : i32 to index
        %parallel_loop3A_1005 = arith.index_cast %parallel_loop3A_320 : i32 to index
        %parallel_loop3A_1006 = tpu.vector_load %arg7[%parallel_loop3A_1001, %parallel_loop3A_1002, %parallel_loop3A_1003, %parallel_loop3A_1004, %parallel_loop3A_1005] {strides = array<i32>} : memref<2x2x8x8x128xf32, #tpu.memory_space<vmem>>, vector<16xf32>,
        tpu.vector_store %arg7[%parallel_loop3A_1001, %parallel_loop3A_1002, %parallel_loop3A_1003, %parallel_loop3A_1004, %parallel_loop3A_1005], %parallel_loop3A_798 {strides = array<i32>} : memref<2x2x8x8x128xf32, #tpu.memory_space<vmem>>, vector<16xf32>,
        %parallel_loop3A_1007 = arith.constant 12 : i32
        %parallel_loop3A_1008 = arith.addi %parallel_loop3A_322, %parallel_loop3A_1007 : i32
        %parallel_loop3A_1009 = arith.constant 3 : i32
        %parallel_loop3A_1010 = arith.shrsi %parallel_loop3A_1008, %parallel_loop3A_1009 : i32
        %parallel_loop3A_1011 = arith.constant 7 : i32
        %parallel_loop3A_1012 = arith.andi %parallel_loop3A_1008, %parallel_loop3A_1011 : i32
        %parallel_loop3A_1013 = arith.constant 1 : i32
        %parallel_loop3A_1014 = arith.index_cast %parallel_loop3A_1013 : i32 to index
        %parallel_loop3A_1015 = arith.index_cast %parallel_loop3A_316 : i32 to index
        %parallel_loop3A_1016 = arith.index_cast %parallel_loop3A_1010 : i32 to index
        %parallel_loop3A_1017 = arith.index_cast %parallel_loop3A_1012 : i32 to index
        %parallel_loop3A_1018 = arith.index_cast %parallel_loop3A_320 : i32 to index
        %parallel_loop3A_1019 = tpu.vector_load %arg7[%parallel_loop3A_1014, %parallel_loop3A_1015, %parallel_loop3A_1016, %parallel_loop3A_1017, %parallel_loop3A_1018] {strides = array<i32>} : memref<2x2x8x8x128xf32, #tpu.memory_space<vmem>>, vector<16xf32>,
        tpu.vector_store %arg7[%parallel_loop3A_1014, %parallel_loop3A_1015, %parallel_loop3A_1016, %parallel_loop3A_1017, %parallel_loop3A_1018], %parallel_loop3A_811 {strides = array<i32>} : memref<2x2x8x8x128xf32, #tpu.memory_space<vmem>>, vector<16xf32>,
        %parallel_loop3A_1020 = arith.constant 13 : i32
        %parallel_loop3A_1021 = arith.addi %parallel_loop3A_322, %parallel_loop3A_1020 : i32
        %parallel_loop3A_1022 = arith.constant 3 : i32
        %parallel_loop3A_1023 = arith.shrsi %parallel_loop3A_1021, %parallel_loop3A_1022 : i32
        %parallel_loop3A_1024 = arith.constant 7 : i32
        %parallel_loop3A_1025 = arith.andi %parallel_loop3A_1021, %parallel_loop3A_1024 : i32
        %parallel_loop3A_1026 = arith.constant 1 : i32
        %parallel_loop3A_1027 = arith.index_cast %parallel_loop3A_1026 : i32 to index
        %parallel_loop3A_1028 = arith.index_cast %parallel_loop3A_316 : i32 to index
        %parallel_loop3A_1029 = arith.index_cast %parallel_loop3A_1023 : i32 to index
        %parallel_loop3A_1030 = arith.index_cast %parallel_loop3A_1025 : i32 to index
        %parallel_loop3A_1031 = arith.index_cast %parallel_loop3A_320 : i32 to index
        %parallel_loop3A_1032 = tpu.vector_load %arg7[%parallel_loop3A_1027, %parallel_loop3A_1028, %parallel_loop3A_1029, %parallel_loop3A_1030, %parallel_loop3A_1031] {strides = array<i32>} : memref<2x2x8x8x128xf32, #tpu.memory_space<vmem>>, vector<16xf32>,
        tpu.vector_store %arg7[%parallel_loop3A_1027, %parallel_loop3A_1028, %parallel_loop3A_1029, %parallel_loop3A_1030, %parallel_loop3A_1031], %parallel_loop3A_824 {strides = array<i32>} : memref<2x2x8x8x128xf32, #tpu.memory_space<vmem>>, vector<16xf32>,
        %parallel_loop3A_1033 = arith.constant 14 : i32
        %parallel_loop3A_1034 = arith.addi %parallel_loop3A_322, %parallel_loop3A_1033 : i32
        %parallel_loop3A_1035 = arith.constant 3 : i32
        %parallel_loop3A_1036 = arith.shrsi %parallel_loop3A_1034, %parallel_loop3A_1035 : i32
        %parallel_loop3A_1037 = arith.constant 7 : i32
        %parallel_loop3A_1038 = arith.andi %parallel_loop3A_1034, %parallel_loop3A_1037 : i32
        %parallel_loop3A_1039 = arith.constant 1 : i32
        %parallel_loop3A_1040 = arith.index_cast %parallel_loop3A_1039 : i32 to index
        %parallel_loop3A_1041 = arith.index_cast %parallel_loop3A_316 : i32 to index
        %parallel_loop3A_1042 = arith.index_cast %parallel_loop3A_1036 : i32 to index
        %parallel_loop3A_1043 = arith.index_cast %parallel_loop3A_1038 : i32 to index
        %parallel_loop3A_1044 = arith.index_cast %parallel_loop3A_320 : i32 to index
        %parallel_loop3A_1045 = tpu.vector_load %arg7[%parallel_loop3A_1040, %parallel_loop3A_1041, %parallel_loop3A_1042, %parallel_loop3A_1043, %parallel_loop3A_1044] {strides = array<i32>} : memref<2x2x8x8x128xf32, #tpu.memory_space<vmem>>, vector<16xf32>,
        tpu.vector_store %arg7[%parallel_loop3A_1040, %parallel_loop3A_1041, %parallel_loop3A_1042, %parallel_loop3A_1043, %parallel_loop3A_1044], %parallel_loop3A_837 {strides = array<i32>} : memref<2x2x8x8x128xf32, #tpu.memory_space<vmem>>, vector<16xf32>,
        %parallel_loop3A_1046 = arith.constant 15 : i32
        %parallel_loop3A_1047 = arith.addi %parallel_loop3A_322, %parallel_loop3A_1046 : i32
        %parallel_loop3A_1048 = arith.constant 3 : i32
        %parallel_loop3A_1049 = arith.shrsi %parallel_loop3A_1047, %parallel_loop3A_1048 : i32
        %parallel_loop3A_1050 = arith.constant 7 : i32
        %parallel_loop3A_1051 = arith.andi %parallel_loop3A_1047, %parallel_loop3A_1050 : i32
        %parallel_loop3A_1052 = arith.constant 1 : i32
        %parallel_loop3A_1053 = arith.index_cast %parallel_loop3A_1052 : i32 to index
        %parallel_loop3A_1054 = arith.index_cast %parallel_loop3A_316 : i32 to index
        %parallel_loop3A_1055 = arith.index_cast %parallel_loop3A_1049 : i32 to index
        %parallel_loop3A_1056 = arith.index_cast %parallel_loop3A_1051 : i32 to index
        %parallel_loop3A_1057 = arith.index_cast %parallel_loop3A_320 : i32 to index
        %parallel_loop3A_1058 = tpu.vector_load %arg7[%parallel_loop3A_1053, %parallel_loop3A_1054, %parallel_loop3A_1055, %parallel_loop3A_1056, %parallel_loop3A_1057] {strides = array<i32>} : memref<2x2x8x8x128xf32, #tpu.memory_space<vmem>>, vector<16xf32>,
        tpu.vector_store %arg7[%parallel_loop3A_1053, %parallel_loop3A_1054, %parallel_loop3A_1055, %parallel_loop3A_1056, %parallel_loop3A_1057], %parallel_loop3A_850 {strides = array<i32>} : memref<2x2x8x8x128xf32, #tpu.memory_space<vmem>>, vector<16xf32>,
      } {sc.loop_unroll_factor = 2 : i64, sc.parallel_access}
      %mul3A_282 = arith.constant 2 : i32
      %mul3A_283 = arith.muli %mul3A_282, %add3A_236 : i32
      %dma_start3A_284 = arith.constant 1 : i32
      %dma_start3A_285 = arith.constant 1 : i32
      %dma_start3A_286 = arith.constant 0 : i32
      %dma_start3A_287 = arith.constant 0 : i32
      %dma_start3A_288 = arith.constant 0 : i32
      %dma_start3A_289 = arith.constant 0 : i32
      %dma_start3A_290 = tpu.memref_slice %arg7[%dma_start3A_284, %dma_start3A_286, %dma_start3A_287, %dma_start3A_288, %dma_start3A_289] : memref<2x2x8x8x128xf32, #tpu.memory_space<vmem>> -> memref<1x2x8x8x128xf32, #tpu.memory_space<vmem>>
      %dma_start3A_291 = tpu.memref_squeeze %dma_start3A_290 : memref<1x2x8x8x128xf32, #tpu.memory_space<vmem>> -> memref<2x8x8x128xf32, #tpu.memory_space<vmem>>
      %dma_start3A_292 = arith.constant 0 : i32
      %dma_start3A_293 = arith.constant 0 : i32
      %dma_start3A_294 = arith.constant 0 : i32
      %dma_start3A_295 = tpu.memref_slice %arg4[%mul3A_283, %dma_start3A_292, %add3A, %dma_start3A_293, %dma_start3A_294] : memref<200x8x32x8x128xf32, #tpu.memory_space<hbm>> -> memref<2x8x1x8x128xf32, #tpu.memory_space<hbm>>
      %dma_start3A_296 = tpu.memref_squeeze %dma_start3A_295 : memref<2x8x1x8x128xf32, #tpu.memory_space<hbm>> -> memref<2x8x8x128xf32, #tpu.memory_space<hbm>>
      %dma_start3A_297 = tpu.memref_slice %arg9[%dma_start3A_285] : memref<2x!tpu.dma_semaphore, #tpu.memory_space<semaphore_mem>> -> memref<1x!tpu.dma_semaphore, #tpu.memory_space<semaphore_mem>>
      %dma_start3A_298 = tpu.memref_squeeze %dma_start3A_297 : memref<1x!tpu.dma_semaphore, #tpu.memory_space<semaphore_mem>> -> memref<!tpu.dma_semaphore, #tpu.memory_space<semaphore_mem>>
      %dma_start3A_299 = arith.constant 0 : i32
      %dma_start3A_300 = arith.constant 0 : i32
      %dma_start3A_301 = arith.constant 0 : i32
      %dma_start3A_302 = tpu.memref_slice %arg4[%mul3A_283, %dma_start3A_299, %add3A, %dma_start3A_300, %dma_start3A_301] : memref<200x8x32x8x128xf32, #tpu.memory_space<hbm>> -> memref<2x8x1x8x128xf32, #tpu.memory_space<hbm>>
      %dma_start3A_303 = tpu.memref_squeeze %dma_start3A_302 : memref<2x8x1x8x128xf32, #tpu.memory_space<hbm>> -> memref<2x8x8x128xf32, #tpu.memory_space<hbm>>
      %dma_start3A_304 = arith.constant 0 : i32
      %dma_start3A_305 = arith.constant 0 : i32
      %dma_start3A_306 = arith.constant 0 : i32
      %dma_start3A_307 = arith.constant 0 : i32
      %dma_start3A_308 = tpu.memref_slice %arg7[%dma_start3A_284, %dma_start3A_304, %dma_start3A_305, %dma_start3A_306, %dma_start3A_307] : memref<2x2x8x8x128xf32, #tpu.memory_space<vmem>> -> memref<1x2x8x8x128xf32, #tpu.memory_space<vmem>>
      %dma_start3A_309 = tpu.memref_squeeze %dma_start3A_308 : memref<1x2x8x8x128xf32, #tpu.memory_space<vmem>> -> memref<2x8x8x128xf32, #tpu.memory_space<vmem>>
      tpu.enqueue_dma source(%dma_start3A_309 : memref<2x8x8x128xf32, #tpu.memory_space<vmem>>) target(%dma_start3A_303 : memref<2x8x8x128xf32, #tpu.memory_space<hbm>>) target_semaphore(%dma_start3A_298 : memref<!tpu.dma_semaphore, #tpu.memory_space<semaphore_mem>>)
    }
    %scan3A_103 = arith.constant 50 : i32
    %dma_wait3A = arith.constant 0 : i32
    %dma_wait3A_104 = arith.constant 0 : i32
    %dma_wait3A_105 = arith.constant 0 : i32
    %dma_wait3A_106 = arith.constant 0 : i32
    %dma_wait3A_107 = arith.constant 0 : i32
    %dma_wait3A_108 = arith.constant 0 : i32
    %dma_wait3A_109 = arith.constant 0 : i32
    %dma_wait3A_110 = tpu.memref_slice %arg7[%dma_wait3A_104, %dma_wait3A_106, %dma_wait3A_107, %dma_wait3A_108, %dma_wait3A_109] : memref<2x2x8x8x128xf32, #tpu.memory_space<vmem>> -> memref<1x2x8x8x128xf32, #tpu.memory_space<vmem>>
    %dma_wait3A_111 = tpu.memref_squeeze %dma_wait3A_110 : memref<1x2x8x8x128xf32, #tpu.memory_space<vmem>> -> memref<2x8x8x128xf32, #tpu.memory_space<vmem>>
    %dma_wait3A_112 = arith.constant 0 : i32
    %dma_wait3A_113 = arith.constant 0 : i32
    %dma_wait3A_114 = arith.constant 0 : i32
    %dma_wait3A_115 = arith.constant 0 : i32
    %dma_wait3A_116 = tpu.memref_slice %arg4[%dma_wait3A_112, %dma_wait3A_113, %dma_wait3A, %dma_wait3A_114, %dma_wait3A_115] : memref<200x8x32x8x128xf32, #tpu.memory_space<hbm>> -> memref<2x8x1x8x128xf32, #tpu.memory_space<hbm>>
    %dma_wait3A_117 = tpu.memref_squeeze %dma_wait3A_116 : memref<2x8x1x8x128xf32, #tpu.memory_space<hbm>> -> memref<2x8x8x128xf32, #tpu.memory_space<hbm>>
    %dma_wait3A_118 = tpu.memref_slice %arg9[%dma_wait3A_105] : memref<2x!tpu.dma_semaphore, #tpu.memory_space<semaphore_mem>> -> memref<1x!tpu.dma_semaphore, #tpu.memory_space<semaphore_mem>>
    %dma_wait3A_119 = tpu.memref_squeeze %dma_wait3A_118 : memref<1x!tpu.dma_semaphore, #tpu.memory_space<semaphore_mem>> -> memref<!tpu.dma_semaphore, #tpu.memory_space<semaphore_mem>>
    %dma_wait3A_120 = arith.constant 0 : i32
    %dma_wait3A_121 = arith.constant 0 : i32
    %dma_wait3A_122 = arith.constant 0 : i32
    %dma_wait3A_123 = arith.constant 0 : i32
    %dma_wait3A_124 = tpu.memref_slice %arg7[%dma_wait3A_104, %dma_wait3A_120, %dma_wait3A_121, %dma_wait3A_122, %dma_wait3A_123] : memref<2x2x8x8x128xf32, #tpu.memory_space<vmem>> -> memref<1x2x8x8x128xf32, #tpu.memory_space<vmem>>
    %dma_wait3A_125 = tpu.memref_squeeze %dma_wait3A_124 : memref<1x2x8x8x128xf32, #tpu.memory_space<vmem>> -> memref<2x8x8x128xf32, #tpu.memory_space<vmem>>
    %dma_wait3A_126 = arith.constant 0 : i32
    %dma_wait3A_127 = arith.constant 0 : i32
    %dma_wait3A_128 = arith.constant 0 : i32
    %dma_wait3A_129 = arith.constant 0 : i32
    %dma_wait3A_130 = tpu.memref_slice %arg4[%dma_wait3A_126, %dma_wait3A_127, %dma_wait3A, %dma_wait3A_128, %dma_wait3A_129] : memref<200x8x32x8x128xf32, #tpu.memory_space<hbm>> -> memref<2x8x1x8x128xf32, #tpu.memory_space<hbm>>
    %dma_wait3A_131 = tpu.memref_squeeze %dma_wait3A_130 : memref<2x8x1x8x128xf32, #tpu.memory_space<hbm>> -> memref<2x8x8x128xf32, #tpu.memory_space<hbm>>
    tpu.wait_dma2 semaphore(%dma_wait3A_119 : memref<!tpu.dma_semaphore, #tpu.memory_space<semaphore_mem>>) src(%dma_wait3A_131 : memref<2x8x8x128xf32, #tpu.memory_space<hbm>>) dst(%dma_wait3A_125 : memref<2x8x8x128xf32, #tpu.memory_space<vmem>>)
    %dma_wait3A_132 = arith.constant 0 : i32
    %dma_wait3A_133 = arith.constant 1 : i32
    %dma_wait3A_134 = arith.constant 1 : i32
    %dma_wait3A_135 = arith.constant 0 : i32
    %dma_wait3A_136 = arith.constant 0 : i32
    %dma_wait3A_137 = arith.constant 0 : i32
    %dma_wait3A_138 = arith.constant 0 : i32
    %dma_wait3A_139 = tpu.memref_slice %arg7[%dma_wait3A_133, %dma_wait3A_135, %dma_wait3A_136, %dma_wait3A_137, %dma_wait3A_138] : memref<2x2x8x8x128xf32, #tpu.memory_space<vmem>> -> memref<1x2x8x8x128xf32, #tpu.memory_space<vmem>>
    %dma_wait3A_140 = tpu.memref_squeeze %dma_wait3A_139 : memref<1x2x8x8x128xf32, #tpu.memory_space<vmem>> -> memref<2x8x8x128xf32, #tpu.memory_space<vmem>>
    %dma_wait3A_141 = arith.constant 0 : i32
    %dma_wait3A_142 = arith.constant 0 : i32
    %dma_wait3A_143 = arith.constant 0 : i32
    %dma_wait3A_144 = arith.constant 0 : i32
    %dma_wait3A_145 = tpu.memref_slice %arg4[%dma_wait3A_141, %dma_wait3A_142, %dma_wait3A_132, %dma_wait3A_143, %dma_wait3A_144] : memref<200x8x32x8x128xf32, #tpu.memory_space<hbm>> -> memref<2x8x1x8x128xf32, #tpu.memory_space<hbm>>
    %dma_wait3A_146 = tpu.memref_squeeze %dma_wait3A_145 : memref<2x8x1x8x128xf32, #tpu.memory_space<hbm>> -> memref<2x8x8x128xf32, #tpu.memory_space<hbm>>
    %dma_wait3A_147 = tpu.memref_slice %arg9[%dma_wait3A_134] : memref<2x!tpu.dma_semaphore, #tpu.memory_space<semaphore_mem>> -> memref<1x!tpu.dma_semaphore, #tpu.memory_space<semaphore_mem>>
    %dma_wait3A_148 = tpu.memref_squeeze %dma_wait3A_147 : memref<1x!tpu.dma_semaphore, #tpu.memory_space<semaphore_mem>> -> memref<!tpu.dma_semaphore, #tpu.memory_space<semaphore_mem>>
    %dma_wait3A_149 = arith.constant 0 : i32
    %dma_wait3A_150 = arith.constant 0 : i32
    %dma_wait3A_151 = arith.constant 0 : i32
    %dma_wait3A_152 = arith.constant 0 : i32
    %dma_wait3A_153 = tpu.memref_slice %arg7[%dma_wait3A_133, %dma_wait3A_149, %dma_wait3A_150, %dma_wait3A_151, %dma_wait3A_152] : memref<2x2x8x8x128xf32, #tpu.memory_space<vmem>> -> memref<1x2x8x8x128xf32, #tpu.memory_space<vmem>>
    %dma_wait3A_154 = tpu.memref_squeeze %dma_wait3A_153 : memref<1x2x8x8x128xf32, #tpu.memory_space<vmem>> -> memref<2x8x8x128xf32, #tpu.memory_space<vmem>>
    %dma_wait3A_155 = arith.constant 0 : i32
    %dma_wait3A_156 = arith.constant 0 : i32
    %dma_wait3A_157 = arith.constant 0 : i32
    %dma_wait3A_158 = arith.constant 0 : i32
    %dma_wait3A_159 = tpu.memref_slice %arg4[%dma_wait3A_155, %dma_wait3A_156, %dma_wait3A_132, %dma_wait3A_157, %dma_wait3A_158] : memref<200x8x32x8x128xf32, #tpu.memory_space<hbm>> -> memref<2x8x1x8x128xf32, #tpu.memory_space<hbm>>
    %dma_wait3A_160 = tpu.memref_squeeze %dma_wait3A_159 : memref<2x8x1x8x128xf32, #tpu.memory_space<hbm>> -> memref<2x8x8x128xf32, #tpu.memory_space<hbm>>
    tpu.wait_dma2 semaphore(%dma_wait3A_148 : memref<!tpu.dma_semaphore, #tpu.memory_space<semaphore_mem>>) src(%dma_wait3A_160 : memref<2x8x8x128xf32, #tpu.memory_space<hbm>>) dst(%dma_wait3A_154 : memref<2x8x8x128xf32, #tpu.memory_space<vmem>>)
    return
  }
}

module attributes {stable_mosaic.version = 14 : i64} {
  func.func @_table_body(%arg0: i32, %arg1: memref<10000x56xf32, #tpu.memory_space<vmem>>, %arg2: memref<4x8xf32, #tpu.memory_space<vmem>>, %arg3: memref<1x64xf32, #tpu.memory_space<vmem>>, %arg4: memref<1x64xf32, #tpu.memory_space<vmem>>, %arg5: memref<10000x64xf32, #tpu.memory_space<vmem>>) attributes {dimension_semantics = [#tpu.dimension_semantics<arbitrary>], iteration_bounds = array<i64: 10>, scalar_prefetch = 0 : i64, scratch_operands = 0 : i64, tpu.core_type = #tpu.core_type<tc>, window_params = [{transform_indices = @transform_0, window_bounds = array<i64: 10000, 56>}, {pipeline_mode = #tpu.pipeline_mode<synchronous>, transform_indices = @transform_1, window_bounds = array<i64: 4, 8>}, {pipeline_mode = #tpu.pipeline_mode<synchronous>, transform_indices = @transform_2, window_bounds = array<i64: 1, 64>}, {pipeline_mode = #tpu.pipeline_mode<synchronous>, transform_indices = @transform_3, window_bounds = array<i64: 1, 64>}, {transform_indices = @transform_4, window_bounds = array<i64: 10000, 64>}]} {
    %ge3A = arith.constant 5 : i32
    %ge3A_0 = arith.cmpi sge, %arg0, %ge3A : i32
    %convert_element_type3A = arith.extui %ge3A_0 : i1 to i32
    %ge3A_1 = arith.constant 6 : i32
    %ge3A_2 = arith.cmpi sge, %arg0, %ge3A_1 : i32
    %convert_element_type3A_3 = arith.extui %ge3A_2 : i1 to i32
    %add3A = arith.addi %convert_element_type3A, %convert_element_type3A_3 : i32
    %ge3A_4 = arith.constant 8 : i32
    %ge3A_5 = arith.cmpi sge, %arg0, %ge3A_4 : i32
    %convert_element_type3A_6 = arith.extui %ge3A_5 : i1 to i32
    %add3A_7 = arith.addi %add3A, %convert_element_type3A_6 : i32
    %get3A = arith.constant 0 : index
    %get3A_8 = arith.constant 0 : index
    %get3A_9 = vector.load %arg2[%get3A, %get3A_8] : memref<4x8xf32, #tpu.memory_space<vmem>>, vector<4x8xf32>
    %broadcast_in_dim3A = arith.constant 0.000000e+00 : f32
    %broadcast_in_dim3A_10 = vector.broadcast %broadcast_in_dim3A : f32 to vector<1x8xf32>
    %eq3A = arith.constant 0 : i32
    %eq3A_11 = arith.cmpi eq, %add3A_7, %eq3A : i32
    %slice3A = vector.extract_strided_slice %get3A_9 {offsets = [0, 0], sizes = [1, 8], strides = [1, 1]} : vector<4x8xf32> to vector<1x8xf32>
    %select_n3A = arith.select %eq3A_11, %slice3A, %broadcast_in_dim3A_10 : vector<1x8xf32>
    %eq3A_12 = arith.constant 1 : i32
    %eq3A_13 = arith.cmpi eq, %add3A_7, %eq3A_12 : i32
    %slice3A_14 = vector.extract_strided_slice %get3A_9 {offsets = [1, 0], sizes = [1, 8], strides = [1, 1]} : vector<4x8xf32> to vector<1x8xf32>
    %select_n3A_15 = arith.select %eq3A_13, %slice3A_14, %select_n3A : vector<1x8xf32>
    %eq3A_16 = arith.constant 2 : i32
    %eq3A_17 = arith.cmpi eq, %add3A_7, %eq3A_16 : i32
    %slice3A_18 = vector.extract_strided_slice %get3A_9 {offsets = [2, 0], sizes = [1, 8], strides = [1, 1]} : vector<4x8xf32> to vector<1x8xf32>
    %select_n3A_19 = arith.select %eq3A_17, %slice3A_18, %select_n3A_15 : vector<1x8xf32>
    %eq3A_20 = arith.constant 3 : i32
    %eq3A_21 = arith.cmpi eq, %add3A_7, %eq3A_20 : i32
    %slice3A_22 = vector.extract_strided_slice %get3A_9 {offsets = [3, 0], sizes = [1, 8], strides = [1, 1]} : vector<4x8xf32> to vector<1x8xf32>
    %select_n3A_23 = arith.select %eq3A_21, %slice3A_22, %select_n3A_19 : vector<1x8xf32>
    %get3A_24 = arith.constant 0 : index
    %get3A_25 = arith.constant 0 : index
    %get3A_26 = vector.load %arg1[%get3A_24, %get3A_25] : memref<10000x56xf32, #tpu.memory_space<vmem>>, vector<10000x56xf32>
    %broadcast_in_dim3A_27 = vector.shape_cast %select_n3A_23 : vector<1x8xf32> to vector<1x8xf32>
    %broadcast_in_dim3A_28 = vector.broadcast %broadcast_in_dim3A_27 : vector<1x8xf32> to vector<10000x8xf32>
    %concatenate3A = tpu.concatenate %get3A_26, %broadcast_in_dim3A_28 in 1 : vector<10000x56xf32>, vector<10000x8xf32> -> vector<10000x64xf32>
    %reduce_sum3A = arith.constant dense<0.000000e+00> : vector<10000xf32>
    %reduce_sum3A_29 = vector.multi_reduction <add>, %concatenate3A, %reduce_sum3A [1] : vector<10000x64xf32> to vector<10000xf32>
    %broadcast_in_dim3A_30 = vector.shape_cast %reduce_sum3A_29 : vector<10000xf32> to vector<10000x1xf32>
    %div3A = arith.constant 6.400000e+01 : f32
    %div3A_31 = vector.broadcast %div3A : f32 to vector<10000x1xf32>
    %div3A_32 = arith.divf %broadcast_in_dim3A_30, %div3A_31 : vector<10000x1xf32>
    %sub3A = vector.broadcast %div3A_32 : vector<10000x1xf32> to vector<10000x64xf32>
    %sub3A_33 = arith.subf %concatenate3A, %sub3A : vector<10000x64xf32>
    %integer_pow3A = arith.mulf %sub3A_33, %sub3A_33 : vector<10000x64xf32>
    %reduce_sum3A_34 = arith.constant dense<0.000000e+00> : vector<10000xf32>
    %reduce_sum3A_35 = vector.multi_reduction <add>, %integer_pow3A, %reduce_sum3A_34 [1] : vector<10000x64xf32> to vector<10000xf32>
    %broadcast_in_dim3A_36 = vector.shape_cast %reduce_sum3A_35 : vector<10000xf32> to vector<10000x1xf32>
    %div3A_37 = arith.constant 6.400000e+01 : f32
    %div3A_38 = vector.broadcast %div3A_37 : f32 to vector<10000x1xf32>
    %div3A_39 = arith.divf %broadcast_in_dim3A_36, %div3A_38 : vector<10000x1xf32>
    %add3A_40 = arith.constant 9.99999974E-6 : f32
    %add3A_41 = vector.broadcast %add3A_40 : f32 to vector<10000x1xf32>
    %add3A_42 = arith.addf %div3A_39, %add3A_41 : vector<10000x1xf32>
    %rsqrt3A = math.rsqrt %add3A_42 : vector<10000x1xf32>
    %sub3A_43 = vector.broadcast %div3A_32 : vector<10000x1xf32> to vector<10000x64xf32>
    %sub3A_44 = arith.subf %concatenate3A, %sub3A_43 : vector<10000x64xf32>
    %mul3A = vector.broadcast %rsqrt3A : vector<10000x1xf32> to vector<10000x64xf32>
    %mul3A_45 = arith.mulf %sub3A_44, %mul3A : vector<10000x64xf32>
    %get3A_46 = arith.constant 0 : index
    %get3A_47 = arith.constant 0 : index
    %get3A_48 = vector.load %arg3[%get3A_46, %get3A_47] : memref<1x64xf32, #tpu.memory_space<vmem>>, vector<1x64xf32>
    %mul3A_49 = vector.broadcast %get3A_48 : vector<1x64xf32> to vector<10000x64xf32>
    %mul3A_50 = arith.mulf %mul3A_45, %mul3A_49 : vector<10000x64xf32>
    %get3A_51 = arith.constant 0 : index
    %get3A_52 = arith.constant 0 : index
    %get3A_53 = vector.load %arg4[%get3A_51, %get3A_52] : memref<1x64xf32, #tpu.memory_space<vmem>>, vector<1x64xf32>
    %add3A_54 = vector.broadcast %get3A_53 : vector<1x64xf32> to vector<10000x64xf32>
    %add3A_55 = arith.addf %mul3A_50, %add3A_54 : vector<10000x64xf32>
    %mul3A_56 = arith.constant 8.000000e+00 : f32
    %mul3A_57 = vector.broadcast %mul3A_56 : f32 to vector<10000x64xf32>
    %mul3A_58 = arith.mulf %add3A_55, %mul3A_57 : vector<10000x64xf32>
    %swap3A = arith.constant 0 : index
    %swap3A_59 = arith.constant 0 : index
    %swap3A_60 = vector.load %arg5[%swap3A, %swap3A_59] : memref<10000x64xf32, #tpu.memory_space<vmem>>, vector<10000x64xf32>
    tpu.vector_store %arg5[%swap3A, %swap3A_59], %mul3A_58 {strides = array<i32>} : memref<10000x64xf32, #tpu.memory_space<vmem>>, vector<10000x64xf32>,
    return
  }
  func.func @transform_0(%arg0: i32) -> (i32, i32) {
    %c0_i32 = arith.constant 0 : i32
    %c0_i32_0 = arith.constant 0 : i32
    return %arg0, %c0_i32 : i32, i32
  }
  func.func @transform_1(%arg0: i32) -> (i32, i32) {
    %c0_i32 = arith.constant 0 : i32
    %c0_i32_0 = arith.constant 0 : i32
    %c0_i32_1 = arith.constant 0 : i32
    return %c0_i32, %c0_i32_0 : i32, i32
  }
  func.func @transform_2(%arg0: i32) -> (i32, i32) {
    %c0_i32 = arith.constant 0 : i32
    %c0_i32_0 = arith.constant 0 : i32
    %c0_i32_1 = arith.constant 0 : i32
    return %c0_i32, %c0_i32_0 : i32, i32
  }
  func.func @transform_3(%arg0: i32) -> (i32, i32) {
    %c0_i32 = arith.constant 0 : i32
    %c0_i32_0 = arith.constant 0 : i32
    %c0_i32_1 = arith.constant 0 : i32
    return %c0_i32, %c0_i32_0 : i32, i32
  }
  func.func @transform_4(%arg0: i32) -> (i32, i32) {
    %c0_i32 = arith.constant 0 : i32
    %c0_i32_0 = arith.constant 0 : i32
    return %arg0, %c0_i32 : i32, i32
  }
}

</mosaic_0001>

<sc_bundles>
// kernel: kernel.4.cloned.1.call-start
scs
__scs_entry_jumppad:
0x0: {  	(pc) =	sbr.rel $0x88, $3  }
0x1: {  	(tag) =	ssettag $0x0;
	lr =	simm.s32 $0x1  }
0x2: {  	[smem:$0x3F9C] =	sst lr;
	_ =	strace $0xD0000000  }
0x3: {  	_ = 	snop  }
0x4: {  	_ = 	snop  }
0x5: {  	_ = 	snop  }
0x6: {  	_ = 	snop  }
0x7: {  	_ = 	snop  }
__scs_overlays_trampoline_lowered:
0x8: {  	[smem:$0x3FAB] =	sst s0  }
0x9: {  	[smem:$0x3FAC] =	sst s1  }
0xa: {  	[smem:$0x3FAD] =	sst s2  }
0xb: {  	[smem:$0x3FAE] =	sst s3  }
0xc: {  	[smem:$0x3FAF] =	sst s4  }
0xd: {  	[smem:$0x3FB0] =	sst s5  }
0xe: {  	[smem:$0x3FB1] =	sst s6  }
0xf: {  	[smem:$0x3FB2] =	sst s7  }
0x10: {  	[smem:$0x3FB3] =	sst s8  }
0x11: {  	[smem:$0x3FB4] =	sst s9;
	s0 =	simm.s32 @!p0 $0x0  }
0x12: {  	s1 =	sld [smem:$0x3F9A];
	s0 =	simm.s32 @p0 $0x1  }
0x13: {  	[smem:$0x3FB5] =	sst s0;
	s0 =	simm.s32 @!p1 $0x0  }
0x14: {  	s2 =	sld [smem:$0x3F99];
	s0 =	simm.s32 @p1 $0x1  }
0x15: {  	[smem:$0x3FB6] =	sst s0;
	s0 =	simm.s32 @!p2 $0x0  }
0x16: {  	s3 =	sld [smem:$0x3FDB];
	s0 =	simm.s32 @p2 $0x1  }
0x17: {  	s4 =	simm.s32 $0x1BF5;
	[smem:$0x3FB8] =	sst s0  }
0x18: {  	s0 =	sld [smem:$0x3F9B];
	_ =	swait.ge [sflag:s4], $0x0  }
0x19: {  	s7 =	sld [smem:$0x3F9C]  }
0x1a: {  	s8 =	sadd.s32 $0xFFFFE003, lr  }
0x1b: {  	s9 =	sadd.s32 $0xFFFFFEF7, lr;
	s5 =	simm.s32 $0xFFFFFFFF;
	p2 =	slt.u32 s8, $0xFFFFF086  }
0x1c: {  	p1 =	slt.u32 s9, $0xF7A;
	s5 =	simm.s32 @!p2 $0x0  }
0x1d: {  	s5 =	simm.s32 @p1 $0x1;
	p0 =	seq.s32 s7, s2  }
0x1e: {  	s7 =	smul.u32 @!p0 $0xF7A, s2;
	p2 =	seq.s32 @!p0 s5, $0x0  }
0x1f: {  	s9 =	smul.u32 $0xF7A, s1;
	s8 =	simm.s32 @!p0 $0x1BF5;
	p2 =	por !p2, p0  }
0x20: {  	[sflag:s8] =	ssyncset.s32 @!p0 $0xFFFFF086;
	s6 =	sadd.s32 @!p0 s3, s7;
	s7 =	simm.s32 @!p0 $0x108  }
0x21: {  	s3 =	sadd.s32 s3, s9;
	s6 =	sadd.s32 @!p0 $0x88, s6;
	s7 =	simm.s32 @p2 $0x1082  }
0x22: {  	[simem:s7], [sflag:s8] =	dma.local @!p0 [hbm:s6], $0xF7A  }
0x23: {  	s9 =	sor.u32 $0xD0000000, s2;
	s6 =	simm.s32 $0x108;
	_ =	swait.ge @!p0 [sflag:s8], $0x0  }
0x24: {  	s3 =	sadd.s32 $0x88, s3;
	s6 =	simm.s32 @!p1 $0x1082;
	[sflag:s4] =	ssyncset.s32 $0xFFFFF086  }
0x25: {  	[simem:s6], [sflag:s4] =	dma.local [hbm:s3], $0xF7A  }
0x26: {  	[smem:$0x3F9C] =	sst s1;
	(tag) =	ssettag s2;
	_ =	strace s9  }
0x27: {  	s1 =	sld [smem:$0x3FAC]  }
0x28: {  	s2 =	sld [smem:$0x3FAD]  }
0x29: {  	s4 =	sld [smem:$0x3FAF]  }
0x2a: {  	p0 =	seq.s32 s5, $0x0;
	s5 =	sld [smem:$0x3FB0]  }
0x2b: {  	s6 =	sld [smem:$0x3FB1]  }
0x2c: {  	s7 =	sld [smem:$0x3FB2]  }
0x2d: {  	s3 =	simm.s32 $0x108;
	s8 =	sld [smem:$0x3FB3]  }
0x2e: {  	s3 =	simm.s32 @!p0 $0x1082;
	s9 =	sld [smem:$0x3FB4]  }
0x2f: {  	lr =	sadd.s32 s0, s3;
	s0 =	sld [smem:$0x3FAB]  }
0x30: {  	s3 =	sld [smem:$0x3FAE]  }
0x31: {  	[smem:$0x3FB7] =	sst s10  }
0x32: {  	s10 =	sld [smem:$0x3FB5];
	_ =	sdelay $0x3  }
0x33: {  	p0 =	seq.s32 s10, $0x1;
	s10 =	sld [smem:$0x3FB7];
	_ =	sdelay $0x3  }
0x34: {  	[smem:$0x3FB7] =	sst s10  }
0x35: {  	s10 =	sld [smem:$0x3FB6];
	_ =	sdelay $0x3  }
0x36: {  	p1 =	seq.s32 s10, $0x1;
	s10 =	sld [smem:$0x3FB7];
	_ =	sdelay $0x3  }
0x37: {  	[smem:$0x3FB7] =	sst s10  }
0x38: {  	s10 =	sld [smem:$0x3FB8]  }
0x39: {  	_ = 	snop;
	(pc) =	sbr.ind lr, $3  }
0x3a: {  	_ = 	snop  }
0x3b: {  	_ = 	snop  }
0x3c: {  	p2 =	seq.s32 s10, $0x1;
	s10 =	sld [smem:$0x3FB7]  }
0x3d: {  	_ =	shalt  }
0x3e: {  	_ =	shalt  }
0x3f: {  	_ =	shalt  }
0x40: {  	_ =	shalt  }
0x41: {  	_ =	shalt  }
0x42: {  	_ =	shalt  }
0x43: {  	_ =	shalt  }
0x44: {  	_ =	shalt  }
0x45: {  	_ =	shalt  }
0x46: {  	_ =	shalt  }
0x47: {  	_ =	shalt  }
0x48: {  	_ =	shalt  }
0x49: {  	_ =	shalt  }
0x4a: {  	_ =	shalt  }
0x4b: {  	_ =	shalt  }
0x4c: {  	_ =	shalt  }
0x4d: {  	_ =	shalt  }
0x4e: {  	_ =	shalt  }
0x4f: {  	_ =	shalt  }
0x50: {  	_ =	shalt  }
0x51: {  	_ =	shalt  }
0x52: {  	_ =	shalt  }
0x53: {  	_ =	shalt  }
0x54: {  	_ =	shalt  }
0x55: {  	_ =	shalt  }
0x56: {  	_ =	shalt  }
0x57: {  	_ =	shalt  }
0x58: {  	_ =	shalt  }
0x59: {  	_ =	shalt  }
0x5a: {  	_ =	shalt  }
0x5b: {  	_ =	shalt  }
0x5c: {  	_ =	shalt  }
0x5d: {  	_ =	shalt  }
0x5e: {  	_ =	shalt  }
0x5f: {  	_ =	shalt  }
0x60: {  	_ =	shalt  }
0x61: {  	_ =	shalt  }
0x62: {  	_ =	shalt  }
0x63: {  	_ =	shalt  }
0x64: {  	_ =	shalt  }
0x65: {  	_ =	shalt  }
0x66: {  	_ =	shalt  }
0x67: {  	_ =	shalt  }
0x68: {  	_ =	shalt  }
0x69: {  	_ =	shalt  }
0x6a: {  	_ =	shalt  }
0x6b: {  	_ =	shalt  }
0x6c: {  	_ =	shalt  }
0x6d: {  	_ =	shalt  }
0x6e: {  	_ =	shalt  }
0x6f: {  	_ =	shalt  }
0x70: {  	_ =	shalt  }
0x71: {  	_ =	shalt  }
0x72: {  	_ =	shalt  }
0x73: {  	_ =	shalt  }
0x74: {  	_ =	shalt  }
0x75: {  	_ =	shalt  }
0x76: {  	_ =	shalt  }
0x77: {  	_ =	shalt  }
0x78: {  	_ =	shalt  }
0x79: {  	_ =	shalt  }
0x7a: {  	_ =	shalt  }
0x7b: {  	_ =	shalt  }
0x7c: {  	_ =	shalt  }
0x7d: {  	_ =	shalt  }
0x7e: {  	_ =	shalt  }
0x7f: {  	_ =	shalt  }
0x80: {  	_ =	shalt  }
0x81: {  	_ =	shalt  }
0x82: {  	_ =	shalt  }
0x83: {  	_ =	shalt  }
0x84: {  	_ =	shalt  }
0x85: {  	_ =	shalt  }
0x86: {  	_ =	shalt  }
0x87: {  	_ =	shalt  }
.Lfunc_end0:
.L_simem_size_0:
called_computation_lowered:
.L_overlay_start_0:
0x88: {  	s2 =	sld [smem:$0x3FD9]  }
0x89: {  	s3 =	sld [smem:$0x3FFE];
	_ =	sdelay $0x1  }
0x8a: {  	s1 =	srdreg.scid  }
0x8b: {  	s0 =	sand.u32 $0x1, s1  }
0x8c: {  	s17 =	sshll.u32 s0, $0xA;
	s2 =	sadd.s32 s3, s2  }
0x8d: {  	s2 =	sadd.s32 s2, s17  }
0x8e: {  	[smem:$0x3FC3] =	sst s2  }
0x8f: {  	_ = 	snop  }
0x90: {  	s2 =	sld [smem:$0x3FD0];
	(tm) =	ssettm $0x1  }
0x91: {  	s18 =	sld [smem:$0x3FFB];
	_ =	sdelay $0x3  }
0x92: {  	_ =	strace s18  }
0x93: {  	s3 =	sld [smem:$0x3FFC];
	_ =	sdelay $0x3  }
0x94: {  	_ =	strace s3  }
0x95: {  	s3 =	sld [smem:$0x3FFD];
	_ =	sdelay $0x3  }
0x96: {  	_ =	strace s3  }
0x97: {  	_ =	strace $0x8FFFFFFF  }
0x98: {  	s19 =	sld [smem:$0x3FDB];
	_ =	sdelay $0x1  }
0x99: {  	s4 =	simm.s32 $_scs_section_size  }
0x9a: {  	s5 =	simm.s32 $_size__tile_overlayer_lowered;
	s6 =	simm.s32 $_tile_overlayer_lowered  }
0x9b: {  	s22 =	simm.s32 $0x1BFF;
	s21 =	sshll.u32 s6, $0x1;
	s3 =	sadd.s32 s4, s19  }
0x9c: {  	s7 =	simm.s32 $0x0;
	s20 =	sshll.u32 s5, $0x1;
	s5 =	sadd.s32 s21, s3  }
0x9d: {  	[timem:s7], [sflag:s22] =	dma.local [hbm:s5], s20  }
0x9e: {  	_ =	swait.ge [sflag:s22], s20  }
0x9f: {  	s4 =	ssub.s32 $0x0, s20;
	[sflag:s22] =	ssyncset.done $0x0  }
0xa0: {  	[sflag:s22] =	ssyncadd.s32 s4;
	_ =	sdelay $0x1  }
0xa1: {  	s23 =	simm.s32 $0x1B8B  }
0xa2: {  	_ =	swait.ge [sflag:s23], $0x1  }
0xa3: {  	[sflag:s23] =	ssyncset.done $0x0  }
0xa4: {  	s25 =	simm.s32 $0x1B8E;
	s24 =	sld [smem:$0x3FFE];
	[sflag:s23] =	ssyncadd.s32 $0xFFFFFFFF  }
0xa5: {  	s26 =	simm.s32 $execute0_lowered;
	[smem:$0x3FD2] =	sst s25  }
0xa6: {  	s5 =	sshll.u32 s26, $0x1;
	_ =	strace $0x80000046;
	[dreg:$0x1] =	wrdreg $0xFFFFFFFF  }
0xa7: {  	s28 =	simm.s32 $_size_execute0_lowered;
	s3 =	sadd.s32 s3, s5;
	[dreg:$0x0] =	wrdreg $0x0  }
0xa8: {  	s5 =	sshll.u32 s28, $0x1;
	[dreg:$0x2] =	wrdreg s3  }
0xa9: {  	[dreg:$0x3] =	wrdreg s5  }
0xaa: {  	[dreg:$0x4] =	wrdreg $0xC0  }
0xab: {  	_ =	task [dreg:s7], $0x5FFFF  }
0xac: {  	[dreg:$0x1] =	wrdreg $0xFFFFFFFF  }
0xad: {  	[dreg:$0x0] =	wrdreg $0x60  }
0xae: {  	[dreg:$0x2] =	wrdreg s24  }
0xaf: {  	[dreg:$0x3] =	wrdreg s2  }
0xb0: {  	[dreg:$0x4] =	wrdreg $0x9  }
0xb1: {  	_ =	task.clear_ibuf [dreg:s7], $0x5FFFF;
	_ =	strace $0x90000046  }
0xb2: {  	s29 =	simm.s32 $0x9;
	_ =	strace $0x80000048  }
0xb3: {  	_ =	swait.ge [sflag:s29], $0x1  }
0xb4: {  	[sflag:s29] =	ssyncadd.s32 $0xFFFFFFFF  }
0xb5: {  	_ =	strace $0x90000048  }
0xb6: {  	_ =	sfence  }
0xb7: {  	s30 =	sld [smem:$0x0];
	_ =	sdelay $0x2  }
0xb8: {  	s31 =	sshll.u32 s1, $0xD;
	s1 =	sshrl.u32 s1, $0x2  }
0xb9: {  	s3 =	sand.u32 $0x4000, s31;
	s1 =	sadd.s32 s1, s30  }
0xba: {  	s0 =	sor.u32 s3, s0;
	s1 =	sshll.u32 s1, $0x11  }
0xbb: {  	s0 =	sor.u32 s1, s0  }
0xbc: {  	s0 =	sadd.s32 $0x8F2B, s0  }
0xbd: {  	[sflag:s0] =	ssyncadd.remote.s32 $0x1  }
0xbe: {  	_ =	sfence.sel $0xFFFF  }
0xbf: {  	[dreg:$0x0] =	wrdreg $0xFFFFFFFF;
	(pc) =	sbr.abs _section_cstart, $3  }
0xc0: {  	[dreg:$0x1] =	wrdreg $0xFFFFFFFF  }
0xc1: {  	_ =	task.clear_ibuf [dreg:s7], $0x2FFFF;
	_ =	strace $0x9FFFFFFF  }
0xc2: {  	(tm) =	ssettm $0x7FFFFFFF  }
0xc3: {  	_ =	shalt  }
tec
execute0_lowered:
.L_overlay_start_1:
0x0: {  	(tag) =	ssettag $0x1  }
0x1: {  	vm0 =	vcmask $0xB08  }
0x2: {  	vm1 =	vcmask $0x300;
	v0 =	vimm.s32 $0xEFCDAB89;
	v1 =	vimm.s32 $0x67452301  }
0x3: {  	v2 =	vimm.s32 $0xDCFE98BA;
	v3 =	vimm.s32 $0xBA98FEDC;
	v4 =	vimm.s32 $0x32107654  }
0x4: {  	vm2 =	vcmask $0x700;
	vm0 =	vmor vm1, vm0;
	vm1 =	vcmask $0x1310  }
0x5: {  	v0 =	vunpack.c.l.s4.s8 v0;
	v1 =	vunpack.c.l.s4.s8 v1;
	v3 =	vunpack.c.l.s4.s8 v3  }
0x6: {  	v4 =	vunpack.c.l.s4.s8 v4;
	vm0 =	vmor vm0, vm1;
	vm1 =	vcmask $0x1B18  }
0x7: {  	vm0 =	vmor vm0, vm1;
	v0 =	vunpack.c.0.s8.s32 v0;
	v1 =	vunpack.c.0.s8.s32 v1  }
0x8: {  	vm1 =	vcmask $0x2320;
	v3 =	vunpack.c.0.s8.s32 v3;
	v4 =	vunpack.c.0.s8.s32 v4  }
0x9: {  	v0 =	vcombine.low v1, v0;
	v1 =	vunpack.c.l.s4.s8 v2;
	v2 =	vimm.s32 $0x54761032  }
0xa: {  	vm0 =	vmor vm0, vm1;
	vm1 =	vcmask $0x2B28;
	v2 =	vunpack.c.l.s4.s8 v2  }
0xb: {  	vm3 =	vcmask $0xF00;
	vm0 =	vmor vm0, vm1;
	vm1 =	vcmask $0x3330  }
0xc: {  	s0 =	rddreg [dreg:$0x0];
	v3 =	vcombine.low v4, v3;
	v1 =	vunpack.c.0.s8.s32 v1;
	v2 =	vunpack.c.0.s8.s32 v2  }
0xd: {  	s1 =	srdreg.scid;
	s2 =	stileid.u32;
	s3 =	simm.s32 $0x0;
	v4 =	vimm.s32 $0x76543210;
	vm0 =	vmor vm0, vm1;
	vm1 =	vcmask $0x3B38  }
0xe: {  	s1 =	sand.u32 $0x1, s1;
	s2 =	sshll.u32 s2, $0x1;
	[smem:$0x7FF] =	sst s3;
	v4 =	vunpack.c.l.s4.s8 v4;
	v1 =	vcombine.low v2, v1;
	v2 =	vimm.s32 $0xFEDCBA98  }
0xf: {  	s2 =	sor.u32 s1, s2;
	s1 =	ssub.s32 $0x2, s1;
	_ =	strace $0x80000047;
	vm0 =	vmor vm0, vm1;
	vm1 =	vcmask $0x1710;
	v2 =	vunpack.c.l.s4.s8 v2  }
0x10: {  	s28 =	sshll.u32 s2, $0x4;
	s5 =	sshrl.u32 s1, $0x1;
	s31 =	sshll.u32 s2, $0xA;
	v0 =	vand.u32 $0xF, v0;
	vm1 =	vmor vm2, vm1;
	vm2 =	vcmask $0x2720  }
0x11: {  	s3 =	sadd.s32 s28, s0;
	s0 =	sadd.s32 $0x1A0400, s0;
	[dreg:$0x7] =	wrdreg s31;
	vm1 =	vmor vm1, vm2;
	vm2 =	vcmask $0x3730;
	v2 =	vunpack.c.0.s8.s32 v2  }
0x12: {  	s29 =	ssub.s32 s1, s5;
	[dreg:$0x5] =	wrdreg s0;
	s30 =	sadd.s32 $0xA00, s3;
	v4 =	vunpack.c.0.s8.s32 v4;
	vm1 =	vmor vm1, vm2;
	vm2 =	vcmask $0x2F20  }
0x13: {  	s0 =	smax.u32 s29, $0x1;
	[dreg:$0x6] =	wrdreg s30;
	vm2 =	vmor vm3, vm2;
	vm3 =	vmmov $0xff;
	v5 =	vand.u32 $0xF, v2  }
0x14: {  	s2 =	simm.s32 $0x0;
	[dreg:$0x8] =	wrdreg s0;
	v1 =	vand.u32 $0xF, v1;
	v2 =	vand.u32 $0xF, v3;
	v3 =	vcombine.low v5, v4  }
.LBB2_1:
0x15: {  	[dreg:$0x9] =	wrdreg s2  }
0x16: {  	s0 =	simm.s32 $0x0;
	s1 =	rddreg [dreg:$0x6]  }
0x17: {  	s22 =	simm.s32 $0x80;
	s3 =	simm.s32 $0x1000;
	s23 =	simm.s32 $0x6  }
0x18: {  	[tilespmem:s0], [sflag:$0x6] =	stream.strided.gather [hbm4b:s1+s22], $0x6400, s3, s22, $0x38;
	[tilespmem:$0x1A400] =	vst v63  }
0x19: {  	_ =	swait.ge [sflag:s23], $0x6400  }
0x1a: {  	[sflag:s23] =	ssyncset.done $0x0  }
0x1b: {  	s25 =	simm.s32 $0x6400;
	s24 =	rddreg [dreg:$0x5];
	[sflag:s23] =	ssyncadd.s32 $0xFFFF9C00  }
0x1c: {  	[tilespmem:s25], [sflag:$0x1] =	stream.indirect.gather [hbm4b:s24+s22], $0x40, s0, s22, $0xb8;
	[tilespmem:$0x1A400] =	vst v63  }
0x1d: {  	s26 =	simm.s32 $0x8400  }
0x1e: {  	[tilespmem:s26], [sflag:$0x1] =	stream.indirect.gather [hbm4b:s24+s22], $0x40, s22, s22, $0xb8;
	[tilespmem:$0x1A400] =	vst v63  }
0x1f: {  	s28 =	simm.s32 $0x100;
	s29 =	simm.s32 $0xA400  }
0x20: {  	[tilespmem:s29], [sflag:$0x2] =	stream.indirect.gather [hbm4b:s24+s22], $0x40, s28, s22, $0xb8;
	[tilespmem:$0x1A400] =	vst v63  }
0x21: {  	s30 =	simm.s32 $0x180;
	s31 =	simm.s32 $0xC400  }
0x22: {  	[tilespmem:s31], [sflag:$0x2] =	stream.indirect.gather [hbm4b:s24+s22], $0x40, s30, s22, $0xb8;
	[tilespmem:$0x1A400] =	vst v63  }
0x23: {  	s24 =	simm.s32 $0x0  }
.LBB2_2:
0x24: {  	s0 =	smul.u32 $0x156, s24;
	_ =	sdelay $0x1  }
0x25: {  	s0 =	sshrl.u32 s0, $0x9  }
0x26: {  	s25 =	sshll.u32 s24, $0x1;
	p0 =	seq.s32 s24, $0x31;
	s0 =	sand.u32 $0x7F, s0  }
0x27: {  	s1 =	sadd.s32 @!p0 $0x2, s25;
	s0 =	smul.u32 $0x3, s0  }
0x28: {  	s2 =	smul.u32 @!p0 $0xAB, s1  }
0x29: {  	s0 =	ssub.s32 s25, s0  }
0x2a: {  	s2 =	sshrl.u32 @!p0 s2, $0x9;
	s0 =	sand.u32 $0xFF, s0  }
0x2b: {  	s2 =	sand.u32 @!p0 $0x7F, s2;
	s3 =	sadd.s32 $0x1, s0  }
0x2c: {  	s2 =	smul.u32 @!p0 $0x3, s2;
	_ =	swait.ge [sflag:s3], $0x2000  }
0x2d: {  	s6 =	simm.s32 @!p0 $0x80;
	p1 =	seq.s32 @!p0 s24, $0x0;
	[sflag:s3] =	ssyncset.done $0x0  }
0x2e: {  	s2 =	ssub.s32 @!p0 s1, s2;
	s1 =	sshll.u32 @!p0 s1, $0x8;
	[sflag:s3] =	ssyncadd.s32 $0xFFFFE000  }
0x2f: {  	s2 =	sand.u32 @!p0 $0xFF, s2;
	s1 =	sand.u32 @!p0 $0x3FFFFF00, s1;
	_ =	swait.ge [sflag:s3], $0x2000  }
0x30: {  	s5 =	sshll.u32 @!p0 s2, $0xE;
	s2 =	sadd.s32 @!p0 $0x1, s2;
	[sflag:s3] =	ssyncset.done $0x0  }
0x31: {  	s4 =	rddreg [dreg:$0x5];
	[sflag:s3] =	ssyncadd.s32 $0xFFFFE000;
	s3 =	sadd.s32 @!p0 $0x6400, s5  }
0x32: {  	[tilespmem:s3], [sflag:s2] =	stream.indirect.gather @!p0 [hbm4b:s4+s6], $0x40, s1, s6, $0xb8;
	[tilespmem:$0x1A400] =	vst v63  }
0x33: {  	p1 =	por p0, !p1;
	s3 =	sadd.s32 @!p0 $0x8400, s5;
	s1 =	sor.u32 @!p0 $0x80, s1  }
0x34: {  	[tilespmem:s3], [sflag:s2] =	stream.indirect.gather @!p0 [hbm4b:s4+s6], $0x40, s1, s6, $0xb8;
	[tilespmem:$0x1A400] =	vst v63  }
0x35: {  	s0 =	sshll.u32 s0, $0xE;
	s1 =	simm.s32 @p1 $0x4  }
0x36: {  	s26 =	simm.s32 $0x0;
	s0 =	sadd.s32 $0x6400, s0;
	_ =	swait.ge @p1 [sflag:s1], $0x4000  }
0x37: {  	[dreg:$0x3] =	wrdreg s0;
	s0 =	sand.u32 $0x70, s26;
	[sflag:s1] =	ssyncset.done @p1 $0x0  }
0x38: {  	s18 =	rddreg [dreg:$0x3];
	[sflag:s1] =	ssyncadd.s32 @p1 $0xFFFFC000;
	s1 =	sand.u32 $0x2000, s26  }
0x39: {  	s9 =	sand.u32 $0x20, s26;
	s19 =	sshll.u32 s0, $0x6;
	s2 =	sadd.s32 s1, s18  }
0x3a: {  	s20 =	sor.u32 $0x300, s26;
	s11 =	sor.u32 $0x10, s9;
	s10 =	sadd.s32 s19, s2  }
0x3b: {  	s21 =	sor.u32 $0x340, s26;
	s8 =	sadd.s32 s20, s2;
	s22 =	sadd.s32 s11, s10  }
0x3c: {  	s23 =	sor.u32 $0x380, s26;
	s7 =	sadd.s32 s21, s2;
	s4 =	sadd.s32 s11, s8;
	v5 =	vld [tilespmem:s22+$0x0]  }
0x3d: {  	s12 =	sor.u32 $0x3C0, s26;
	s5 =	sadd.s32 s23, s2;
	s13 =	sadd.s32 s11, s7;
	v8 =	vld [tilespmem:s4+$0x0]  }
0x3e: {  	s3 =	sadd.s32 s12, s2;
	s14 =	sadd.s32 s11, s5;
	v4 =	vld [tilespmem:s13+$0x0]  }
0x3f: {  	s15 =	sadd.s32 s11, s3;
	v9 =	vld [tilespmem:s14+$0x0]  }
0x40: {  	s6 =	sadd.s32 $0x40, s10;
	s3 =	sadd.s32 s9, s3;
	v6 =	vld [tilespmem:s15+$0x0]  }
0x41: {  	s12 =	sadd.s32 $0x80, s10;
	s13 =	sadd.s32 s11, s6;
	v62 =	vld [tilespmem:s3+$0x0]  }
0x42: {  	s2 =	sadd.s32 $0xC0, s10;
	s16 =	sadd.s32 s11, s12;
	v7 =	vld [tilespmem:s13+$0x0]  }
0x43: {  	s17 =	sadd.s32 s11, s2;
	v11 =	vld [tilespmem:s16+$0x0]  }
0x44: {  	s12 =	sadd.s32 s9, s12;
	v12 =	vld [tilespmem:s17+$0x0]  }
0x45: {  	s14 =	sadd.s32 $0x100, s10;
	s2 =	sadd.s32 s9, s2;
	v23 =	vld [tilespmem:s12+$0x0]  }
0x46: {  	s15 =	sadd.s32 $0x140, s10;
	s18 =	sadd.s32 s11, s14;
	v27 =	vld [tilespmem:s2+$0x0]  }
0x47: {  	s16 =	sadd.s32 $0x180, s10;
	s19 =	sadd.s32 s11, s15;
	v13 =	vld [tilespmem:s18+$0x0]  }
0x48: {  	s17 =	sadd.s32 $0x1C0, s10;
	v14 =	vld [tilespmem:s19+$0x0];
	s20 =	sadd.s32 s11, s16  }
0x49: {  	s21 =	sadd.s32 s11, s17;
	v15 =	vld [tilespmem:s20+$0x0]  }
0x4a: {  	s12 =	sadd.s32 s9, s16;
	v16 =	vld [tilespmem:s21+$0x0]  }
0x4b: {  	s18 =	sadd.s32 $0x200, s10;
	s13 =	sadd.s32 s9, s17;
	v33 =	vld [tilespmem:s12+$0x0]  }
0x4c: {  	s19 =	sadd.s32 $0x240, s10;
	s22 =	sadd.s32 s11, s18;
	v35 =	vld [tilespmem:s13+$0x0]  }
0x4d: {  	s20 =	sadd.s32 $0x280, s10;
	s23 =	sadd.s32 s11, s19;
	v17 =	vld [tilespmem:s22+$0x0]  }
0x4e: {  	s21 =	sadd.s32 $0x2C0, s10;
	v18 =	vld [tilespmem:s23+$0x0];
	s4 =	sadd.s32 s11, s20;
	v10 =	vsel vm0, v4, v8  }
0x4f: {  	s22 =	sadd.s32 s11, s21;
	v19 =	vld [tilespmem:s4+$0x0];
	v22 =	vperm.xlane v10, v0;
	v10 =	vsel vm0, v6, v9  }
0x50: {  	s16 =	sadd.s32 s9, s20;
	v20 =	vld [tilespmem:s22+$0x0];
	v24 =	vsel vm0, v7, v5;
	v25 =	vsel vm0, v12, v11;
	v43 =	vsel vm0, v27, v23  }
0x51: {  	s17 =	sadd.s32 s9, s21;
	v40 =	vld [tilespmem:s16+$0x0];
	v26 =	vperm.xlane v10, v0;
	v24 =	vperm.xlane v24, v0;
	v10 =	vsel vm0, v14, v13  }
0x52: {  	s21 =	sadd.s32 s9, s5;
	v42 =	vld [tilespmem:s17+$0x0];
	v25 =	vperm.xlane v25, v0;
	v43 =	vperm.xlane v43, v0;
	v28 =	vsel vm0, v16, v15  }
0x53: {  	v52 =	vld [tilespmem:s21+$0x0];
	v30 =	vperm.xlane v10, v0;
	v46 =	vsel vm0, v35, v33;
	v8 =	vsel vm0, v8, v22  }
0x54: {  	v10 =	vsel vm0, v18, v17;
	v28 =	vperm.xlane v28, v0;
	v36 =	vsel vm0, v24, v7  }
0x55: {  	v24 =	vsel vm0, v5, v24;
	v46 =	vperm.xlane v46, v0;
	v23 =	vsel vm0, v23, v43  }
0x56: {  	v27 =	vsel vm0, v43, v27;
	v11 =	vsel vm0, v11, v25;
	v32 =	vperm.xlane v10, v0  }
0x57: {  	v10 =	vsel vm0, v20, v19;
	v14 =	vsel vm0, v30, v14;
	v54 =	vsel vm0, v42, v40  }
0x58: {  	v63 =	vsel vm0, v62, v52;
	v13 =	vsel vm0, v13, v30;
	v34 =	vperm.xlane v10, v0  }
0x59: {  	s6 =	sadd.s32 s9, s6;
	v10 =	vsel vm0, v22, v4;
	v4 =	vsel vm0, v26, v6;
	v6 =	vsel vm0, v25, v12  }
0x5a: {  	v21 =	vld [tilespmem:s6+$0x0];
	s23 =	sadd.s32 s9, s14;
	v12 =	vsel vm0, v28, v16;
	v54 =	vperm.xlane v54, v0;
	v33 =	vsel vm0, v33, v46  }
0x5b: {  	s4 =	sadd.s32 s9, s15;
	v29 =	vld [tilespmem:s23+$0x0];
	v35 =	vsel vm0, v46, v35;
	v15 =	vsel vm0, v15, v28;
	v26 =	vsel vm0, v9, v26  }
0x5c: {  	s14 =	sadd.s32 s9, s18;
	s18 =	sadd.s32 s9, s10;
	v31 =	vld [tilespmem:s4+$0x0];
	v7 =	vsel vm1, v4, v10;
	v16 =	vsel vm0, v32, v18;
	v38 =	vsel vm1, v6, v36  }
0x5d: {  	v45 =	vld [tilespmem:s18+$0x0];
	v17 =	vsel vm0, v17, v32;
	v60 =	vsel vm1, v15, v13;
	v20 =	vsel vm0, v34, v20  }
0x5e: {  	s15 =	sadd.s32 s9, s19;
	v37 =	vld [tilespmem:s14+$0x0];
	v39 =	vperm.xlane v7, v1;
	v38 =	vperm.xlane v38, v1;
	v7 =	vsel vm1, v12, v14  }
0x5f: {  	v18 =	vld [tilespmem:s15+$0x0];
	v40 =	vsel vm0, v40, v54;
	v42 =	vsel vm0, v54, v42;
	v19 =	vsel vm0, v19, v34  }
0x60: {  	v60 =	vperm.xlane v60, v1;
	v41 =	vsel vm1, v20, v16;
	v44 =	vperm.xlane v7, v1  }
0x61: {  	v7 =	vsel vm0, v31, v29;
	v41 =	vperm.xlane v41, v1;
	v47 =	vsel vm1, v39, v4  }
0x62: {  	v49 =	vsel vm1, v38, v6;
	v53 =	vperm.xlane v7, v0;
	v7 =	vsel vm0, v21, v45  }
0x63: {  	v39 =	vsel vm1, v10, v39;
	v6 =	vsel vm1, v44, v12;
	v55 =	vperm.xlane v7, v0  }
0x64: {  	v14 =	vsel vm1, v14, v44;
	v4 =	vsel vm1, v41, v20;
	v12 =	vsel vm0, v18, v37  }
0x65: {  	v50 =	vsel vm2, v6, v49;
	v29 =	vsel vm0, v29, v53;
	v31 =	vsel vm0, v53, v31  }
0x66: {  	v16 =	vsel vm1, v16, v41;
	v51 =	vsel vm2, v47, v4;
	v50 =	vperm.xlane v50, v2  }
0x67: {  	v56 =	vperm.xlane v12, v0;
	v45 =	vsel vm0, v45, v55;
	v21 =	vsel vm0, v55, v21  }
0x68: {  	v55 =	vperm.xlane v63, v0;
	v9 =	vsel vm1, v33, v29;
	v34 =	vsel vm1, v35, v31  }
0x69: {  	s19 =	sadd.s32 s9, s8;
	v63 =	vsel vm1, v19, v17;
	v5 =	vperm.xlane v51, v2;
	v22 =	vsel vm1, v23, v45  }
0x6a: {  	s20 =	sadd.s32 s9, s7;
	v48 =	vld [tilespmem:s19+$0x0];
	v9 =	vperm.xlane v9, v1;
	v34 =	vperm.xlane v34, v1;
	v6 =	vsel vm2, v50, v6  }
0x6b: {  	v20 =	vld [tilespmem:s20+$0x0];
	v37 =	vsel vm0, v37, v56;
	v18 =	vsel vm0, v56, v18;
	v28 =	vsel vm0, v52, v55  }
0x6c: {  	v30 =	vsel vm0, v55, v62;
	v22 =	vperm.xlane v22, v1;
	v55 =	vsel vm1, v36, v38  }
0x6d: {  	v38 =	vsel vm2, v39, v16;
	v47 =	vsel vm2, v5, v47;
	v58 =	vsel vm1, v40, v37  }
0x6e: {  	v59 =	vsel vm1, v42, v18;
	v29 =	vsel vm1, v29, v9;
	v51 =	vsel vm1, v9, v33  }
0x6f: {  	v31 =	vsel vm1, v31, v34;
	v52 =	vsel vm1, v34, v35;
	v7 =	vsel vm3, v47, v6  }
0x70: {  	v12 =	vsel vm0, v20, v48;
	v36 =	vsel vm1, v45, v22;
	v58 =	vperm.xlane v58, v1  }
0x71: {  	v59 =	vperm.xlane v59, v1;
	v23 =	vsel vm1, v22, v23;
	v45 =	vsel vm1, v60, v15  }
0x72: {  	v7 =	vperm.xlane v7, v3;
	v57 =	vperm.xlane v12, v0;
	v37 =	vsel vm1, v37, v58  }
0x73: {  	v40 =	vsel vm1, v58, v40;
	v18 =	vsel vm1, v18, v59;
	v42 =	vsel vm1, v59, v42  }
0x74: {  	v58 =	vperm.xlane v38, v2;
	v12 =	vsel vm3, v7, v47;
	v25 =	vsel vm0, v48, v57  }
0x75: {  	s1 =	sadd.s32 $0x12400, s1;
	s23 =	sshll.u32 s9, $0x7;
	v20 =	vsel vm0, v57, v20;
	v57 =	vsel vm1, v27, v21;
	v47 =	vsel vm1, v11, v24  }
0x76: {  	s3 =	sor.u32 s23, s1;
	v61 =	vsel vm1, v28, v25;
	v62 =	vsel vm1, v30, v20;
	v32 =	vperm.xlane v57, v1  }
0x77: {  	s28 =	sor.u32 s0, s3;
	v57 =	vsel vm1, v26, v8;
	v22 =	vperm.xlane v47, v1;
	v16 =	vsel vm2, v16, v58  }
0x78: {  	[tilespmem:s28+$0xF80] =	vst v12;
	v12 =	vsel vm2, v58, v39;
	v46 =	vsel vm1, v21, v32;
	v21 =	vperm.xlane v61, v1  }
0x79: {  	v61 =	vperm.xlane v63, v1;
	v32 =	vsel vm1, v32, v27;
	v27 =	vperm.xlane v62, v1  }
0x7a: {  	v62 =	vperm.xlane v57, v1;
	v43 =	vsel vm1, v24, v22;
	v53 =	vsel vm1, v22, v11  }
0x7b: {  	v11 =	vsel vm1, v13, v60;
	v10 =	vsel vm2, v31, v46;
	v22 =	vsel vm2, v52, v32  }
0x7c: {  	v33 =	vsel vm2, v45, v53;
	v17 =	vsel vm1, v17, v61;
	v9 =	vsel vm1, v61, v19  }
0x7d: {  	v15 =	vsel vm1, v25, v21;
	v19 =	vsel vm1, v21, v28;
	v20 =	vsel vm1, v20, v27  }
0x7e: {  	v41 =	vsel vm1, v27, v30;
	v44 =	vsel vm1, v8, v62;
	v8 =	vsel vm2, v29, v36  }
0x7f: {  	v13 =	vsel vm1, v62, v26;
	v21 =	vsel vm2, v51, v23;
	v28 =	vsel vm2, v11, v43  }
0x80: {  	v30 =	vsel vm2, v14, v55;
	v10 =	vperm.xlane v10, v2;
	v56 =	vperm.xlane v22, v2  }
0x81: {  	v24 =	vsel vm2, v15, v37;
	v25 =	vsel vm2, v20, v18;
	v26 =	vsel vm2, v19, v40  }
0x82: {  	v27 =	vsel vm2, v41, v42;
	v34 =	vsel vm2, v44, v17;
	v63 =	vperm.xlane v8, v2  }
0x83: {  	v48 =	vsel vm2, v13, v9;
	v54 =	vperm.xlane v21, v2;
	v61 =	vperm.xlane v28, v2  }
0x84: {  	v8 =	vsel vm2, v49, v50;
	v62 =	vperm.xlane v30, v2;
	v49 =	vperm.xlane v25, v2  }
0x85: {  	v26 =	vperm.xlane v26, v2;
	v60 =	vperm.xlane v27, v2;
	v25 =	vsel vm2, v46, v10  }
0x86: {  	v22 =	vsel vm2, v10, v31;
	v10 =	vperm.xlane v33, v2;
	v30 =	vsel vm2, v32, v56  }
0x87: {  	v35 =	vsel vm2, v36, v63;
	v36 =	vperm.xlane v24, v2;
	v21 =	vsel vm2, v63, v29  }
0x88: {  	v63 =	vperm.xlane v34, v2;
	v33 =	vsel vm2, v23, v54;
	v34 =	vperm.xlane v48, v2  }
0x89: {  	v27 =	vsel vm2, v54, v51;
	v24 =	vsel vm2, v56, v52;
	v28 =	vsel vm2, v49, v20  }
0x8a: {  	v32 =	vsel vm2, v40, v26;
	v23 =	vsel vm2, v26, v19;
	v31 =	vsel vm2, v42, v60  }
0x8b: {  	v26 =	vsel vm2, v60, v41;
	v19 =	vsel vm2, v43, v61;
	v20 =	vsel vm2, v55, v62  }
0x8c: {  	s22 =	sshll.u32 s11, $0x7;
	v38 =	vsel vm2, v37, v36;
	v29 =	vsel vm2, v36, v15;
	v36 =	vsel vm2, v18, v49  }
0x8d: {  	s29 =	simm.s32 $0x0;
	s30 =	simm.s32 $0x0;
	s1 =	sor.u32 s22, s1;
	v15 =	vsel vm2, v61, v11;
	v11 =	vsel vm2, v62, v14;
	v18 =	vsel vm2, v53, v10  }
0x8e: {  	s31 =	simm.s32 $0x0;
	s0 =	sor.u32 s0, s1;
	s1 =	simm.s32 $0x0;
	v10 =	vsel vm2, v10, v45;
	v17 =	vsel vm2, v17, v63;
	v14 =	vsel vm2, v63, v44  }
.LBB2_3:
0x8f: {  	s2 =	rddreg [dreg:$0x3];
	v39 =	vsel vm3, v32, v33  }
0x90: {  	v4 =	vsel vm2, v4, v5;
	s26 =	sadd.s32 $0x100, s26;
	s30 =	sadd.s32 $0x1000, s30;
	s31 =	sadd.s32 $0x4, s31;
	v41 =	vsel vm3, v29, v21;
	v39 =	vperm.xlane v39, v3  }
0x91: {  	v40 =	vsel vm3, v31, v30;
	v42 =	vsel vm3, v28, v22;
	s1 =	sadd.s32 $0x20, s1;
	s9 =	sand.u32 $0x70, s31;
	s11 =	sand.u32 $0x2000, s30;
	v41 =	vperm.xlane v41, v3  }
0x92: {  	v44 =	vsel vm3, v26, v24;
	s12 =	sand.u32 $0x20, s1;
	v42 =	vperm.xlane v42, v3;
	s2 =	sadd.s32 s11, s2;
	s3 =	sshll.u32 s9, $0x6;
	v60 =	vsel vm3, v33, v39  }
0x93: {  	v50 =	vsel vm3, v12, v11;
	v6 =	vsel vm3, v6, v7;
	s5 =	sor.u32 $0x300, s26;
	s15 =	sor.u32 $0x10, s12;
	s3 =	sadd.s32 s3, s2;
	v21 =	vsel vm3, v21, v41;
	[tilespmem:s28+$0x100] =	vst v60  }
0x94: {  	v37 =	vsel vm2, v9, v34;
	s13 =	sor.u32 $0x340, s26;
	v55 =	vperm.xlane v44, v3;
	s6 =	sadd.s32 s5, s2;
	v22 =	vsel vm3, v22, v42;
	s7 =	sadd.s32 s15, s3;
	[tilespmem:s28+$0x200] =	vst v21  }
0x95: {  	v34 =	vsel vm2, v34, v13;
	v9 =	vsel vm3, v38, v35;
	v13 =	vsel vm3, v36, v25;
	s14 =	sor.u32 $0x380, s26;
	s16 =	sadd.s32 s13, s2;
	s17 =	sadd.s32 s15, s6;
	[tilespmem:s28+$0x280] =	vst v22;
	v5 =	vld [tilespmem:s7+$0x0]  }
0x96: {  	v40 =	vperm.xlane v40, v3;
	v52 =	vperm.xlane v9, v3;
	s5 =	sadd.s32 s14, s2;
	v24 =	vsel vm3, v24, v55;
	s10 =	sadd.s32 s15, s16;
	v9 =	vld [tilespmem:s17+$0x0];
	[tilespmem:s28+$0xB80] =	vst v6  }
0x97: {  	v62 =	vperm.xlane v50, v3;
	v53 =	vperm.xlane v13, v3;
	v50 =	vsel vm3, v39, v32;
	s18 =	sadd.s32 s15, s5;
	s19 =	sadd.s32 $0x40, s3;
	[tilespmem:s28+$0x380] =	vst v24;
	v6 =	vld [tilespmem:s10+$0x0]  }
0x98: {  	s8 =	sor.u32 $0x3C0, s26;
	v31 =	vsel vm3, v40, v31;
	s21 =	sadd.s32 $0x80, s3;
	[tilespmem:s28+$0x500] =	vst v50;
	s17 =	sadd.s32 s15, s19;
	v13 =	vld [tilespmem:s18+$0x0]  }
0x99: {  	v7 =	vsel vm3, v35, v52;
	s14 =	sadd.s32 s12, s6;
	v25 =	vsel vm3, v25, v53;
	s22 =	sadd.s32 $0xC0, s3;
	[tilespmem:s28+$0x580] =	vst v31;
	s6 =	sadd.s32 s15, s21;
	v35 =	vld [tilespmem:s17+$0x0]  }
0x9a: {  	v29 =	vsel vm3, v41, v29;
	s4 =	sadd.s32 $0x100, s3;
	s7 =	sadd.s32 s8, s2;
	[tilespmem:s28+$0x80] =	vst v25;
	s2 =	sadd.s32 s15, s22;
	v25 =	vld [tilespmem:s6+$0x0]  }
0x9b: {  	[tilespmem:s28+$0x600] =	vst v29;
	s8 =	sadd.s32 s12, s21;
	s21 =	sadd.s32 s15, s4;
	v63 =	vld [tilespmem:s2+$0x0]  }
0x9c: {  	v43 =	vsel vm3, v23, v27;
	v54 =	vsel vm3, v52, v38;
	v52 =	vsel vm3, v30, v40;
	[tilespmem:s28+$0x0] =	vst v7;
	s23 =	sadd.s32 s12, s22;
	s20 =	sadd.s32 s15, s7;
	s18 =	sadd.s32 $0x140, s3;
	v30 =	vld [tilespmem:s21+$0x0]  }
0x9d: {  	v38 =	vperm.xlane v43, v3;
	v57 =	vsel vm3, v53, v36;
	[tilespmem:s28+$0x400] =	vst v54;
	s10 =	sadd.s32 s12, s19;
	s17 =	sadd.s32 $0x180, s3;
	v7 =	vld [tilespmem:s20+$0x0];
	s22 =	sadd.s32 s15, s18  }
0x9e: {  	[tilespmem:s28+$0x480] =	vst v57;
	s19 =	sadd.s32 s12, s4;
	s6 =	sadd.s32 $0x1C0, s3;
	s4 =	sadd.s32 s15, s17;
	v54 =	vld [tilespmem:s22+$0x0]  }
0x9f: {  	v45 =	vsel vm3, v17, v19;
	v46 =	vsel vm3, v16, v20;
	[tilespmem:s28+$0x180] =	vst v52;
	v27 =	vsel vm3, v27, v38;
	s21 =	sadd.s32 s15, s6;
	v21 =	vld [tilespmem:s4+$0x0]  }
0xa0: {  	v49 =	vsel vm3, v14, v15;
	v56 =	vperm.xlane v45, v3;
	v26 =	vsel vm3, v55, v26;
	s20 =	sadd.s32 s12, s18;
	s18 =	sadd.s32 $0x200, s3;
	[tilespmem:s28+$0x300] =	vst v27;
	v55 =	vld [tilespmem:s21+$0x0]  }
0xa1: {  	v48 =	vsel vm3, v4, v8;
	v45 =	vperm.xlane v46, v3;
	v28 =	vsel vm3, v42, v28;
	s2 =	sadd.s32 s12, s17;
	s17 =	sadd.s32 s15, s18;
	v33 =	vld [tilespmem:s10+$0x0]  }
0xa2: {  	v61 =	vperm.xlane v49, v3;
	v27 =	vsel vm3, v19, v56;
	v56 =	vsel vm3, v56, v17;
	s22 =	sadd.s32 $0x240, s3;
	[tilespmem:s28+$0x680] =	vst v28;
	v17 =	vld [tilespmem:s17+$0x0]  }
0xa3: {  	v47 =	vsel vm3, v37, v18;
	v51 =	vsel vm3, v34, v10;
	v59 =	vperm.xlane v48, v3;
	s21 =	sadd.s32 s12, s6;
	s4 =	sadd.s32 $0x280, s3;
	s6 =	sadd.s32 s15, s22;
	v28 =	vld [tilespmem:s8+$0x0]  }
0xa4: {  	v58 =	vperm.xlane v47, v3;
	v53 =	vperm.xlane v51, v3;
	v23 =	vsel vm3, v38, v23;
	s17 =	sadd.s32 s12, s18;
	s18 =	sadd.s32 s15, s4;
	v57 =	vld [tilespmem:s6+$0x0]  }
0xa5: {  	v20 =	vsel vm3, v20, v45;
	s13 =	sadd.s32 s12, s3;
	v41 =	vsel vm3, v59, v4;
	v4 =	vsel vm3, v15, v61;
	s3 =	sadd.s32 $0x2C0, s3;
	[tilespmem:s28+$0x700] =	vst v23;
	v15 =	vld [tilespmem:s18+$0x0]  }
0xa6: {  	v16 =	vsel vm3, v45, v16;
	v18 =	vsel vm3, v18, v58;
	v29 =	vsel vm3, v53, v34;
	s18 =	sadd.s32 s15, s3;
	v34 =	vld [tilespmem:s23+$0x0]  }
0xa7: {  	v24 =	vsel vm3, v58, v37;
	v58 =	vsel vm3, v8, v59;
	v59 =	vsel vm3, v11, v62;
	[tilespmem:s28+$0x780] =	vst v26;
	v11 =	vld [tilespmem:s18+$0x0]  }
0xa8: {  	v42 =	vsel vm3, v62, v12;
	v31 =	vsel vm3, v61, v14;
	v8 =	vsel vm0, v6, v9;
	v48 =	vld [tilespmem:s2+$0x0]  }
0xa9: {  	s6 =	sadd.s32 s12, s22;
	s22 =	sadd.s32 s12, s4;
	v12 =	vsel vm0, v35, v5;
	v14 =	vsel vm0, v63, v25;
	v51 =	vld [tilespmem:s21+$0x0];
	v19 =	vperm.xlane v8, v0  }
0xaa: {  	s3 =	sadd.s32 s12, s3;
	v36 =	vld [tilespmem:s22+$0x0];
	v8 =	vsel vm0, v7, v13;
	v60 =	vperm.xlane v12, v0;
	v44 =	vperm.xlane v14, v0  }
0xab: {  	v49 =	vld [tilespmem:s3+$0x0];
	v22 =	vperm.xlane v8, v0;
	v8 =	vsel vm0, v54, v30;
	v12 =	vsel vm0, v55, v21  }
0xac: {  	v10 =	vsel vm3, v10, v53;
	v45 =	vperm.xlane v8, v0;
	v46 =	vperm.xlane v12, v0  }
0xad: {  	v23 =	vsel vm0, v60, v35;
	v43 =	vsel vm0, v5, v60;
	v8 =	vsel vm0, v57, v17  }
0xae: {  	v26 =	vld [tilespmem:s19+$0x0];
	v25 =	vsel vm0, v25, v44;
	v13 =	vsel vm0, v13, v22;
	v47 =	vperm.xlane v8, v0  }
0xaf: {  	[tilespmem:s0+$0x0] =	vst v27;
	v27 =	vld [tilespmem:s20+$0x0];
	v8 =	vsel vm0, v11, v15;
	v14 =	vsel vm0, v45, v54;
	v61 =	vsel vm0, v46, v55  }
0xb0: {  	[tilespmem:s28+$0x980] =	vst v58;
	v58 =	vsel vm0, v51, v48;
	v60 =	vsel vm0, v49, v36;
	v30 =	vsel vm0, v30, v45  }
0xb1: {  	v21 =	vsel vm0, v21, v46;
	v50 =	vperm.xlane v8, v0;
	v8 =	vsel vm0, v19, v6  }
0xb2: {  	[tilespmem:s28+$0x880] =	vst v20;
	v6 =	vsel vm0, v22, v7;
	v7 =	vsel vm0, v44, v63;
	v63 =	vsel vm0, v34, v28  }
0xb3: {  	[tilespmem:s28+$0x900] =	vst v18;
	v32 =	vld [tilespmem:s17+$0x0];
	v52 =	vperm.xlane v60, v0;
	v19 =	vsel vm0, v9, v19;
	v18 =	vsel vm1, v6, v8  }
0xb4: {  	s16 =	sadd.s32 s12, s16;
	[tilespmem:s28+$0xA00] =	vst v4;
	v37 =	vld [tilespmem:s6+$0x0];
	v12 =	vsel vm0, v47, v57;
	v20 =	vsel vm1, v7, v23;
	v57 =	vsel vm0, v27, v26  }
0xb5: {  	[tilespmem:s28+$0xD00] =	vst v24;
	v24 =	vld [tilespmem:s16+$0x0];
	v35 =	vperm.xlane v63, v0;
	v17 =	vsel vm0, v17, v47;
	v4 =	vsel vm0, v50, v11  }
0xb6: {  	v55 =	vld [tilespmem:s14+$0x0];
	v11 =	vperm.xlane v18, v1;
	v38 =	vperm.xlane v20, v1;
	v18 =	vsel vm1, v61, v14  }
0xb7: {  	[tilespmem:s28+$0xE80] =	vst v42;
	v40 =	vperm.xlane v57, v0;
	v36 =	vsel vm0, v36, v52;
	v42 =	vsel vm0, v52, v49  }
0xb8: {  	s5 =	sadd.s32 s12, s5;
	[tilespmem:s28+$0xB00] =	vst v10;
	v39 =	vld [tilespmem:s13+$0x0];
	v15 =	vsel vm0, v15, v50;
	v62 =	vsel vm1, v4, v12;
	v20 =	vperm.xlane v18, v1  }
0xb9: {  	s7 =	sadd.s32 s12, s7;
	[tilespmem:s28+$0xD80] =	vst v41;
	v41 =	vld [tilespmem:s5+$0x0];
	v28 =	vsel vm0, v28, v35;
	v34 =	vsel vm0, v35, v34;
	v18 =	vperm.xlane v62, v1  }
0xba: {  	[tilespmem:s28+$0xE00] =	vst v31;
	v31 =	vld [tilespmem:s7+$0x0];
	v54 =	vsel vm1, v11, v6;
	v10 =	vsel vm1, v38, v7;
	v7 =	vsel vm0, v37, v32  }
0xbb: {  	v62 =	vperm.xlane v58, v0;
	v57 =	vsel vm0, v24, v55;
	v26 =	vsel vm0, v26, v40  }
0xbc: {  	v27 =	vsel vm0, v40, v27;
	v58 =	vsel vm1, v21, v30;
	v6 =	vsel vm1, v20, v61  }
0xbd: {  	[tilespmem:s28+$0xC00] =	vst v56;
	v61 =	vsel vm0, v33, v39;
	v56 =	vperm.xlane v7, v0;
	v60 =	vperm.xlane v57, v0  }
0xbe: {  	[tilespmem:s28+$0xC80] =	vst v16;
	v57 =	vsel vm1, v25, v43;
	v14 =	vsel vm1, v14, v20;
	v4 =	vsel vm1, v18, v4  }
0xbf: {  	[tilespmem:s28+$0xF00] =	vst v29;
	v16 =	vsel vm2, v6, v10;
	v29 =	vperm.xlane v61, v0;
	v61 =	vsel vm0, v31, v41  }
0xc0: {  	v35 =	vsel vm0, v48, v62;
	v40 =	vsel vm0, v62, v51;
	v12 =	vsel vm1, v12, v18  }
0xc1: {  	[tilespmem:s28+$0xA80] =	vst v59;
	v59 =	vsel vm2, v54, v4;
	v16 =	vperm.xlane v16, v2;
	v32 =	vsel vm0, v32, v56  }
0xc2: {  	v37 =	vsel vm0, v56, v37;
	v44 =	vsel vm0, v55, v60;
	v24 =	vsel vm0, v60, v24  }
0xc3: {  	v22 =	vsel vm1, v35, v26;
	v56 =	vsel vm1, v40, v27;
	v5 =	vperm.xlane v59, v2  }
0xc4: {  	v39 =	vsel vm0, v39, v29;
	v29 =	vsel vm0, v29, v33;
	v33 =	vperm.xlane v61, v0  }
0xc5: {  	v47 =	vsel vm1, v42, v37;
	v61 =	vsel vm1, v15, v17;
	v22 =	vperm.xlane v22, v1  }
0xc6: {  	v45 =	vperm.xlane v56, v1;
	v56 =	vperm.xlane v58, v1;
	v6 =	vsel vm2, v16, v6  }
0xc7: {  	v9 =	vsel vm1, v28, v39;
	v62 =	vsel vm1, v34, v29;
	v55 =	vperm.xlane v47, v1  }
0xc8: {  	v58 =	vperm.xlane v61, v1;
	v47 =	vsel vm1, v8, v11;
	v54 =	vsel vm2, v5, v54  }
0xc9: {  	v41 =	vsel vm0, v41, v33;
	v31 =	vsel vm0, v33, v31;
	v9 =	vperm.xlane v9, v1  }
0xca: {  	v33 =	vperm.xlane v62, v1;
	v62 =	vsel vm1, v13, v19;
	v26 =	vsel vm1, v26, v22  }
0xcb: {  	v50 =	vsel vm1, v22, v35;
	v22 =	vsel vm1, v27, v45;
	v40 =	vsel vm1, v45, v40  }
0xcc: {  	v46 =	vsel vm1, v56, v21;
	v48 =	vsel vm2, v47, v12;
	v63 =	vsel vm3, v54, v6  }
0xcd: {  	v59 =	vsel vm1, v41, v44;
	v60 =	vsel vm1, v31, v24;
	v17 =	vsel vm1, v17, v58  }
0xce: {  	v48 =	vperm.xlane v48, v2;
	v7 =	vperm.xlane v63, v3;
	v63 =	vsel vm1, v36, v32  }
0xcf: {  	s23 =	sshll.u32 s12, $0x7;
	s22 =	sadd.s32 $0x12400, s11;
	v28 =	vsel vm1, v9, v28;
	v29 =	vsel vm1, v29, v33;
	v49 =	vsel vm1, v33, v34  }
0xd0: {  	s2 =	sor.u32 s23, s22;
	v63 =	vperm.xlane v63, v1;
	v11 =	vsel vm2, v50, v28;
	v21 =	vsel vm2, v40, v49  }
0xd1: {  	s28 =	sor.u32 s9, s2;
	v54 =	vsel vm3, v7, v54;
	v11 =	vperm.xlane v11, v2;
	v53 =	vperm.xlane v21, v2  }
0xd2: {  	[tilespmem:s28+$0xF80] =	vst v54;
	v54 =	vsel vm1, v23, v38;
	v23 =	vsel vm1, v39, v9;
	v9 =	vperm.xlane v57, v1  }
0xd3: {  	v8 =	vsel vm2, v22, v29;
	v57 =	vperm.xlane v59, v1;
	v59 =	vperm.xlane v60, v1  }
0xd4: {  	v60 =	vperm.xlane v62, v1;
	v32 =	vsel vm1, v32, v63;
	v45 =	vsel vm1, v63, v36  }
0xd5: {  	v36 =	vsel vm1, v37, v55;
	v37 =	vsel vm1, v55, v42;
	v63 =	vperm.xlane v8, v2  }
0xd6: {  	v8 =	vsel vm2, v10, v16;
	v61 =	vsel vm2, v14, v54;
	v33 =	vsel vm2, v28, v11  }
0xd7: {  	v39 =	vsel vm1, v43, v9;
	v42 =	vsel vm1, v9, v25;
	v43 =	vsel vm1, v30, v56  }
0xd8: {  	v9 =	vsel vm1, v58, v15;
	v15 =	vsel vm1, v44, v57;
	v20 =	vsel vm1, v57, v41  }
0xd9: {  	v18 =	vsel vm1, v24, v59;
	v41 =	vsel vm1, v59, v31;
	v44 =	vsel vm1, v19, v60  }
0xda: {  	v19 =	vsel vm2, v26, v23;
	v13 =	vsel vm1, v60, v13;
	v61 =	vperm.xlane v61, v2  }
0xdb: {  	v22 =	vsel vm2, v63, v22;
	v24 =	vsel vm2, v15, v32;
	v25 =	vsel vm2, v18, v36  }
0xdc: {  	v27 =	vsel vm2, v20, v45;
	v30 =	vsel vm2, v41, v37;
	v31 =	vsel vm2, v43, v39  }
0xdd: {  	v62 =	vsel vm2, v46, v42;
	v38 =	vsel vm2, v44, v17;
	v19 =	vperm.xlane v19, v2  }
0xde: {  	v52 =	vsel vm2, v13, v9;
	v10 =	vperm.xlane v24, v2;
	v16 =	vperm.xlane v25, v2  }
0xdf: {  	v25 =	vsel vm2, v29, v63;
	v60 =	vperm.xlane v31, v2;
	v62 =	vperm.xlane v62, v2  }
0xe0: {  	v63 =	vperm.xlane v38, v2;
	v34 =	vperm.xlane v52, v2;
	v24 =	vsel vm2, v53, v40  }
0xe1: {  	v35 =	vsel vm2, v23, v19;
	v21 =	vsel vm2, v19, v26;
	v19 =	vperm.xlane v27, v2  }
0xe2: {  	s29 =	sadd.s32 $0x2, s29;
	v26 =	vperm.xlane v30, v2;
	v27 =	vsel vm2, v11, v50;
	v30 =	vsel vm2, v49, v53  }
0xe3: {  	p2 =	slt.u32 s29, $0x3E;
	v11 =	vsel vm2, v61, v14;
	v38 =	vsel vm2, v32, v10;
	v29 =	vsel vm2, v10, v15  }
.Ltmp0:
0xe4: {  	v36 =	vsel vm2, v36, v16;
	v28 =	vsel vm2, v16, v18;
	v15 =	vsel vm2, v60, v43;
	(pc) =	sbr.rel @p2 .LBB2_3-.Ltmp0, $4  }
0xe5: {  	v18 =	vsel vm2, v42, v62;
	v10 =	vsel vm2, v62, v46;
	v17 =	vsel vm2, v17, v63  }
0xe6: {  	s15 =	sshll.u32 s15, $0x7;
	v14 =	vsel vm2, v63, v44;
	v16 =	vsel vm2, v12, v48;
	v12 =	vsel vm2, v48, v47  }
0xe7: {  	s0 =	sor.u32 s15, s22;
	v32 =	vsel vm2, v45, v19;
	v23 =	vsel vm2, v19, v20;
	v31 =	vsel vm2, v37, v26  }
0xe8: {  	s0 =	sor.u32 s9, s0;
	v26 =	vsel vm2, v26, v41;
	v19 =	vsel vm2, v39, v60;
	v20 =	vsel vm2, v54, v61  }
0xe9: {  	v37 =	vsel vm3, v38, v35  }
0xea: {  	v37 =	vperm.xlane v37, v3  }
0xeb: {  	v39 =	vsel vm3, v36, v25;
	v6 =	vsel vm3, v6, v7  }
0xec: {  	v7 =	vperm.xlane v39, v3;
	[tilespmem:s28+$0xB80] =	vst v6;
	v6 =	vsel vm3, v35, v37  }
0xed: {  	v56 =	vsel vm3, v29, v21;
	v4 =	vsel vm2, v4, v5;
	v37 =	vsel vm3, v37, v38;
	[tilespmem:s28+$0x0] =	vst v6  }
0xee: {  	v5 =	vsel vm3, v17, v19;
	v57 =	vperm.xlane v56, v3;
	v25 =	vsel vm3, v25, v7;
	[tilespmem:s28+$0x400] =	vst v37  }
0xef: {  	v5 =	vperm.xlane v5, v3;
	v7 =	vsel vm3, v7, v36;
	[tilespmem:s28+$0x80] =	vst v25  }
0xf0: {  	v55 =	vsel vm3, v32, v33;
	v21 =	vsel vm3, v21, v57;
	[tilespmem:s28+$0x480] =	vst v7  }
0xf1: {  	v35 =	vperm.xlane v55, v3;
	v19 =	vsel vm3, v19, v5;
	v6 =	vsel vm3, v31, v30;
	[tilespmem:s28+$0x200] =	vst v21  }
0xf2: {  	v5 =	vsel vm3, v5, v17;
	v25 =	vsel vm3, v28, v22;
	[tilespmem:s0+$0x0] =	vst v19;
	v6 =	vperm.xlane v6, v3  }
0xf3: {  	v7 =	vsel vm3, v23, v27;
	v58 =	vsel vm3, v33, v35;
	v25 =	vperm.xlane v25, v3;
	[tilespmem:s28+$0xC00] =	vst v5  }
0xf4: {  	v7 =	vperm.xlane v7, v3;
	[tilespmem:s28+$0x100] =	vst v58;
	v30 =	vsel vm3, v30, v6  }
0xf5: {  	v22 =	vsel vm3, v22, v25;
	[tilespmem:s28+$0x180] =	vst v30  }
0xf6: {  	v21 =	vsel vm3, v27, v7;
	[tilespmem:s28+$0x280] =	vst v22  }
0xf7: {  	v6 =	vsel vm3, v6, v31;
	[tilespmem:s28+$0x300] =	vst v21  }
0xf8: {  	v7 =	vsel vm3, v7, v23;
	[tilespmem:s28+$0x580] =	vst v6  }
0xf9: {  	v59 =	vsel vm3, v26, v24;
	v21 =	vsel vm3, v35, v32;
	[tilespmem:s28+$0x700] =	vst v7  }
0xfa: {  	v30 =	vperm.xlane v59, v3;
	v6 =	vsel vm3, v25, v28;
	[tilespmem:s28+$0x500] =	vst v21  }
0xfb: {  	v7 =	vsel vm3, v4, v8;
	v21 =	vsel vm3, v57, v29;
	[tilespmem:s28+$0x680] =	vst v6  }
0xfc: {  	v9 =	vsel vm2, v9, v34;
	v7 =	vperm.xlane v7, v3;
	v22 =	vsel vm3, v24, v30;
	[tilespmem:s28+$0x600] =	vst v21  }
0xfd: {  	v6 =	vsel vm3, v9, v18;
	[tilespmem:s28+$0x380] =	vst v22;
	v22 =	vsel vm3, v30, v26  }
0xfe: {  	v19 =	vsel vm3, v12, v11;
	v6 =	vperm.xlane v6, v3;
	v8 =	vsel vm3, v8, v7;
	[tilespmem:s28+$0x780] =	vst v22  }
0xff: {  	v19 =	vperm.xlane v19, v3;
	v4 =	vsel vm3, v7, v4;
	[tilespmem:s28+$0x980] =	vst v8  }
0x100: {  	v21 =	vsel vm3, v16, v20;
	v18 =	vsel vm3, v18, v6;
	[tilespmem:s28+$0xD80] =	vst v4  }
0x101: {  	v21 =	vperm.xlane v21, v3;
	v8 =	vsel vm3, v11, v19;
	[tilespmem:s28+$0x900] =	vst v18  }
0x102: {  	v22 =	vsel vm3, v14, v15;
	v5 =	vsel vm3, v6, v9;
	[tilespmem:s28+$0xA80] =	vst v8  }
0x103: {  	v13 =	vsel vm2, v34, v13;
	v20 =	vsel vm3, v20, v21;
	v22 =	vperm.xlane v22, v3;
	[tilespmem:s28+$0xD00] =	vst v5  }
0x104: {  	v8 =	vsel vm3, v21, v16;
	[tilespmem:s28+$0x880] =	vst v20;
	v20 =	vsel vm3, v13, v10  }
0x105: {  	[tilespmem:s28+$0xC80] =	vst v8;
	v18 =	vperm.xlane v20, v3;
	v15 =	vsel vm3, v15, v22  }
0x106: {  	v5 =	vsel vm3, v22, v14;
	[tilespmem:s28+$0xA00] =	vst v15  }
0x107: {  	s26 =	sor.u32 $0x1, s25;
	[tilespmem:s28+$0xE00] =	vst v5;
	v10 =	vsel vm3, v10, v18  }
0x108: {  	s15 =	smulhi.u32 $0x55555556, s26;
	[tilespmem:s28+$0xB00] =	vst v10  }
0x109: {  	s14 =	sshll.u32 s24, $0x14;
	s1 =	rddreg [dreg:$0x7]  }
0x10a: {  	s2 =	rddreg [dreg:$0x1];
	v4 =	vsel vm3, v19, v12;
	s0 =	sor.u32 s1, s14;
	s1 =	smul.u32 $0x3, s15  }
0x10b: {  	s16 =	simm.s32 $0x400;
	s3 =	simm.s32 $0x8000;
	v5 =	vsel vm3, v18, v13;
	[tilespmem:s28+$0xE80] =	vst v4;
	s0 =	sshrl.u32 s0, $0x3  }
0x10c: {  	s4 =	simm.s32 $0x12400;
	[tilespmem:s28+$0xF00] =	vst v5;
	s0 =	sadd.s32 s2, s0;
	s17 =	ssub.s32 s26, s1  }
0x10d: {  	[hbm4b:s0+s16] =	stream.strided.scatter [tilespmem:s4], [sflag:$0x4], $0x4000, s3, s16, $0x38;
	[tilespmem:$0x1A400] =	vst v63  }
0x10e: {  	s1 =	sadd.s32 @!p0 $0x3, s25;
	s18 =	sadd.s32 $0x1, s17  }
0x10f: {  	s3 =	smulhi.u32 @!p0 $0x55555556, s1;
	_ =	swait.ge [sflag:s18], $0x2000  }
0x110: {  	[sflag:s18] =	ssyncset.done $0x0  }
0x111: {  	s3 =	smul.u32 @!p0 $0x3, s3;
	[sflag:s18] =	ssyncadd.s32 $0xFFFFE000  }
0x112: {  	s5 =	simm.s32 @!p0 $0x80;
	_ =	swait.ge [sflag:s18], $0x2000  }
0x113: {  	s3 =	ssub.s32 @!p0 s1, s3;
	s1 =	sshll.u32 @!p0 s1, $0x8;
	[sflag:s18] =	ssyncset.done $0x0  }
0x114: {  	s4 =	sshll.u32 @!p0 s3, $0xE;
	s1 =	sand.u32 @!p0 $0x3FFFFF00, s1;
	s3 =	sadd.s32 @!p0 $0x1, s3  }
0x115: {  	s6 =	rddreg [dreg:$0x5];
	[sflag:s18] =	ssyncadd.s32 $0xFFFFE000;
	s2 =	sadd.s32 @!p0 $0x6400, s4  }
0x116: {  	[tilespmem:s2], [sflag:s3] =	stream.indirect.gather @!p0 [hbm4b:s6+s5], $0x40, s1, s5, $0xb8;
	[tilespmem:$0x1A400] =	vst v63  }
0x117: {  	s0 =	sshll.u32 s17, $0xE;
	s2 =	sadd.s32 @!p0 $0x8400, s4;
	s1 =	sor.u32 @!p0 $0x80, s1  }
0x118: {  	[tilespmem:s2], [sflag:s3] =	stream.indirect.gather @!p0 [hbm4b:s6+s5], $0x40, s1, s5, $0xb8;
	[tilespmem:$0x1A400] =	vst v63  }
0x119: {  	s0 =	sand.u32 $0x3FFFC000, s0;
	s1 =	simm.s32 @p1 $0x5  }
0x11a: {  	s25 =	simm.s32 $0x0;
	s0 =	sadd.s32 $0x6400, s0;
	_ =	swait.ge @p1 [sflag:s1], $0x4000  }
0x11b: {  	[dreg:$0x4] =	wrdreg s0;
	s0 =	sand.u32 $0x70, s25;
	[sflag:s1] =	ssyncset.done @p1 $0x0  }
0x11c: {  	s19 =	rddreg [dreg:$0x4];
	[sflag:s1] =	ssyncadd.s32 @p1 $0xFFFFC000;
	s1 =	sand.u32 $0x2000, s25  }
0x11d: {  	s9 =	sand.u32 $0x20, s25;
	s20 =	sshll.u32 s0, $0x6;
	s2 =	sadd.s32 s1, s19  }
0x11e: {  	s21 =	sor.u32 $0x300, s25;
	s11 =	sor.u32 $0x10, s9;
	s10 =	sadd.s32 s20, s2  }
0x11f: {  	s22 =	sor.u32 $0x340, s25;
	s8 =	sadd.s32 s21, s2;
	s23 =	sadd.s32 s11, s10  }
0x120: {  	s5 =	sor.u32 $0x380, s25;
	s7 =	sadd.s32 s22, s2;
	s6 =	sadd.s32 s11, s8;
	v5 =	vld [tilespmem:s23+$0x0]  }
0x121: {  	s12 =	sor.u32 $0x3C0, s25;
	s5 =	sadd.s32 s5, s2;
	s13 =	sadd.s32 s11, s7;
	v8 =	vld [tilespmem:s6+$0x0]  }
0x122: {  	s3 =	sadd.s32 s12, s2;
	s14 =	sadd.s32 s11, s5;
	v4 =	vld [tilespmem:s13+$0x0]  }
0x123: {  	s4 =	sadd.s32 $0x40, s10;
	s15 =	sadd.s32 s11, s3;
	v9 =	vld [tilespmem:s14+$0x0]  }
0x124: {  	s2 =	sadd.s32 $0xC0, s10;
	s12 =	sadd.s32 s11, s4;
	v6 =	vld [tilespmem:s15+$0x0]  }
0x125: {  	s17 =	sadd.s32 s11, s2;
	v7 =	vld [tilespmem:s12+$0x0]  }
0x126: {  	s6 =	sadd.s32 $0x80, s10;
	s2 =	sadd.s32 s9, s2;
	v12 =	vld [tilespmem:s17+$0x0]  }
0x127: {  	s13 =	sadd.s32 $0x100, s10;
	s16 =	sadd.s32 s11, s6;
	v27 =	vld [tilespmem:s2+$0x0]  }
0x128: {  	s14 =	sadd.s32 $0x140, s10;
	s18 =	sadd.s32 s11, s13;
	v11 =	vld [tilespmem:s16+$0x0]  }
0x129: {  	s15 =	sadd.s32 $0x180, s10;
	s19 =	sadd.s32 s11, s14;
	v13 =	vld [tilespmem:s18+$0x0]  }
0x12a: {  	s20 =	sadd.s32 s11, s15;
	v14 =	vld [tilespmem:s19+$0x0]  }
0x12b: {  	s6 =	sadd.s32 s9, s6;
	v15 =	vld [tilespmem:s20+$0x0]  }
0x12c: {  	s17 =	sadd.s32 $0x200, s10;
	s12 =	sadd.s32 s9, s15;
	v23 =	vld [tilespmem:s6+$0x0]  }
0x12d: {  	s16 =	sadd.s32 $0x1C0, s10;
	s22 =	sadd.s32 s11, s17;
	v33 =	vld [tilespmem:s12+$0x0]  }
0x12e: {  	s18 =	sadd.s32 $0x240, s10;
	s21 =	sadd.s32 s11, s16;
	v17 =	vld [tilespmem:s22+$0x0]  }
0x12f: {  	s20 =	sadd.s32 $0x2C0, s10;
	s23 =	sadd.s32 s11, s18;
	v16 =	vld [tilespmem:s21+$0x0]  }
0x130: {  	s19 =	sadd.s32 $0x280, s10;
	s22 =	sadd.s32 s11, s20;
	v18 =	vld [tilespmem:s23+$0x0]  }
0x131: {  	s6 =	sadd.s32 s9, s14;
	s14 =	sadd.s32 s9, s17;
	s17 =	sadd.s32 s9, s20;
	v20 =	vld [tilespmem:s22+$0x0]  }
0x132: {  	s21 =	sadd.s32 s11, s19;
	v42 =	vld [tilespmem:s17+$0x0];
	v10 =	vsel vm0, v4, v8  }
0x133: {  	s23 =	sadd.s32 s9, s13;
	s13 =	sadd.s32 s9, s16;
	v19 =	vld [tilespmem:s21+$0x0];
	v22 =	vperm.xlane v10, v0;
	v10 =	vsel vm0, v6, v9;
	v24 =	vsel vm0, v7, v5  }
0x134: {  	s16 =	sadd.s32 s9, s19;
	v35 =	vld [tilespmem:s13+$0x0];
	v25 =	vsel vm0, v12, v11;
	v26 =	vperm.xlane v10, v0;
	v24 =	vperm.xlane v24, v0  }
0x135: {  	v40 =	vld [tilespmem:s16+$0x0];
	v10 =	vsel vm0, v14, v13;
	v43 =	vsel vm0, v27, v23;
	v25 =	vperm.xlane v25, v0  }
0x136: {  	v30 =	vperm.xlane v10, v0;
	v43 =	vperm.xlane v43, v0  }
0x137: {  	s3 =	sadd.s32 s9, s3;
	v8 =	vsel vm0, v8, v22;
	v28 =	vsel vm0, v16, v15;
	v10 =	vsel vm0, v18, v17  }
0x138: {  	v62 =	vld [tilespmem:s3+$0x0];
	s21 =	sadd.s32 s9, s5;
	v36 =	vsel vm0, v24, v7;
	v24 =	vsel vm0, v5, v24;
	v28 =	vperm.xlane v28, v0  }
0x139: {  	v52 =	vld [tilespmem:s21+$0x0];
	v32 =	vperm.xlane v10, v0;
	v10 =	vsel vm0, v20, v19;
	v14 =	vsel vm0, v30, v14  }
0x13a: {  	v46 =	vsel vm0, v35, v33;
	v54 =	vsel vm0, v42, v40;
	v23 =	vsel vm0, v23, v43  }
0x13b: {  	v27 =	vsel vm0, v43, v27;
	v11 =	vsel vm0, v11, v25;
	v13 =	vsel vm0, v13, v30  }
0x13c: {  	v34 =	vperm.xlane v10, v0;
	v10 =	vsel vm0, v22, v4;
	v4 =	vsel vm0, v26, v6  }
0x13d: {  	v6 =	vsel vm0, v25, v12;
	v46 =	vperm.xlane v46, v0;
	v54 =	vperm.xlane v54, v0  }
0x13e: {  	v31 =	vld [tilespmem:s6+$0x0];
	v63 =	vsel vm0, v62, v52;
	v26 =	vsel vm0, v9, v26;
	v7 =	vsel vm1, v4, v10  }
0x13f: {  	s4 =	sadd.s32 s9, s4;
	v29 =	vld [tilespmem:s23+$0x0];
	v12 =	vsel vm0, v28, v16;
	v16 =	vsel vm0, v32, v18;
	v61 =	vsel vm1, v6, v36  }
0x140: {  	v21 =	vld [tilespmem:s4+$0x0];
	s15 =	sadd.s32 s9, s18;
	s18 =	sadd.s32 s9, s10;
	v15 =	vsel vm0, v15, v28;
	v17 =	vsel vm0, v17, v32;
	v20 =	vsel vm0, v34, v20  }
0x141: {  	v45 =	vld [tilespmem:s18+$0x0];
	v39 =	vperm.xlane v7, v1;
	v38 =	vperm.xlane v61, v1;
	v7 =	vsel vm1, v12, v14  }
0x142: {  	v60 =	vld [tilespmem:s14+$0x0];
	v33 =	vsel vm0, v33, v46;
	v35 =	vsel vm0, v46, v35;
	v40 =	vsel vm0, v40, v54  }
0x143: {  	v18 =	vld [tilespmem:s15+$0x0];
	v42 =	vsel vm0, v54, v42;
	v19 =	vsel vm0, v19, v34;
	v41 =	vsel vm1, v20, v16  }
0x144: {  	v44 =	vperm.xlane v7, v1;
	v7 =	vsel vm0, v31, v29;
	v41 =	vperm.xlane v41, v1  }
0x145: {  	v47 =	vsel vm1, v39, v4;
	v49 =	vsel vm1, v38, v6;
	v53 =	vperm.xlane v7, v0  }
0x146: {  	v7 =	vsel vm0, v21, v45;
	v39 =	vsel vm1, v10, v39;
	v6 =	vsel vm1, v44, v12  }
0x147: {  	v55 =	vperm.xlane v7, v0;
	v14 =	vsel vm1, v14, v44;
	v4 =	vsel vm1, v41, v20  }
0x148: {  	v12 =	vsel vm0, v18, v60;
	v50 =	vsel vm2, v6, v49;
	v29 =	vsel vm0, v29, v53  }
0x149: {  	v31 =	vsel vm0, v53, v31;
	v16 =	vsel vm1, v16, v41;
	v51 =	vsel vm2, v47, v4  }
0x14a: {  	v50 =	vperm.xlane v50, v2;
	v56 =	vperm.xlane v12, v0;
	v45 =	vsel vm0, v45, v55  }
0x14b: {  	v21 =	vsel vm0, v55, v21;
	v55 =	vperm.xlane v63, v0;
	v9 =	vsel vm1, v33, v29  }
0x14c: {  	v34 =	vsel vm1, v35, v31;
	v63 =	vsel vm1, v19, v17;
	v5 =	vperm.xlane v51, v2  }
0x14d: {  	s19 =	sadd.s32 s9, s8;
	v22 =	vsel vm1, v23, v45;
	v9 =	vperm.xlane v9, v1;
	v34 =	vperm.xlane v34, v1  }
0x14e: {  	s20 =	sadd.s32 s9, s7;
	v48 =	vld [tilespmem:s19+$0x0];
	v6 =	vsel vm2, v50, v6;
	v37 =	vsel vm0, v60, v56;
	v18 =	vsel vm0, v56, v18  }
0x14f: {  	v20 =	vld [tilespmem:s20+$0x0];
	v28 =	vsel vm0, v52, v55;
	v30 =	vsel vm0, v55, v62;
	v60 =	vsel vm1, v15, v13  }
0x150: {  	v22 =	vperm.xlane v22, v1;
	v55 =	vsel vm1, v36, v38;
	v38 =	vsel vm2, v39, v16  }
0x151: {  	v47 =	vsel vm2, v5, v47;
	v58 =	vsel vm1, v40, v37;
	v59 =	vsel vm1, v42, v18  }
0x152: {  	v60 =	vperm.xlane v60, v1;
	v29 =	vsel vm1, v29, v9;
	v51 =	vsel vm1, v9, v33  }
0x153: {  	v31 =	vsel vm1, v31, v34;
	v52 =	vsel vm1, v34, v35;
	v7 =	vsel vm3, v47, v6  }
0x154: {  	v12 =	vsel vm0, v20, v48;
	v36 =	vsel vm1, v45, v22;
	v58 =	vperm.xlane v58, v1  }
0x155: {  	v59 =	vperm.xlane v59, v1;
	v23 =	vsel vm1, v22, v23;
	v7 =	vperm.xlane v7, v3  }
0x156: {  	v57 =	vperm.xlane v12, v0;
	v45 =	vsel vm1, v60, v15;
	v37 =	vsel vm1, v37, v58  }
0x157: {  	v40 =	vsel vm1, v58, v40;
	v18 =	vsel vm1, v18, v59;
	v42 =	vsel vm1, v59, v42  }
0x158: {  	v58 =	vperm.xlane v38, v2;
	v12 =	vsel vm3, v7, v47;
	v25 =	vsel vm0, v48, v57  }
0x159: {  	s1 =	sadd.s32 $0x16400, s1;
	s23 =	sshll.u32 s9, $0x7;
	v20 =	vsel vm0, v57, v20;
	v57 =	vsel vm1, v27, v21;
	v47 =	vsel vm1, v11, v24  }
0x15a: {  	s3 =	sor.u32 s23, s1;
	v61 =	vsel vm1, v28, v25;
	v62 =	vsel vm1, v30, v20;
	v32 =	vperm.xlane v57, v1  }
0x15b: {  	s28 =	sor.u32 s0, s3;
	v57 =	vsel vm1, v26, v8;
	v22 =	vperm.xlane v47, v1;
	v16 =	vsel vm2, v16, v58  }
0x15c: {  	[tilespmem:s28+$0xF80] =	vst v12;
	v12 =	vsel vm2, v58, v39;
	v46 =	vsel vm1, v21, v32;
	v21 =	vperm.xlane v61, v1  }
0x15d: {  	v61 =	vperm.xlane v63, v1;
	v32 =	vsel vm1, v32, v27;
	v27 =	vperm.xlane v62, v1  }
0x15e: {  	v62 =	vperm.xlane v57, v1;
	v43 =	vsel vm1, v24, v22;
	v53 =	vsel vm1, v22, v11  }
0x15f: {  	v11 =	vsel vm1, v13, v60;
	v10 =	vsel vm2, v31, v46;
	v22 =	vsel vm2, v52, v32  }
0x160: {  	v33 =	vsel vm2, v45, v53;
	v17 =	vsel vm1, v17, v61;
	v9 =	vsel vm1, v61, v19  }
0x161: {  	v15 =	vsel vm1, v25, v21;
	v19 =	vsel vm1, v21, v28;
	v20 =	vsel vm1, v20, v27  }
0x162: {  	v41 =	vsel vm1, v27, v30;
	v44 =	vsel vm1, v8, v62;
	v8 =	vsel vm2, v29, v36  }
0x163: {  	v13 =	vsel vm1, v62, v26;
	v21 =	vsel vm2, v51, v23;
	v28 =	vsel vm2, v11, v43  }
0x164: {  	v30 =	vsel vm2, v14, v55;
	v10 =	vperm.xlane v10, v2;
	v56 =	vperm.xlane v22, v2  }
0x165: {  	v24 =	vsel vm2, v15, v37;
	v25 =	vsel vm2, v20, v18;
	v26 =	vsel vm2, v19, v40  }
0x166: {  	v27 =	vsel vm2, v41, v42;
	v34 =	vsel vm2, v44, v17;
	v63 =	vperm.xlane v8, v2  }
0x167: {  	v48 =	vsel vm2, v13, v9;
	v54 =	vperm.xlane v21, v2;
	v61 =	vperm.xlane v28, v2  }
0x168: {  	v8 =	vsel vm2, v49, v50;
	v62 =	vperm.xlane v30, v2;
	v49 =	vperm.xlane v25, v2  }
0x169: {  	v26 =	vperm.xlane v26, v2;
	v60 =	vperm.xlane v27, v2;
	v25 =	vsel vm2, v46, v10  }
0x16a: {  	v22 =	vsel vm2, v10, v31;
	v10 =	vperm.xlane v33, v2;
	v30 =	vsel vm2, v32, v56  }
0x16b: {  	v35 =	vsel vm2, v36, v63;
	v36 =	vperm.xlane v24, v2;
	v21 =	vsel vm2, v63, v29  }
0x16c: {  	v63 =	vperm.xlane v34, v2;
	v33 =	vsel vm2, v23, v54;
	v34 =	vperm.xlane v48, v2  }
0x16d: {  	v27 =	vsel vm2, v54, v51;
	v24 =	vsel vm2, v56, v52;
	v28 =	vsel vm2, v49, v20  }
0x16e: {  	v32 =	vsel vm2, v40, v26;
	v23 =	vsel vm2, v26, v19;
	v31 =	vsel vm2, v42, v60  }
0x16f: {  	v26 =	vsel vm2, v60, v41;
	v19 =	vsel vm2, v43, v61;
	v20 =	vsel vm2, v55, v62  }
0x170: {  	s22 =	sshll.u32 s11, $0x7;
	v38 =	vsel vm2, v37, v36;
	v29 =	vsel vm2, v36, v15;
	v36 =	vsel vm2, v18, v49  }
0x171: {  	s29 =	simm.s32 $0x0;
	s30 =	simm.s32 $0x0;
	s1 =	sor.u32 s22, s1;
	v15 =	vsel vm2, v61, v11;
	v11 =	vsel vm2, v62, v14;
	v18 =	vsel vm2, v53, v10  }
0x172: {  	s31 =	simm.s32 $0x0;
	s0 =	sor.u32 s0, s1;
	s1 =	simm.s32 $0x0;
	v10 =	vsel vm2, v10, v45;
	v17 =	vsel vm2, v17, v63;
	v14 =	vsel vm2, v63, v44  }
.LBB2_5:
0x173: {  	v39 =	vsel vm3, v32, v33  }
0x174: {  	v41 =	vsel vm3, v29, v21;
	v39 =	vperm.xlane v39, v3  }
0x175: {  	s2 =	rddreg [dreg:$0x4];
	v42 =	vsel vm3, v28, v22;
	v41 =	vperm.xlane v41, v3  }
0x176: {  	s25 =	sadd.s32 $0x100, s25;
	s30 =	sadd.s32 $0x1000, s30;
	s31 =	sadd.s32 $0x4, s31;
	v44 =	vsel vm3, v26, v24;
	v42 =	vperm.xlane v42, v3;
	v60 =	vsel vm3, v33, v39  }
0x177: {  	s1 =	sadd.s32 $0x20, s1;
	s9 =	sand.u32 $0x70, s31;
	s11 =	sand.u32 $0x2000, s30;
	v55 =	vperm.xlane v44, v3;
	v21 =	vsel vm3, v21, v41;
	[tilespmem:s28+$0x100] =	vst v60  }
0x178: {  	v4 =	vsel vm2, v4, v5;
	s12 =	sand.u32 $0x20, s1;
	s2 =	sadd.s32 s11, s2;
	s3 =	sshll.u32 s9, $0x6;
	v22 =	vsel vm3, v22, v42;
	[tilespmem:s28+$0x200] =	vst v21  }
0x179: {  	v40 =	vsel vm3, v31, v30;
	v50 =	vsel vm3, v12, v11;
	s4 =	sor.u32 $0x300, s25;
	s15 =	sor.u32 $0x10, s12;
	s3 =	sadd.s32 s3, s2;
	v24 =	vsel vm3, v24, v55;
	[tilespmem:s28+$0x280] =	vst v22  }
0x17a: {  	s5 =	sor.u32 $0x340, s25;
	v40 =	vperm.xlane v40, v3;
	v62 =	vperm.xlane v50, v3;
	s4 =	sadd.s32 s4, s2;
	v50 =	vsel vm3, v39, v32;
	s6 =	sadd.s32 s15, s3;
	[tilespmem:s28+$0x380] =	vst v24  }
0x17b: {  	v6 =	vsel vm3, v6, v7;
	v37 =	vsel vm2, v9, v34;
	v9 =	vsel vm3, v38, v35;
	s13 =	sor.u32 $0x380, s25;
	s16 =	sadd.s32 s5, s2;
	s14 =	sadd.s32 s15, s4;
	[tilespmem:s28+$0x500] =	vst v50;
	v5 =	vld [tilespmem:s6+$0x0]  }
0x17c: {  	s7 =	sor.u32 $0x3C0, s25;
	v52 =	vperm.xlane v9, v3;
	s5 =	sadd.s32 s13, s2;
	v31 =	vsel vm3, v40, v31;
	s17 =	sadd.s32 s15, s16;
	v9 =	vld [tilespmem:s14+$0x0];
	[tilespmem:s28+$0xB80] =	vst v6  }
0x17d: {  	v34 =	vsel vm2, v34, v13;
	v13 =	vsel vm3, v36, v25;
	s7 =	sadd.s32 s7, s2;
	v29 =	vsel vm3, v41, v29;
	s18 =	sadd.s32 s15, s5;
	[tilespmem:s28+$0x580] =	vst v31;
	v6 =	vld [tilespmem:s17+$0x0]  }
0x17e: {  	v53 =	vperm.xlane v13, v3;
	v7 =	vsel vm3, v35, v52;
	s19 =	sadd.s32 $0x40, s3;
	s20 =	sadd.s32 s15, s7;
	[tilespmem:s28+$0x600] =	vst v29;
	v13 =	vld [tilespmem:s18+$0x0]  }
0x17f: {  	v54 =	vsel vm3, v52, v38;
	s21 =	sadd.s32 $0x80, s3;
	[tilespmem:s28+$0x0] =	vst v7;
	s6 =	sadd.s32 s15, s19;
	v7 =	vld [tilespmem:s20+$0x0]  }
0x180: {  	v43 =	vsel vm3, v23, v27;
	v25 =	vsel vm3, v25, v53;
	s22 =	sadd.s32 $0xC0, s3;
	s14 =	sadd.s32 s12, s4;
	[tilespmem:s28+$0x400] =	vst v54;
	s4 =	sadd.s32 s15, s21;
	v35 =	vld [tilespmem:s6+$0x0]  }
0x181: {  	v38 =	vperm.xlane v43, v3;
	v57 =	vsel vm3, v53, v36;
	[tilespmem:s28+$0x80] =	vst v25;
	s2 =	sadd.s32 s15, s22;
	s17 =	sadd.s32 $0x100, s3;
	v25 =	vld [tilespmem:s4+$0x0]  }
0x182: {  	v52 =	vsel vm3, v30, v40;
	s8 =	sadd.s32 s12, s21;
	[tilespmem:s28+$0x480] =	vst v57;
	s18 =	sadd.s32 $0x140, s3;
	v63 =	vld [tilespmem:s2+$0x0];
	s21 =	sadd.s32 s15, s17  }
0x183: {  	[tilespmem:s28+$0x180] =	vst v52;
	v27 =	vsel vm3, v27, v38;
	s20 =	sadd.s32 s12, s18;
	s18 =	sadd.s32 s15, s18;
	v30 =	vld [tilespmem:s21+$0x0]  }
0x184: {  	s10 =	sadd.s32 s12, s19;
	s23 =	sadd.s32 s12, s22;
	s22 =	sadd.s32 $0x180, s3;
	[tilespmem:s28+$0x300] =	vst v27;
	v54 =	vld [tilespmem:s18+$0x0]  }
0x185: {  	v45 =	vsel vm3, v17, v19;
	v46 =	vsel vm3, v16, v20;
	v49 =	vsel vm3, v14, v15;
	s4 =	sadd.s32 $0x1C0, s3;
	s21 =	sadd.s32 s15, s22;
	v33 =	vld [tilespmem:s10+$0x0]  }
0x186: {  	v48 =	vsel vm3, v4, v8;
	v56 =	vperm.xlane v45, v3;
	v45 =	vperm.xlane v46, v3;
	s19 =	sadd.s32 s12, s17;
	s17 =	sadd.s32 $0x200, s3;
	s18 =	sadd.s32 s15, s4;
	v21 =	vld [tilespmem:s21+$0x0]  }
0x187: {  	v61 =	vperm.xlane v49, v3;
	v28 =	vsel vm3, v42, v28;
	v26 =	vsel vm3, v55, v26;
	s2 =	sadd.s32 s12, s22;
	s22 =	sadd.s32 s15, s17;
	v55 =	vld [tilespmem:s18+$0x0]  }
0x188: {  	v51 =	vsel vm3, v34, v10;
	s6 =	sadd.s32 $0x240, s3;
	v27 =	vsel vm3, v19, v56;
	v56 =	vsel vm3, v56, v17;
	[tilespmem:s28+$0x680] =	vst v28;
	v17 =	vld [tilespmem:s22+$0x0]  }
0x189: {  	v47 =	vsel vm3, v37, v18;
	v53 =	vperm.xlane v51, v3;
	v23 =	vsel vm3, v38, v23;
	s22 =	sadd.s32 s15, s6;
	v28 =	vld [tilespmem:s8+$0x0]  }
0x18a: {  	v59 =	vperm.xlane v48, v3;
	v58 =	vperm.xlane v47, v3;
	s21 =	sadd.s32 s12, s4;
	s4 =	sadd.s32 $0x280, s3;
	[tilespmem:s28+$0x700] =	vst v23;
	v57 =	vld [tilespmem:s22+$0x0]  }
0x18b: {  	v20 =	vsel vm3, v20, v45;
	v16 =	vsel vm3, v45, v16;
	v29 =	vsel vm3, v53, v34;
	s18 =	sadd.s32 s15, s4;
	v34 =	vld [tilespmem:s23+$0x0]  }
0x18c: {  	v42 =	vsel vm3, v62, v12;
	v41 =	vsel vm3, v59, v4;
	v4 =	vsel vm3, v15, v61;
	[tilespmem:s28+$0x780] =	vst v26;
	v15 =	vld [tilespmem:s18+$0x0]  }
0x18d: {  	v31 =	vsel vm3, v61, v14;
	v18 =	vsel vm3, v18, v58;
	v24 =	vsel vm3, v58, v37;
	v48 =	vld [tilespmem:s2+$0x0]  }
0x18e: {  	s13 =	sadd.s32 s12, s3;
	v58 =	vsel vm3, v8, v59;
	v59 =	vsel vm3, v11, v62;
	v10 =	vsel vm3, v10, v53;
	s3 =	sadd.s32 $0x2C0, s3;
	s22 =	sadd.s32 s12, s4;
	v51 =	vld [tilespmem:s21+$0x0]  }
0x18f: {  	s18 =	sadd.s32 s15, s3;
	v8 =	vsel vm0, v6, v9;
	v12 =	vsel vm0, v35, v5;
	v14 =	vsel vm0, v63, v25;
	v36 =	vld [tilespmem:s22+$0x0]  }
0x190: {  	s3 =	sadd.s32 s12, s3;
	v11 =	vld [tilespmem:s18+$0x0];
	v19 =	vperm.xlane v8, v0;
	v8 =	vsel vm0, v7, v13;
	v60 =	vperm.xlane v12, v0  }
0x191: {  	v44 =	vperm.xlane v14, v0;
	v49 =	vld [tilespmem:s3+$0x0];
	v22 =	vperm.xlane v8, v0;
	v8 =	vsel vm0, v54, v30  }
0x192: {  	v12 =	vsel vm0, v55, v21;
	v45 =	vperm.xlane v8, v0;
	v23 =	vsel vm0, v60, v35  }
0x193: {  	v26 =	vld [tilespmem:s19+$0x0];
	v43 =	vsel vm0, v5, v60;
	v25 =	vsel vm0, v25, v44;
	v8 =	vsel vm0, v57, v17  }
0x194: {  	[tilespmem:s0+$0x0] =	vst v27;
	v27 =	vld [tilespmem:s20+$0x0];
	v46 =	vperm.xlane v12, v0;
	v13 =	vsel vm0, v13, v22;
	v47 =	vperm.xlane v8, v0  }
0x195: {  	[tilespmem:s28+$0x980] =	vst v58;
	v14 =	vsel vm0, v45, v54;
	v58 =	vsel vm0, v51, v48;
	v30 =	vsel vm0, v30, v45  }
0x196: {  	v8 =	vsel vm0, v11, v15;
	v61 =	vsel vm0, v46, v55;
	v60 =	vsel vm0, v49, v36  }
0x197: {  	v21 =	vsel vm0, v21, v46;
	v50 =	vperm.xlane v8, v0;
	v8 =	vsel vm0, v19, v6  }
0x198: {  	v6 =	vsel vm0, v22, v7;
	v7 =	vsel vm0, v44, v63;
	v12 =	vsel vm0, v47, v57  }
0x199: {  	s17 =	sadd.s32 s12, s17;
	[tilespmem:s28+$0x880] =	vst v20;
	v63 =	vsel vm0, v34, v28;
	v57 =	vsel vm0, v27, v26;
	v52 =	vperm.xlane v60, v0  }
0x19a: {  	s6 =	sadd.s32 s12, s6;
	v32 =	vld [tilespmem:s17+$0x0];
	[tilespmem:s28+$0x900] =	vst v18;
	v17 =	vsel vm0, v17, v47;
	v19 =	vsel vm0, v9, v19;
	v18 =	vsel vm1, v6, v8  }
0x19b: {  	s16 =	sadd.s32 s12, s16;
	v37 =	vld [tilespmem:s6+$0x0];
	[tilespmem:s28+$0xA00] =	vst v4;
	v20 =	vsel vm1, v7, v23;
	v35 =	vperm.xlane v63, v0;
	v40 =	vperm.xlane v57, v0  }
0x19c: {  	[tilespmem:s28+$0xD00] =	vst v24;
	v24 =	vld [tilespmem:s16+$0x0];
	v4 =	vsel vm0, v50, v11;
	v11 =	vperm.xlane v18, v1;
	v38 =	vperm.xlane v20, v1  }
0x19d: {  	[tilespmem:s28+$0xE80] =	vst v42;
	v55 =	vld [tilespmem:s14+$0x0];
	v18 =	vsel vm1, v61, v14;
	v36 =	vsel vm0, v36, v52;
	v42 =	vsel vm0, v52, v49  }
0x19e: {  	s5 =	sadd.s32 s12, s5;
	v39 =	vld [tilespmem:s13+$0x0];
	v15 =	vsel vm0, v15, v50;
	v62 =	vsel vm1, v4, v12;
	v20 =	vperm.xlane v18, v1  }
0x19f: {  	s7 =	sadd.s32 s12, s7;
	[tilespmem:s28+$0xD80] =	vst v41;
	v41 =	vld [tilespmem:s5+$0x0];
	v28 =	vsel vm0, v28, v35;
	v34 =	vsel vm0, v35, v34;
	v26 =	vsel vm0, v26, v40  }
0x1a0: {  	[tilespmem:s28+$0xE00] =	vst v31;
	v31 =	vld [tilespmem:s7+$0x0];
	v27 =	vsel vm0, v40, v27;
	v18 =	vperm.xlane v62, v1;
	v54 =	vsel vm1, v11, v6  }
0x1a1: {  	[tilespmem:s28+$0xB00] =	vst v10;
	v10 =	vsel vm1, v38, v7;
	v7 =	vsel vm0, v37, v32;
	v62 =	vperm.xlane v58, v0  }
0x1a2: {  	v57 =	vsel vm0, v24, v55;
	v58 =	vsel vm1, v21, v30;
	v6 =	vsel vm1, v20, v61  }
0x1a3: {  	[tilespmem:s28+$0xC00] =	vst v56;
	v61 =	vsel vm0, v33, v39;
	v56 =	vperm.xlane v7, v0;
	v60 =	vperm.xlane v57, v0  }
0x1a4: {  	[tilespmem:s28+$0xC80] =	vst v16;
	v57 =	vsel vm1, v25, v43;
	v14 =	vsel vm1, v14, v20;
	v4 =	vsel vm1, v18, v4  }
0x1a5: {  	[tilespmem:s28+$0xF00] =	vst v29;
	v16 =	vsel vm2, v6, v10;
	v29 =	vperm.xlane v61, v0;
	v61 =	vsel vm0, v31, v41  }
0x1a6: {  	v35 =	vsel vm0, v48, v62;
	v40 =	vsel vm0, v62, v51;
	v12 =	vsel vm1, v12, v18  }
0x1a7: {  	[tilespmem:s28+$0xA80] =	vst v59;
	v59 =	vsel vm2, v54, v4;
	v16 =	vperm.xlane v16, v2;
	v32 =	vsel vm0, v32, v56  }
0x1a8: {  	v37 =	vsel vm0, v56, v37;
	v44 =	vsel vm0, v55, v60;
	v24 =	vsel vm0, v60, v24  }
0x1a9: {  	v22 =	vsel vm1, v35, v26;
	v56 =	vsel vm1, v40, v27;
	v5 =	vperm.xlane v59, v2  }
0x1aa: {  	v39 =	vsel vm0, v39, v29;
	v29 =	vsel vm0, v29, v33;
	v33 =	vperm.xlane v61, v0  }
0x1ab: {  	v47 =	vsel vm1, v42, v37;
	v61 =	vsel vm1, v15, v17;
	v22 =	vperm.xlane v22, v1  }
0x1ac: {  	v45 =	vperm.xlane v56, v1;
	v56 =	vperm.xlane v58, v1;
	v6 =	vsel vm2, v16, v6  }
0x1ad: {  	v9 =	vsel vm1, v28, v39;
	v62 =	vsel vm1, v34, v29;
	v55 =	vperm.xlane v47, v1  }
0x1ae: {  	v58 =	vperm.xlane v61, v1;
	v47 =	vsel vm1, v8, v11;
	v54 =	vsel vm2, v5, v54  }
0x1af: {  	v41 =	vsel vm0, v41, v33;
	v31 =	vsel vm0, v33, v31;
	v9 =	vperm.xlane v9, v1  }
0x1b0: {  	v33 =	vperm.xlane v62, v1;
	v62 =	vsel vm1, v13, v19;
	v26 =	vsel vm1, v26, v22  }
0x1b1: {  	v50 =	vsel vm1, v22, v35;
	v22 =	vsel vm1, v27, v45;
	v40 =	vsel vm1, v45, v40  }
0x1b2: {  	v46 =	vsel vm1, v56, v21;
	v48 =	vsel vm2, v47, v12;
	v63 =	vsel vm3, v54, v6  }
0x1b3: {  	v59 =	vsel vm1, v41, v44;
	v60 =	vsel vm1, v31, v24;
	v17 =	vsel vm1, v17, v58  }
0x1b4: {  	v48 =	vperm.xlane v48, v2;
	v7 =	vperm.xlane v63, v3;
	v63 =	vsel vm1, v36, v32  }
0x1b5: {  	s23 =	sshll.u32 s12, $0x7;
	s22 =	sadd.s32 $0x16400, s11;
	v28 =	vsel vm1, v9, v28;
	v29 =	vsel vm1, v29, v33;
	v49 =	vsel vm1, v33, v34  }
0x1b6: {  	s2 =	sor.u32 s23, s22;
	v63 =	vperm.xlane v63, v1;
	v11 =	vsel vm2, v50, v28;
	v21 =	vsel vm2, v40, v49  }
0x1b7: {  	s28 =	sor.u32 s9, s2;
	v54 =	vsel vm3, v7, v54;
	v11 =	vperm.xlane v11, v2;
	v53 =	vperm.xlane v21, v2  }
0x1b8: {  	[tilespmem:s28+$0xF80] =	vst v54;
	v54 =	vsel vm1, v23, v38;
	v23 =	vsel vm1, v39, v9;
	v9 =	vperm.xlane v57, v1  }
0x1b9: {  	v8 =	vsel vm2, v22, v29;
	v57 =	vperm.xlane v59, v1;
	v59 =	vperm.xlane v60, v1  }
0x1ba: {  	v60 =	vperm.xlane v62, v1;
	v32 =	vsel vm1, v32, v63;
	v45 =	vsel vm1, v63, v36  }
0x1bb: {  	v36 =	vsel vm1, v37, v55;
	v37 =	vsel vm1, v55, v42;
	v63 =	vperm.xlane v8, v2  }
0x1bc: {  	v8 =	vsel vm2, v10, v16;
	v61 =	vsel vm2, v14, v54;
	v33 =	vsel vm2, v28, v11  }
0x1bd: {  	v39 =	vsel vm1, v43, v9;
	v42 =	vsel vm1, v9, v25;
	v43 =	vsel vm1, v30, v56  }
0x1be: {  	v9 =	vsel vm1, v58, v15;
	v15 =	vsel vm1, v44, v57;
	v20 =	vsel vm1, v57, v41  }
0x1bf: {  	v18 =	vsel vm1, v24, v59;
	v41 =	vsel vm1, v59, v31;
	v44 =	vsel vm1, v19, v60  }
0x1c0: {  	v19 =	vsel vm2, v26, v23;
	v13 =	vsel vm1, v60, v13;
	v61 =	vperm.xlane v61, v2  }
0x1c1: {  	v22 =	vsel vm2, v63, v22;
	v24 =	vsel vm2, v15, v32;
	v25 =	vsel vm2, v18, v36  }
0x1c2: {  	v27 =	vsel vm2, v20, v45;
	v30 =	vsel vm2, v41, v37;
	v31 =	vsel vm2, v43, v39  }
0x1c3: {  	v62 =	vsel vm2, v46, v42;
	v38 =	vsel vm2, v44, v17;
	v19 =	vperm.xlane v19, v2  }
0x1c4: {  	v52 =	vsel vm2, v13, v9;
	v10 =	vperm.xlane v24, v2;
	v16 =	vperm.xlane v25, v2  }
0x1c5: {  	v25 =	vsel vm2, v29, v63;
	v60 =	vperm.xlane v31, v2;
	v62 =	vperm.xlane v62, v2  }
0x1c6: {  	v63 =	vperm.xlane v38, v2;
	v34 =	vperm.xlane v52, v2;
	v24 =	vsel vm2, v53, v40  }
0x1c7: {  	v35 =	vsel vm2, v23, v19;
	v21 =	vsel vm2, v19, v26;
	v19 =	vperm.xlane v27, v2  }
0x1c8: {  	s29 =	sadd.s32 $0x2, s29;
	v26 =	vperm.xlane v30, v2;
	v27 =	vsel vm2, v11, v50;
	v30 =	vsel vm2, v49, v53  }
0x1c9: {  	p0 =	slt.u32 s29, $0x3E;
	v11 =	vsel vm2, v61, v14;
	v38 =	vsel vm2, v32, v10;
	v29 =	vsel vm2, v10, v15  }
.Ltmp1:
0x1ca: {  	v36 =	vsel vm2, v36, v16;
	v28 =	vsel vm2, v16, v18;
	v15 =	vsel vm2, v60, v43;
	(pc) =	sbr.rel @p0 .LBB2_5-.Ltmp1, $4  }
0x1cb: {  	v18 =	vsel vm2, v42, v62;
	v10 =	vsel vm2, v62, v46;
	v17 =	vsel vm2, v17, v63  }
0x1cc: {  	s15 =	sshll.u32 s15, $0x7;
	v14 =	vsel vm2, v63, v44;
	v16 =	vsel vm2, v12, v48;
	v12 =	vsel vm2, v48, v47  }
0x1cd: {  	s0 =	sor.u32 s15, s22;
	v32 =	vsel vm2, v45, v19;
	v23 =	vsel vm2, v19, v20;
	v31 =	vsel vm2, v37, v26  }
0x1ce: {  	s0 =	sor.u32 s9, s0;
	v26 =	vsel vm2, v26, v41;
	v19 =	vsel vm2, v39, v60;
	v20 =	vsel vm2, v54, v61  }
0x1cf: {  	v37 =	vsel vm3, v38, v35  }
0x1d0: {  	v37 =	vperm.xlane v37, v3  }
0x1d1: {  	v39 =	vsel vm3, v36, v25;
	v6 =	vsel vm3, v6, v7  }
0x1d2: {  	v55 =	vperm.xlane v39, v3;
	[tilespmem:s28+$0xB80] =	vst v6;
	v56 =	vsel vm3, v35, v37  }
0x1d3: {  	v58 =	vsel vm3, v31, v30;
	v37 =	vsel vm3, v37, v38;
	[tilespmem:s28+$0x0] =	vst v56  }
0x1d4: {  	v60 =	vsel vm3, v29, v21;
	v6 =	vperm.xlane v58, v3;
	v59 =	vsel vm3, v25, v55;
	[tilespmem:s28+$0x400] =	vst v37  }
0x1d5: {  	v62 =	vperm.xlane v60, v3;
	v7 =	vsel vm3, v55, v36;
	[tilespmem:s28+$0x80] =	vst v59  }
0x1d6: {  	v38 =	vsel vm3, v30, v6;
	[tilespmem:s28+$0x480] =	vst v7  }
0x1d7: {  	v4 =	vsel vm2, v4, v5;
	v5 =	vsel vm3, v17, v19;
	v40 =	vsel vm3, v21, v62;
	[tilespmem:s28+$0x180] =	vst v38  }
0x1d8: {  	v39 =	vsel vm3, v26, v24;
	v5 =	vperm.xlane v5, v3;
	v6 =	vsel vm3, v6, v31;
	[tilespmem:s28+$0x200] =	vst v40  }
0x1d9: {  	v41 =	vperm.xlane v39, v3;
	v46 =	vsel vm3, v62, v29;
	[tilespmem:s28+$0x580] =	vst v6  }
0x1da: {  	v52 =	vsel vm3, v19, v5;
	[tilespmem:s28+$0x600] =	vst v46  }
0x1db: {  	v57 =	vsel vm3, v32, v33;
	v44 =	vsel vm3, v24, v41;
	[tilespmem:s0+$0x0] =	vst v52  }
0x1dc: {  	v61 =	vsel vm3, v28, v22;
	v35 =	vperm.xlane v57, v3;
	v50 =	vsel vm3, v41, v26;
	[tilespmem:s28+$0x380] =	vst v44  }
0x1dd: {  	v25 =	vperm.xlane v61, v3;
	v5 =	vsel vm3, v5, v17;
	[tilespmem:s28+$0x780] =	vst v50  }
0x1de: {  	v9 =	vsel vm2, v9, v34;
	v63 =	vsel vm3, v33, v35;
	[tilespmem:s28+$0xC00] =	vst v5  }
0x1df: {  	v13 =	vsel vm2, v34, v13;
	v48 =	vsel vm3, v16, v20;
	v42 =	vsel vm3, v22, v25;
	[tilespmem:s28+$0x100] =	vst v63  }
0x1e0: {  	v49 =	vsel vm3, v9, v18;
	v21 =	vperm.xlane v48, v3;
	v45 =	vsel vm3, v35, v32;
	[tilespmem:s28+$0x280] =	vst v42  }
0x1e1: {  	v55 =	vsel vm3, v12, v11;
	v6 =	vperm.xlane v49, v3;
	v47 =	vsel vm3, v25, v28;
	[tilespmem:s28+$0x500] =	vst v45  }
0x1e2: {  	v57 =	vsel vm3, v13, v10;
	v19 =	vperm.xlane v55, v3;
	v54 =	vsel vm3, v20, v21;
	[tilespmem:s28+$0x680] =	vst v47  }
0x1e3: {  	v59 =	vperm.xlane v57, v3;
	v56 =	vsel vm3, v18, v6;
	[tilespmem:s28+$0x880] =	vst v54  }
0x1e4: {  	v61 =	vsel vm3, v11, v19;
	[tilespmem:s28+$0x900] =	vst v56  }
0x1e5: {  	v37 =	vsel vm3, v23, v27;
	v62 =	vsel vm3, v10, v59;
	[tilespmem:s28+$0xA80] =	vst v61  }
0x1e6: {  	v7 =	vperm.xlane v37, v3;
	v63 =	vsel vm3, v21, v16;
	[tilespmem:s28+$0xB00] =	vst v62  }
0x1e7: {  	v53 =	vsel vm3, v14, v15;
	v5 =	vsel vm3, v6, v9;
	[tilespmem:s28+$0xC80] =	vst v63  }
0x1e8: {  	v22 =	vperm.xlane v53, v3;
	v43 =	vsel vm3, v27, v7;
	[tilespmem:s28+$0xD00] =	vst v5  }
0x1e9: {  	v51 =	vsel vm3, v4, v8;
	v7 =	vsel vm3, v7, v23;
	[tilespmem:s28+$0x300] =	vst v43  }
0x1ea: {  	v60 =	vsel vm3, v15, v22;
	[tilespmem:s28+$0x700] =	vst v7;
	v7 =	vperm.xlane v51, v3  }
0x1eb: {  	v5 =	vsel vm3, v22, v14;
	[tilespmem:s28+$0xA00] =	vst v60  }
0x1ec: {  	[tilespmem:s28+$0xE00] =	vst v5;
	v58 =	vsel vm3, v8, v7  }
0x1ed: {  	s24 =	sadd.s32 $0x1, s24;
	v4 =	vsel vm3, v7, v4;
	[tilespmem:s28+$0x980] =	vst v58  }
0x1ee: {  	p0 =	sne.s32 s24, $0x32;
	[tilespmem:s28+$0xD80] =	vst v4  }
.Ltmp2:
0x1ef: {  	s29 =	sshll.u32 s26, $0x13;
	s1 =	rddreg [dreg:$0x7];
	(pc) =	sbr.rel @p0 .LBB2_2-.Ltmp2, $4  }
0x1f0: {  	v4 =	vsel vm3, v19, v12;
	s0 =	sor.u32 s1, s29  }
0x1f1: {  	s30 =	rddreg [dreg:$0x1];
	s31 =	simm.s32 $0x400;
	v5 =	vsel vm3, v59, v13;
	[tilespmem:s28+$0xE80] =	vst v4;
	s0 =	sshrl.u32 s0, $0x3  }
0x1f2: {  	s2 =	simm.s32 $0x8000;
	s3 =	simm.s32 $0x16400;
	[tilespmem:s28+$0xF00] =	vst v5;
	s0 =	sadd.s32 s30, s0  }
0x1f3: {  	[hbm4b:s0+s31] =	stream.strided.scatter [tilespmem:s3], [sflag:$0x5], $0x4000, s2, s31, $0x38;
	[tilespmem:$0x1A400] =	vst v63  }
0x1f4: {  	s0 =	simm.s32 $0x4  }
0x1f5: {  	_ =	swait.ge [sflag:s0], $0x4000  }
0x1f6: {  	[sflag:s0] =	ssyncset.done $0x0  }
0x1f7: {  	s1 =	simm.s32 $0x5;
	[sflag:s0] =	ssyncadd.s32 $0xFFFFC000  }
0x1f8: {  	_ =	swait.ge [sflag:s1], $0x4000  }
0x1f9: {  	s2 =	rddreg [dreg:$0x9]  }
0x1fa: {  	s31 =	rddreg [dreg:$0x8];
	s2 =	sadd.s32 $0x1, s2  }
0x1fb: {  	p0 =	sne.s32 s2, s31  }
.Ltmp3:
0x1fc: {  	_ = 	snop;
	(pc) =	sbr.rel @p0 .LBB2_1-.Ltmp3, $3  }
0x1fd: {  	_ =	sdelay $0x1  }
0x1fe: {  	[sflag:s1] =	ssyncset.done $0x0  }
0x1ff: {  	[sflag:s1] =	ssyncadd.s32 $0xFFFFC000  }
0x200: {  	_ =	sfence.sel $0x180000  }
0x201: {  	[bflag:$0x0] =	sbarrier.arrive $0xFFFF  }
0x202: {  	_ =	strace $0x90000047  }
0x203: {  	s0 =	stileid.u32;
	[bflag:$0x2] =	sbarrier.arrive $0xFFFF  }
0x204: {  	p0 =	sne.s32 s0, $0x0;
	s0 =	rddreg [dreg:$0x2]  }
0x205: {  	s0 =	sadd.s32 @!p0 $0x100000, s0  }
0x206: {  	[sflag:s0] =	ssyncadd.tile.s32 @!p0 $0x1;
	_ =	shalt  }
.Lfunc_end2:
_tile_overlayer_lowered:
.L_overlay_start_2:
0x207: {  	(tag) =	ssettag $0x2  }
0x208: {  	s0 =	rddreg [dreg:$0x0];
	s2 =	stileid.u32  }
0x209: {  	s1 =	rddreg [dreg:$0x1];
	p0 =	sne.s32 s2, $0x0  }
0x20a: {  	s3 =	rddreg [dreg:$0x2];
	[bflag:$0x3] =	sbarrier.arrive $0xFFFF;
	s2 =	simm.s32 @!p0 $0x1C06  }
0x20b: {  	[timem:s3], [sflag:s2] =	dma.local @!p0 [hbm:s0], s1  }
0x20c: {  	s0 =	simm.s32 @!p0 $0x6  }
0x20d: {  	_ =	swait.ge @!p0 [sflag:s0], s1  }
0x20e: {  	s1 =	ssub.s32 @!p0 $0x0, s1;
	[sflag:s0] =	ssyncset.done @!p0 $0x0  }
0x20f: {  	[sflag:s0] =	ssyncadd.s32 @!p0 s1  }
0x210: {  	[bflag:$0x3] =	sbarrier.arrive $0xFFFF  }
0x211: {  	_ =	shalt  }

</sc_bundles>
